<compile_context>
chip_gen: v7x
topology: tpu7x:2x2x1
jax: 0.10.2.dev20260603
libtpu: 0.0.44.dev20260713+nightly
codegen_flags: <defaults>
</compile_context>

<pallas_src>
import functools

import jax
import jax.numpy as jnp
from jax import lax
from jax.experimental import pallas as pl
from jax.experimental.pallas import tpu as pltpu
from jax.experimental.pallas import tpu_sc as plsc

_NC = 2
_NS = 16
_NW = _NC * _NS


def _sc_gather_mean(idx, table):
    B, L = idx.shape
    _, D = table.shape
    bpw = B // _NW

    mesh = plsc.VectorSubcoreMesh(core_axis_name="c", subcore_axis_name="s")

    @functools.partial(
        pl.kernel,
        out_type=jax.ShapeDtypeStruct((B, D), jnp.float32),
        mesh=mesh,
        scratch_types=[
            pltpu.VMEM((bpw, L), jnp.int32),
            pltpu.VMEM((bpw, L, D), jnp.float32),
            pltpu.VMEM((bpw, D), jnp.float32),
            pltpu.SemaphoreType.DMA,
        ],
        compiler_params=pltpu.CompilerParams(use_tc_tiling_on_sc=False),
    )
    def gather_mean(idx_hbm, table_hbm, out_hbm, idx_v, rows_v, ctx_v, sem):
        wid = lax.axis_index("s") * _NC + lax.axis_index("c")
        base = wid * bpw
        pltpu.sync_copy(idx_hbm.at[pl.ds(base, bpw)], idx_v)
        copies = [
            pltpu.async_copy(table_hbm.at[idx_v.at[b]], rows_v.at[b], sem)
            for b in range(bpw)
        ]
        for c in copies:
            c.wait()

        scale = jnp.float32(1.0 / L)

        def pool_row(b, carry):
            for h in range(D // 16):
                acc = rows_v[b, 0, pl.ds(h * 16, 16)]
                for j in range(1, L):
                    acc = acc + rows_v[b, j, pl.ds(h * 16, 16)]
                ctx_v[b, pl.ds(h * 16, 16)] = acc * scale
            return carry

        lax.fori_loop(0, bpw, pool_row, 0)
        pltpu.sync_copy(ctx_v, out_hbm.at[pl.ds(base, bpw)])

    return gather_mean(idx, table)


def _sc_gather_mean_t(idx, table):
    B, L = idx.shape
    V, D = table.shape
    assert D == _NW
    idx_t = idx.T.reshape(L, B // 16, 16)
    tab_t = table.T
    G = B // 16
    gc = 16
    nchunk = G // gc

    mesh = plsc.VectorSubcoreMesh(core_axis_name="c", subcore_axis_name="s")

    @functools.partial(
        pl.kernel,
        out_type=jax.ShapeDtypeStruct((D, G, 16), jnp.float32),
        mesh=mesh,
        scratch_types=[
            pltpu.VMEM((V,), jnp.float32),
            pltpu.VMEM((2, L, gc, 16), jnp.int32),
            pltpu.VMEM((G, 16), jnp.float32),
            pltpu.SemaphoreType.DMA,
            pltpu.SemaphoreType.DMA,
            pltpu.SemaphoreType.DMA,
        ],
        compiler_params=pltpu.CompilerParams(
            use_tc_tiling_on_sc=False, needs_layout_passes=False
        ),
    )
    def gather_mean(idx_hbm, tab_hbm, out_hbm, row_v, idx_v, acc_v,
                    row_sem, sem0, sem1):
        d = lax.axis_index("s") * _NC + lax.axis_index("c")
        row_cp = pltpu.async_copy(tab_hbm.at[d], row_v, row_sem)
        sems = (sem0, sem1)
        idx_cp = [
            pltpu.async_copy(
                idx_hbm.at[:, pl.ds(c * gc, gc)], idx_v.at[c % 2], sems[c % 2]
            )
            if c < 2
            else None
            for c in range(nchunk)
        ]
        row_cp.wait()
        scale = jnp.float32(1.0 / L)

        def make_pool_group(buf, cbase):
            def pool_group(g, carry):
                acc = plsc.load_gather(row_v, [idx_v[buf, 0, g, :]])
                for j in range(1, L):
                    acc = acc + plsc.load_gather(row_v, [idx_v[buf, j, g, :]])
                acc_v[cbase + g, :] = acc * scale
                return carry
            return pool_group

        for c in range(nchunk):
            idx_cp[c].wait()
            lax.fori_loop(0, gc, make_pool_group(c % 2, c * gc), 0)
            if c + 2 < nchunk:
                idx_cp[c + 2] = pltpu.async_copy(
                    idx_hbm.at[:, pl.ds((c + 2) * gc, gc)],
                    idx_v.at[c % 2],
                    sems[c % 2],
                )
        pltpu.sync_copy(acc_v, out_hbm.at[d])

    return gather_mean(idx_t, tab_t).reshape(D, B)


def _tc_dense_t(ctx, W, b, bv):
    D, B = ctx.shape
    V = W.shape[1]
    ctx_t = ctx

    nsteps = pl.cdiv(V, bv)
    tail = V - (nsteps - 1) * bv
    nbuf = 6

    def mm(w_ref, ctx_ref, b_ref, out_ref, acc, sems):
        i = pl.program_id(0)
        s = lax.rem(i, nbuf)

        @pl.when(i >= nbuf)
        def _wait_prior():
            pltpu.make_async_copy(
                acc.at[s], out_ref.at[pl.ds((i - nbuf) * bv, bv)], sems.at[s]
            ).wait()

        bias = jnp.reshape(b_ref[...], (bv, 1))
        acc[s] = (
            lax.dot_general(
                w_ref[...],
                ctx_ref[...],
                dimension_numbers=(((0,), (0,)), ((), ())),
                preferred_element_type=jnp.float32,
            )
            + bias
        )

        @pl.when(i < nsteps - 1)
        def _start_full():
            pltpu.make_async_copy(
                acc.at[s], out_ref.at[pl.ds(i * bv, bv)], sems.at[s]
            ).start()

        @pl.when(i == nsteps - 1)
        def _finish():
            pltpu.make_async_copy(
                acc.at[s, pl.ds(0, tail)],
                out_ref.at[pl.ds(i * bv, tail)],
                sems.at[s],
            ).start()
            for step in range(nsteps - nbuf, nsteps):
                size = bv if step < nsteps - 1 else tail
                sj = step % nbuf
                pltpu.make_async_copy(
                    acc.at[sj, pl.ds(0, size)],
                    out_ref.at[pl.ds(step * bv, size)],
                    sems.at[sj],
                ).wait()

    out_t = pl.pallas_call(
        mm,
        grid=(nsteps,),
        in_specs=[
            pl.BlockSpec((D, bv), lambda i: (0, i)),
            pl.BlockSpec((D, B), lambda i: (0, 0)),
            pl.BlockSpec((bv,), lambda i: (i,)),
        ],
        out_specs=pl.BlockSpec(memory_space=pl.ANY),
        out_shape=jax.ShapeDtypeStruct((V, B), jnp.float32),
        scratch_shapes=[
            pltpu.VMEM((nbuf, bv, B), jnp.float32),
            pltpu.SemaphoreType.DMA((nbuf,)),
        ],
        compiler_params=pltpu.CompilerParams(
            dimension_semantics=("arbitrary",),
            vmem_limit_bytes=100 * 1024 * 1024,
        ),
    )(W, ctx_t, b)
    return out_t.T


def kernel(inputs, table, W, b):
    ctx_t = _sc_gather_mean_t(inputs.astype(jnp.int32), table)
    return _tc_dense_t(ctx_t, W, b, 2048)

# --- scband reference (transcript-rebuilt; emitter-appended) ---
"""Pipeline reference for scband-cbow-55705725829184 (READ-ONLY COPY).

The authoritative reference and input builder live on the scoring server;
editing this copy changes nothing except your own understanding.
"""

import jax, jax.numpy as jnp
import numpy as np

VOCAB = 100000
EMBED = 32
BATCH = 1024
CTX = 50

def setup_inputs(seed: int = 0) -> dict:
    key = jax.random.key(seed)
    k1, k2, k3, k4 = jax.random.split(key, 4)
    inputs = jax.random.randint(k1, (BATCH, CTX), 0, VOCAB, dtype=jnp.int64 if jax.config.jax_enable_x64 else jnp.int32)
    table = jax.random.normal(k2, (VOCAB, EMBED), dtype=jnp.float32) * 0.05
    W = jax.random.normal(k3, (EMBED, VOCAB), dtype=jnp.float32) * 0.05
    b = jnp.zeros((VOCAB,), dtype=jnp.float32)
    return {"inputs": inputs, "table": table, "W": W, "b": b}

def reference(inputs, table, W, b):
    # Embedding lookup (gather): [B, L] -> [B, L, D]
    embedded = jnp.take(table, inputs, axis=0)
    # CBOW mean over context window: [B, D]
    context_vector = jnp.mean(embedded, axis=1)
    # Dense projection to vocab logits: [B, V]
    logits = context_vector @ W + b
    return logits

if __name__ == "__main__":
    import jax
    _d = setup_inputs()
    print(jax.jit(kernel)(*tuple(_d.values())))

</pallas_src>

<mosaic_0001>
#map = affine_map<(d0, d1) -> (0, 0, 0)>
#map1 = affine_map<(d0, d1) -> (0, 0)>
module attributes {stable_mosaic.version = 14 : i64} {
  func.func @gather_mean(%arg0: i32, %arg1: i32, %arg2: memref<50x64x16xi32, #tpu.memory_space<hbm>>, %arg3: memref<32x100000xf32, #tpu.memory_space<hbm>>, %arg4: memref<32x64x16xf32, #tpu.memory_space<hbm>>, %arg5: memref<100000xf32, #tpu.memory_space<vmem>>, %arg6: memref<2x50x16x16xi32, #tpu.memory_space<vmem>>, %arg7: memref<64x16xf32, #tpu.memory_space<vmem>>, %arg8: memref<!tpu.dma_semaphore, #tpu.memory_space<semaphore_mem>>, %arg9: memref<!tpu.dma_semaphore, #tpu.memory_space<semaphore_mem>>, %arg10: memref<!tpu.dma_semaphore, #tpu.memory_space<semaphore_mem>>) attributes {dimension_semantics = [#tpu.dimension_semantics<core_parallel>, #tpu.dimension_semantics<subcore_parallel>], iteration_bounds = array<i64: 2, 16>, scalar_prefetch = 0 : i64, scratch_operands = 6 : i64, tpu.core_type = #tpu.core_type<sc_vector_subcore>, window_params = [{transform_indices = #map}, {transform_indices = #map1}, {transform_indices = #map}]} {
    %mul3A = arith.constant 2 : i32
    %mul3A_0 = arith.muli %arg1, %mul3A : i32
    %add3A = arith.addi %mul3A_0, %arg0 : i32
    %dma_start3A = arith.constant 0 : i32
    %dma_start3A_1 = tpu.memref_slice %arg3[%add3A, %dma_start3A] : memref<32x100000xf32, #tpu.memory_space<hbm>> -> memref<1x100000xf32, #tpu.memory_space<hbm>>
    %dma_start3A_2 = tpu.memref_squeeze %dma_start3A_1 : memref<1x100000xf32, #tpu.memory_space<hbm>> -> memref<100000xf32, #tpu.memory_space<hbm>>
    %dma_start3A_3 = arith.constant 0 : i32
    %dma_start3A_4 = tpu.memref_slice %arg3[%add3A, %dma_start3A_3] : memref<32x100000xf32, #tpu.memory_space<hbm>> -> memref<1x100000xf32, #tpu.memory_space<hbm>>
    %dma_start3A_5 = tpu.memref_squeeze %dma_start3A_4 : memref<1x100000xf32, #tpu.memory_space<hbm>> -> memref<100000xf32, #tpu.memory_space<hbm>>
    tpu.enqueue_dma source(%dma_start3A_5 : memref<100000xf32, #tpu.memory_space<hbm>>) target(%arg5 : memref<100000xf32, #tpu.memory_space<vmem>>) target_semaphore(%arg8 : memref<!tpu.dma_semaphore, #tpu.memory_space<semaphore_mem>>)
    %dma_start3A_6 = arith.constant 0 : i32
    %dma_start3A_7 = arith.constant 0 : i32
    %dma_start3A_8 = arith.constant 0 : i32
    %dma_start3A_9 = arith.constant 0 : i32
    %dma_start3A_10 = tpu.memref_slice %arg6[%dma_start3A_6, %dma_start3A_7, %dma_start3A_8, %dma_start3A_9] : memref<2x50x16x16xi32, #tpu.memory_space<vmem>> -> memref<1x50x16x16xi32, #tpu.memory_space<vmem>>
    %dma_start3A_11 = tpu.memref_squeeze %dma_start3A_10 : memref<1x50x16x16xi32, #tpu.memory_space<vmem>> -> memref<50x16x16xi32, #tpu.memory_space<vmem>>
    %dma_start3A_12 = arith.constant 0 : i32
    %dma_start3A_13 = arith.constant 0 : i32
    %dma_start3A_14 = arith.constant 0 : i32
    %dma_start3A_15 = tpu.memref_slice %arg2[%dma_start3A_12, %dma_start3A_13, %dma_start3A_14] : memref<50x64x16xi32, #tpu.memory_space<hbm>> -> memref<50x16x16xi32, #tpu.memory_space<hbm>>
    %dma_start3A_16 = arith.constant 0 : i32
    %dma_start3A_17 = arith.constant 0 : i32
    %dma_start3A_18 = arith.constant 0 : i32
    %dma_start3A_19 = tpu.memref_slice %arg6[%dma_start3A_6, %dma_start3A_16, %dma_start3A_17, %dma_start3A_18] : memref<2x50x16x16xi32, #tpu.memory_space<vmem>> -> memref<1x50x16x16xi32, #tpu.memory_space<vmem>>
    %dma_start3A_20 = tpu.memref_squeeze %dma_start3A_19 : memref<1x50x16x16xi32, #tpu.memory_space<vmem>> -> memref<50x16x16xi32, #tpu.memory_space<vmem>>
    %dma_start3A_21 = arith.constant 0 : i32
    %dma_start3A_22 = arith.constant 0 : i32
    %dma_start3A_23 = arith.constant 0 : i32
    %dma_start3A_24 = tpu.memref_slice %arg2[%dma_start3A_21, %dma_start3A_22, %dma_start3A_23] : memref<50x64x16xi32, #tpu.memory_space<hbm>> -> memref<50x16x16xi32, #tpu.memory_space<hbm>>
    tpu.enqueue_dma source(%dma_start3A_24 : memref<50x16x16xi32, #tpu.memory_space<hbm>>) target(%dma_start3A_20 : memref<50x16x16xi32, #tpu.memory_space<vmem>>) target_semaphore(%arg9 : memref<!tpu.dma_semaphore, #tpu.memory_space<semaphore_mem>>)
    %dma_start3A_25 = arith.constant 1 : i32
    %dma_start3A_26 = arith.constant 0 : i32
    %dma_start3A_27 = arith.constant 0 : i32
    %dma_start3A_28 = arith.constant 0 : i32
    %dma_start3A_29 = tpu.memref_slice %arg6[%dma_start3A_25, %dma_start3A_26, %dma_start3A_27, %dma_start3A_28] : memref<2x50x16x16xi32, #tpu.memory_space<vmem>> -> memref<1x50x16x16xi32, #tpu.memory_space<vmem>>
    %dma_start3A_30 = tpu.memref_squeeze %dma_start3A_29 : memref<1x50x16x16xi32, #tpu.memory_space<vmem>> -> memref<50x16x16xi32, #tpu.memory_space<vmem>>
    %dma_start3A_31 = arith.constant 0 : i32
    %dma_start3A_32 = arith.constant 16 : i32
    %dma_start3A_33 = arith.constant 0 : i32
    %dma_start3A_34 = tpu.memref_slice %arg2[%dma_start3A_31, %dma_start3A_32, %dma_start3A_33] : memref<50x64x16xi32, #tpu.memory_space<hbm>> -> memref<50x16x16xi32, #tpu.memory_space<hbm>>
    %dma_start3A_35 = arith.constant 0 : i32
    %dma_start3A_36 = arith.constant 0 : i32
    %dma_start3A_37 = arith.constant 0 : i32
    %dma_start3A_38 = tpu.memref_slice %arg6[%dma_start3A_25, %dma_start3A_35, %dma_start3A_36, %dma_start3A_37] : memref<2x50x16x16xi32, #tpu.memory_space<vmem>> -> memref<1x50x16x16xi32, #tpu.memory_space<vmem>>
    %dma_start3A_39 = tpu.memref_squeeze %dma_start3A_38 : memref<1x50x16x16xi32, #tpu.memory_space<vmem>> -> memref<50x16x16xi32, #tpu.memory_space<vmem>>
    %dma_start3A_40 = arith.constant 0 : i32
    %dma_start3A_41 = arith.constant 16 : i32
    %dma_start3A_42 = arith.constant 0 : i32
    %dma_start3A_43 = tpu.memref_slice %arg2[%dma_start3A_40, %dma_start3A_41, %dma_start3A_42] : memref<50x64x16xi32, #tpu.memory_space<hbm>> -> memref<50x16x16xi32, #tpu.memory_space<hbm>>
    tpu.enqueue_dma source(%dma_start3A_43 : memref<50x16x16xi32, #tpu.memory_space<hbm>>) target(%dma_start3A_39 : memref<50x16x16xi32, #tpu.memory_space<vmem>>) target_semaphore(%arg10 : memref<!tpu.dma_semaphore, #tpu.memory_space<semaphore_mem>>)
    %dma_wait3A = arith.constant 0 : i32
    %dma_wait3A_44 = tpu.memref_slice %arg3[%add3A, %dma_wait3A] : memref<32x100000xf32, #tpu.memory_space<hbm>> -> memref<1x100000xf32, #tpu.memory_space<hbm>>
    %dma_wait3A_45 = tpu.memref_squeeze %dma_wait3A_44 : memref<1x100000xf32, #tpu.memory_space<hbm>> -> memref<100000xf32, #tpu.memory_space<hbm>>
    %dma_wait3A_46 = arith.constant 0 : i32
    %dma_wait3A_47 = tpu.memref_slice %arg3[%add3A, %dma_wait3A_46] : memref<32x100000xf32, #tpu.memory_space<hbm>> -> memref<1x100000xf32, #tpu.memory_space<hbm>>
    %dma_wait3A_48 = tpu.memref_squeeze %dma_wait3A_47 : memref<1x100000xf32, #tpu.memory_space<hbm>> -> memref<100000xf32, #tpu.memory_space<hbm>>
    tpu.wait_dma2 semaphore(%arg8 : memref<!tpu.dma_semaphore, #tpu.memory_space<semaphore_mem>>) src(%dma_wait3A_48 : memref<100000xf32, #tpu.memory_space<hbm>>) dst(%arg5 : memref<100000xf32, #tpu.memory_space<vmem>>)
    %dma_wait3A_49 = arith.constant 0 : i32
    %dma_wait3A_50 = arith.constant 0 : i32
    %dma_wait3A_51 = arith.constant 0 : i32
    %dma_wait3A_52 = arith.constant 0 : i32
    %dma_wait3A_53 = tpu.memref_slice %arg6[%dma_wait3A_49, %dma_wait3A_50, %dma_wait3A_51, %dma_wait3A_52] : memref<2x50x16x16xi32, #tpu.memory_space<vmem>> -> memref<1x50x16x16xi32, #tpu.memory_space<vmem>>
    %dma_wait3A_54 = tpu.memref_squeeze %dma_wait3A_53 : memref<1x50x16x16xi32, #tpu.memory_space<vmem>> -> memref<50x16x16xi32, #tpu.memory_space<vmem>>
    %dma_wait3A_55 = arith.constant 0 : i32
    %dma_wait3A_56 = arith.constant 0 : i32
    %dma_wait3A_57 = arith.constant 0 : i32
    %dma_wait3A_58 = tpu.memref_slice %arg2[%dma_wait3A_55, %dma_wait3A_56, %dma_wait3A_57] : memref<50x64x16xi32, #tpu.memory_space<hbm>> -> memref<50x16x16xi32, #tpu.memory_space<hbm>>
    %dma_wait3A_59 = arith.constant 0 : i32
    %dma_wait3A_60 = arith.constant 0 : i32
    %dma_wait3A_61 = arith.constant 0 : i32
    %dma_wait3A_62 = tpu.memref_slice %arg6[%dma_wait3A_49, %dma_wait3A_59, %dma_wait3A_60, %dma_wait3A_61] : memref<2x50x16x16xi32, #tpu.memory_space<vmem>> -> memref<1x50x16x16xi32, #tpu.memory_space<vmem>>
    %dma_wait3A_63 = tpu.memref_squeeze %dma_wait3A_62 : memref<1x50x16x16xi32, #tpu.memory_space<vmem>> -> memref<50x16x16xi32, #tpu.memory_space<vmem>>
    %dma_wait3A_64 = arith.constant 0 : i32
    %dma_wait3A_65 = arith.constant 0 : i32
    %dma_wait3A_66 = arith.constant 0 : i32
    %dma_wait3A_67 = tpu.memref_slice %arg2[%dma_wait3A_64, %dma_wait3A_65, %dma_wait3A_66] : memref<50x64x16xi32, #tpu.memory_space<hbm>> -> memref<50x16x16xi32, #tpu.memory_space<hbm>>
    tpu.wait_dma2 semaphore(%arg9 : memref<!tpu.dma_semaphore, #tpu.memory_space<semaphore_mem>>) src(%dma_wait3A_67 : memref<50x16x16xi32, #tpu.memory_space<hbm>>) dst(%dma_wait3A_63 : memref<50x16x16xi32, #tpu.memory_space<vmem>>)
    %scan3A = arith.constant 0 : i32
    %scan3A_68 = arith.constant 2.000000e-02 : f32
    %scan3A_69 = arith.constant 0 : i32
    %scan3A_70 = arith.constant 16 : i32
    %scan3A_71 = arith.addi %scan3A_69, %scan3A_70 : i32
    %scan3A_72 = arith.constant 1 : i32
    scf.for %scan3A_190 = %scan3A_69 to %scan3A_71 step %scan3A_72  : i32 {
      %get3A = arith.constant 0 : i32
      %get3A_191 = arith.constant 0 : i32
      %get3A_192 = arith.index_cast %get3A : i32 to index
      %get3A_193 = arith.index_cast %get3A_191 : i32 to index
      %get3A_194 = arith.index_cast %scan3A_190 : i32 to index
      %get3A_195 = arith.constant 0 : index
      %get3A_196 = tpu.vector_load %arg6[%get3A_192, %get3A_193, %get3A_194, %get3A_195] {strides = array<i32>} : memref<2x50x16x16xi32, #tpu.memory_space<vmem>>, vector<16xi32>,
      %gather3A = tpu.vector_load_idx %arg5[%get3A_196] : memref<100000xf32, #tpu.memory_space<vmem>>[vector<16xi32>], vector<16xf32>,
      %get3A_197 = arith.constant 0 : i32
      %get3A_198 = arith.constant 1 : i32
      %get3A_199 = arith.index_cast %get3A_197 : i32 to index
      %get3A_200 = arith.index_cast %get3A_198 : i32 to index
      %get3A_201 = arith.index_cast %scan3A_190 : i32 to index
      %get3A_202 = arith.constant 0 : index
      %get3A_203 = tpu.vector_load %arg6[%get3A_199, %get3A_200, %get3A_201, %get3A_202] {strides = array<i32>} : memref<2x50x16x16xi32, #tpu.memory_space<vmem>>, vector<16xi32>,
      %gather3A_204 = tpu.vector_load_idx %arg5[%get3A_203] : memref<100000xf32, #tpu.memory_space<vmem>>[vector<16xi32>], vector<16xf32>,
      %add3A_205 = arith.addf %gather3A, %gather3A_204 : vector<16xf32>
      %get3A_206 = arith.constant 0 : i32
      %get3A_207 = arith.constant 2 : i32
      %get3A_208 = arith.index_cast %get3A_206 : i32 to index
      %get3A_209 = arith.index_cast %get3A_207 : i32 to index
      %get3A_210 = arith.index_cast %scan3A_190 : i32 to index
      %get3A_211 = arith.constant 0 : index
      %get3A_212 = tpu.vector_load %arg6[%get3A_208, %get3A_209, %get3A_210, %get3A_211] {strides = array<i32>} : memref<2x50x16x16xi32, #tpu.memory_space<vmem>>, vector<16xi32>,
      %gather3A_213 = tpu.vector_load_idx %arg5[%get3A_212] : memref<100000xf32, #tpu.memory_space<vmem>>[vector<16xi32>], vector<16xf32>,
      %add3A_214 = arith.addf %add3A_205, %gather3A_213 : vector<16xf32>
      %get3A_215 = arith.constant 0 : i32
      %get3A_216 = arith.constant 3 : i32
      %get3A_217 = arith.index_cast %get3A_215 : i32 to index
      %get3A_218 = arith.index_cast %get3A_216 : i32 to index
      %get3A_219 = arith.index_cast %scan3A_190 : i32 to index
      %get3A_220 = arith.constant 0 : index
      %get3A_221 = tpu.vector_load %arg6[%get3A_217, %get3A_218, %get3A_219, %get3A_220] {strides = array<i32>} : memref<2x50x16x16xi32, #tpu.memory_space<vmem>>, vector<16xi32>,
      %gather3A_222 = tpu.vector_load_idx %arg5[%get3A_221] : memref<100000xf32, #tpu.memory_space<vmem>>[vector<16xi32>], vector<16xf32>,
      %add3A_223 = arith.addf %add3A_214, %gather3A_222 : vector<16xf32>
      %get3A_224 = arith.constant 0 : i32
      %get3A_225 = arith.constant 4 : i32
      %get3A_226 = arith.index_cast %get3A_224 : i32 to index
      %get3A_227 = arith.index_cast %get3A_225 : i32 to index
      %get3A_228 = arith.index_cast %scan3A_190 : i32 to index
      %get3A_229 = arith.constant 0 : index
      %get3A_230 = tpu.vector_load %arg6[%get3A_226, %get3A_227, %get3A_228, %get3A_229] {strides = array<i32>} : memref<2x50x16x16xi32, #tpu.memory_space<vmem>>, vector<16xi32>,
      %gather3A_231 = tpu.vector_load_idx %arg5[%get3A_230] : memref<100000xf32, #tpu.memory_space<vmem>>[vector<16xi32>], vector<16xf32>,
      %add3A_232 = arith.addf %add3A_223, %gather3A_231 : vector<16xf32>
      %get3A_233 = arith.constant 0 : i32
      %get3A_234 = arith.constant 5 : i32
      %get3A_235 = arith.index_cast %get3A_233 : i32 to index
      %get3A_236 = arith.index_cast %get3A_234 : i32 to index
      %get3A_237 = arith.index_cast %scan3A_190 : i32 to index
      %get3A_238 = arith.constant 0 : index
      %get3A_239 = tpu.vector_load %arg6[%get3A_235, %get3A_236, %get3A_237, %get3A_238] {strides = array<i32>} : memref<2x50x16x16xi32, #tpu.memory_space<vmem>>, vector<16xi32>,
      %gather3A_240 = tpu.vector_load_idx %arg5[%get3A_239] : memref<100000xf32, #tpu.memory_space<vmem>>[vector<16xi32>], vector<16xf32>,
      %add3A_241 = arith.addf %add3A_232, %gather3A_240 : vector<16xf32>
      %get3A_242 = arith.constant 0 : i32
      %get3A_243 = arith.constant 6 : i32
      %get3A_244 = arith.index_cast %get3A_242 : i32 to index
      %get3A_245 = arith.index_cast %get3A_243 : i32 to index
      %get3A_246 = arith.index_cast %scan3A_190 : i32 to index
      %get3A_247 = arith.constant 0 : index
      %get3A_248 = tpu.vector_load %arg6[%get3A_244, %get3A_245, %get3A_246, %get3A_247] {strides = array<i32>} : memref<2x50x16x16xi32, #tpu.memory_space<vmem>>, vector<16xi32>,
      %gather3A_249 = tpu.vector_load_idx %arg5[%get3A_248] : memref<100000xf32, #tpu.memory_space<vmem>>[vector<16xi32>], vector<16xf32>,
      %add3A_250 = arith.addf %add3A_241, %gather3A_249 : vector<16xf32>
      %get3A_251 = arith.constant 0 : i32
      %get3A_252 = arith.constant 7 : i32
      %get3A_253 = arith.index_cast %get3A_251 : i32 to index
      %get3A_254 = arith.index_cast %get3A_252 : i32 to index
      %get3A_255 = arith.index_cast %scan3A_190 : i32 to index
      %get3A_256 = arith.constant 0 : index
      %get3A_257 = tpu.vector_load %arg6[%get3A_253, %get3A_254, %get3A_255, %get3A_256] {strides = array<i32>} : memref<2x50x16x16xi32, #tpu.memory_space<vmem>>, vector<16xi32>,
      %gather3A_258 = tpu.vector_load_idx %arg5[%get3A_257] : memref<100000xf32, #tpu.memory_space<vmem>>[vector<16xi32>], vector<16xf32>,
      %add3A_259 = arith.addf %add3A_250, %gather3A_258 : vector<16xf32>
      %get3A_260 = arith.constant 0 : i32
      %get3A_261 = arith.constant 8 : i32
      %get3A_262 = arith.index_cast %get3A_260 : i32 to index
      %get3A_263 = arith.index_cast %get3A_261 : i32 to index
      %get3A_264 = arith.index_cast %scan3A_190 : i32 to index
      %get3A_265 = arith.constant 0 : index
      %get3A_266 = tpu.vector_load %arg6[%get3A_262, %get3A_263, %get3A_264, %get3A_265] {strides = array<i32>} : memref<2x50x16x16xi32, #tpu.memory_space<vmem>>, vector<16xi32>,
      %gather3A_267 = tpu.vector_load_idx %arg5[%get3A_266] : memref<100000xf32, #tpu.memory_space<vmem>>[vector<16xi32>], vector<16xf32>,
      %add3A_268 = arith.addf %add3A_259, %gather3A_267 : vector<16xf32>
      %get3A_269 = arith.constant 0 : i32
      %get3A_270 = arith.constant 9 : i32
      %get3A_271 = arith.index_cast %get3A_269 : i32 to index
      %get3A_272 = arith.index_cast %get3A_270 : i32 to index
      %get3A_273 = arith.index_cast %scan3A_190 : i32 to index
      %get3A_274 = arith.constant 0 : index
      %get3A_275 = tpu.vector_load %arg6[%get3A_271, %get3A_272, %get3A_273, %get3A_274] {strides = array<i32>} : memref<2x50x16x16xi32, #tpu.memory_space<vmem>>, vector<16xi32>,
      %gather3A_276 = tpu.vector_load_idx %arg5[%get3A_275] : memref<100000xf32, #tpu.memory_space<vmem>>[vector<16xi32>], vector<16xf32>,
      %add3A_277 = arith.addf %add3A_268, %gather3A_276 : vector<16xf32>
      %get3A_278 = arith.constant 0 : i32
      %get3A_279 = arith.constant 10 : i32
      %get3A_280 = arith.index_cast %get3A_278 : i32 to index
      %get3A_281 = arith.index_cast %get3A_279 : i32 to index
      %get3A_282 = arith.index_cast %scan3A_190 : i32 to index
      %get3A_283 = arith.constant 0 : index
      %get3A_284 = tpu.vector_load %arg6[%get3A_280, %get3A_281, %get3A_282, %get3A_283] {strides = array<i32>} : memref<2x50x16x16xi32, #tpu.memory_space<vmem>>, vector<16xi32>,
      %gather3A_285 = tpu.vector_load_idx %arg5[%get3A_284] : memref<100000xf32, #tpu.memory_space<vmem>>[vector<16xi32>], vector<16xf32>,
      %add3A_286 = arith.addf %add3A_277, %gather3A_285 : vector<16xf32>
      %get3A_287 = arith.constant 0 : i32
      %get3A_288 = arith.constant 11 : i32
      %get3A_289 = arith.index_cast %get3A_287 : i32 to index
      %get3A_290 = arith.index_cast %get3A_288 : i32 to index
      %get3A_291 = arith.index_cast %scan3A_190 : i32 to index
      %get3A_292 = arith.constant 0 : index
      %get3A_293 = tpu.vector_load %arg6[%get3A_289, %get3A_290, %get3A_291, %get3A_292] {strides = array<i32>} : memref<2x50x16x16xi32, #tpu.memory_space<vmem>>, vector<16xi32>,
      %gather3A_294 = tpu.vector_load_idx %arg5[%get3A_293] : memref<100000xf32, #tpu.memory_space<vmem>>[vector<16xi32>], vector<16xf32>,
      %add3A_295 = arith.addf %add3A_286, %gather3A_294 : vector<16xf32>
      %get3A_296 = arith.constant 0 : i32
      %get3A_297 = arith.constant 12 : i32
      %get3A_298 = arith.index_cast %get3A_296 : i32 to index
      %get3A_299 = arith.index_cast %get3A_297 : i32 to index
      %get3A_300 = arith.index_cast %scan3A_190 : i32 to index
      %get3A_301 = arith.constant 0 : index
      %get3A_302 = tpu.vector_load %arg6[%get3A_298, %get3A_299, %get3A_300, %get3A_301] {strides = array<i32>} : memref<2x50x16x16xi32, #tpu.memory_space<vmem>>, vector<16xi32>,
      %gather3A_303 = tpu.vector_load_idx %arg5[%get3A_302] : memref<100000xf32, #tpu.memory_space<vmem>>[vector<16xi32>], vector<16xf32>,
      %add3A_304 = arith.addf %add3A_295, %gather3A_303 : vector<16xf32>
      %get3A_305 = arith.constant 0 : i32
      %get3A_306 = arith.constant 13 : i32
      %get3A_307 = arith.index_cast %get3A_305 : i32 to index
      %get3A_308 = arith.index_cast %get3A_306 : i32 to index
      %get3A_309 = arith.index_cast %scan3A_190 : i32 to index
      %get3A_310 = arith.constant 0 : index
      %get3A_311 = tpu.vector_load %arg6[%get3A_307, %get3A_308, %get3A_309, %get3A_310] {strides = array<i32>} : memref<2x50x16x16xi32, #tpu.memory_space<vmem>>, vector<16xi32>,
      %gather3A_312 = tpu.vector_load_idx %arg5[%get3A_311] : memref<100000xf32, #tpu.memory_space<vmem>>[vector<16xi32>], vector<16xf32>,
      %add3A_313 = arith.addf %add3A_304, %gather3A_312 : vector<16xf32>
      %get3A_314 = arith.constant 0 : i32
      %get3A_315 = arith.constant 14 : i32
      %get3A_316 = arith.index_cast %get3A_314 : i32 to index
      %get3A_317 = arith.index_cast %get3A_315 : i32 to index
      %get3A_318 = arith.index_cast %scan3A_190 : i32 to index
      %get3A_319 = arith.constant 0 : index
      %get3A_320 = tpu.vector_load %arg6[%get3A_316, %get3A_317, %get3A_318, %get3A_319] {strides = array<i32>} : memref<2x50x16x16xi32, #tpu.memory_space<vmem>>, vector<16xi32>,
      %gather3A_321 = tpu.vector_load_idx %arg5[%get3A_320] : memref<100000xf32, #tpu.memory_space<vmem>>[vector<16xi32>], vector<16xf32>,
      %add3A_322 = arith.addf %add3A_313, %gather3A_321 : vector<16xf32>
      %get3A_323 = arith.constant 0 : i32
      %get3A_324 = arith.constant 15 : i32
      %get3A_325 = arith.index_cast %get3A_323 : i32 to index
      %get3A_326 = arith.index_cast %get3A_324 : i32 to index
      %get3A_327 = arith.index_cast %scan3A_190 : i32 to index
      %get3A_328 = arith.constant 0 : index
      %get3A_329 = tpu.vector_load %arg6[%get3A_325, %get3A_326, %get3A_327, %get3A_328] {strides = array<i32>} : memref<2x50x16x16xi32, #tpu.memory_space<vmem>>, vector<16xi32>,
      %gather3A_330 = tpu.vector_load_idx %arg5[%get3A_329] : memref<100000xf32, #tpu.memory_space<vmem>>[vector<16xi32>], vector<16xf32>,
      %add3A_331 = arith.addf %add3A_322, %gather3A_330 : vector<16xf32>
      %get3A_332 = arith.constant 0 : i32
      %get3A_333 = arith.constant 16 : i32
      %get3A_334 = arith.index_cast %get3A_332 : i32 to index
      %get3A_335 = arith.index_cast %get3A_333 : i32 to index
      %get3A_336 = arith.index_cast %scan3A_190 : i32 to index
      %get3A_337 = arith.constant 0 : index
      %get3A_338 = tpu.vector_load %arg6[%get3A_334, %get3A_335, %get3A_336, %get3A_337] {strides = array<i32>} : memref<2x50x16x16xi32, #tpu.memory_space<vmem>>, vector<16xi32>,
      %gather3A_339 = tpu.vector_load_idx %arg5[%get3A_338] : memref<100000xf32, #tpu.memory_space<vmem>>[vector<16xi32>], vector<16xf32>,
      %add3A_340 = arith.addf %add3A_331, %gather3A_339 : vector<16xf32>
      %get3A_341 = arith.constant 0 : i32
      %get3A_342 = arith.constant 17 : i32
      %get3A_343 = arith.index_cast %get3A_341 : i32 to index
      %get3A_344 = arith.index_cast %get3A_342 : i32 to index
      %get3A_345 = arith.index_cast %scan3A_190 : i32 to index
      %get3A_346 = arith.constant 0 : index
      %get3A_347 = tpu.vector_load %arg6[%get3A_343, %get3A_344, %get3A_345, %get3A_346] {strides = array<i32>} : memref<2x50x16x16xi32, #tpu.memory_space<vmem>>, vector<16xi32>,
      %gather3A_348 = tpu.vector_load_idx %arg5[%get3A_347] : memref<100000xf32, #tpu.memory_space<vmem>>[vector<16xi32>], vector<16xf32>,
      %add3A_349 = arith.addf %add3A_340, %gather3A_348 : vector<16xf32>
      %get3A_350 = arith.constant 0 : i32
      %get3A_351 = arith.constant 18 : i32
      %get3A_352 = arith.index_cast %get3A_350 : i32 to index
      %get3A_353 = arith.index_cast %get3A_351 : i32 to index
      %get3A_354 = arith.index_cast %scan3A_190 : i32 to index
      %get3A_355 = arith.constant 0 : index
      %get3A_356 = tpu.vector_load %arg6[%get3A_352, %get3A_353, %get3A_354, %get3A_355] {strides = array<i32>} : memref<2x50x16x16xi32, #tpu.memory_space<vmem>>, vector<16xi32>,
      %gather3A_357 = tpu.vector_load_idx %arg5[%get3A_356] : memref<100000xf32, #tpu.memory_space<vmem>>[vector<16xi32>], vector<16xf32>,
      %add3A_358 = arith.addf %add3A_349, %gather3A_357 : vector<16xf32>
      %get3A_359 = arith.constant 0 : i32
      %get3A_360 = arith.constant 19 : i32
      %get3A_361 = arith.index_cast %get3A_359 : i32 to index
      %get3A_362 = arith.index_cast %get3A_360 : i32 to index
      %get3A_363 = arith.index_cast %scan3A_190 : i32 to index
      %get3A_364 = arith.constant 0 : index
      %get3A_365 = tpu.vector_load %arg6[%get3A_361, %get3A_362, %get3A_363, %get3A_364] {strides = array<i32>} : memref<2x50x16x16xi32, #tpu.memory_space<vmem>>, vector<16xi32>,
      %gather3A_366 = tpu.vector_load_idx %arg5[%get3A_365] : memref<100000xf32, #tpu.memory_space<vmem>>[vector<16xi32>], vector<16xf32>,
      %add3A_367 = arith.addf %add3A_358, %gather3A_366 : vector<16xf32>
      %get3A_368 = arith.constant 0 : i32
      %get3A_369 = arith.constant 20 : i32
      %get3A_370 = arith.index_cast %get3A_368 : i32 to index
      %get3A_371 = arith.index_cast %get3A_369 : i32 to index
      %get3A_372 = arith.index_cast %scan3A_190 : i32 to index
      %get3A_373 = arith.constant 0 : index
      %get3A_374 = tpu.vector_load %arg6[%get3A_370, %get3A_371, %get3A_372, %get3A_373] {strides = array<i32>} : memref<2x50x16x16xi32, #tpu.memory_space<vmem>>, vector<16xi32>,
      %gather3A_375 = tpu.vector_load_idx %arg5[%get3A_374] : memref<100000xf32, #tpu.memory_space<vmem>>[vector<16xi32>], vector<16xf32>,
      %add3A_376 = arith.addf %add3A_367, %gather3A_375 : vector<16xf32>
      %get3A_377 = arith.constant 0 : i32
      %get3A_378 = arith.constant 21 : i32
      %get3A_379 = arith.index_cast %get3A_377 : i32 to index
      %get3A_380 = arith.index_cast %get3A_378 : i32 to index
      %get3A_381 = arith.index_cast %scan3A_190 : i32 to index
      %get3A_382 = arith.constant 0 : index
      %get3A_383 = tpu.vector_load %arg6[%get3A_379, %get3A_380, %get3A_381, %get3A_382] {strides = array<i32>} : memref<2x50x16x16xi32, #tpu.memory_space<vmem>>, vector<16xi32>,
      %gather3A_384 = tpu.vector_load_idx %arg5[%get3A_383] : memref<100000xf32, #tpu.memory_space<vmem>>[vector<16xi32>], vector<16xf32>,
      %add3A_385 = arith.addf %add3A_376, %gather3A_384 : vector<16xf32>
      %get3A_386 = arith.constant 0 : i32
      %get3A_387 = arith.constant 22 : i32
      %get3A_388 = arith.index_cast %get3A_386 : i32 to index
      %get3A_389 = arith.index_cast %get3A_387 : i32 to index
      %get3A_390 = arith.index_cast %scan3A_190 : i32 to index
      %get3A_391 = arith.constant 0 : index
      %get3A_392 = tpu.vector_load %arg6[%get3A_388, %get3A_389, %get3A_390, %get3A_391] {strides = array<i32>} : memref<2x50x16x16xi32, #tpu.memory_space<vmem>>, vector<16xi32>,
      %gather3A_393 = tpu.vector_load_idx %arg5[%get3A_392] : memref<100000xf32, #tpu.memory_space<vmem>>[vector<16xi32>], vector<16xf32>,
      %add3A_394 = arith.addf %add3A_385, %gather3A_393 : vector<16xf32>
      %get3A_395 = arith.constant 0 : i32
      %get3A_396 = arith.constant 23 : i32
      %get3A_397 = arith.index_cast %get3A_395 : i32 to index
      %get3A_398 = arith.index_cast %get3A_396 : i32 to index
      %get3A_399 = arith.index_cast %scan3A_190 : i32 to index
      %get3A_400 = arith.constant 0 : index
      %get3A_401 = tpu.vector_load %arg6[%get3A_397, %get3A_398, %get3A_399, %get3A_400] {strides = array<i32>} : memref<2x50x16x16xi32, #tpu.memory_space<vmem>>, vector<16xi32>,
      %gather3A_402 = tpu.vector_load_idx %arg5[%get3A_401] : memref<100000xf32, #tpu.memory_space<vmem>>[vector<16xi32>], vector<16xf32>,
      %add3A_403 = arith.addf %add3A_394, %gather3A_402 : vector<16xf32>
      %get3A_404 = arith.constant 0 : i32
      %get3A_405 = arith.constant 24 : i32
      %get3A_406 = arith.index_cast %get3A_404 : i32 to index
      %get3A_407 = arith.index_cast %get3A_405 : i32 to index
      %get3A_408 = arith.index_cast %scan3A_190 : i32 to index
      %get3A_409 = arith.constant 0 : index
      %get3A_410 = tpu.vector_load %arg6[%get3A_406, %get3A_407, %get3A_408, %get3A_409] {strides = array<i32>} : memref<2x50x16x16xi32, #tpu.memory_space<vmem>>, vector<16xi32>,
      %gather3A_411 = tpu.vector_load_idx %arg5[%get3A_410] : memref<100000xf32, #tpu.memory_space<vmem>>[vector<16xi32>], vector<16xf32>,
      %add3A_412 = arith.addf %add3A_403, %gather3A_411 : vector<16xf32>
      %get3A_413 = arith.constant 0 : i32
      %get3A_414 = arith.constant 25 : i32
      %get3A_415 = arith.index_cast %get3A_413 : i32 to index
      %get3A_416 = arith.index_cast %get3A_414 : i32 to index
      %get3A_417 = arith.index_cast %scan3A_190 : i32 to index
      %get3A_418 = arith.constant 0 : index
      %get3A_419 = tpu.vector_load %arg6[%get3A_415, %get3A_416, %get3A_417, %get3A_418] {strides = array<i32>} : memref<2x50x16x16xi32, #tpu.memory_space<vmem>>, vector<16xi32>,
      %gather3A_420 = tpu.vector_load_idx %arg5[%get3A_419] : memref<100000xf32, #tpu.memory_space<vmem>>[vector<16xi32>], vector<16xf32>,
      %add3A_421 = arith.addf %add3A_412, %gather3A_420 : vector<16xf32>
      %get3A_422 = arith.constant 0 : i32
      %get3A_423 = arith.constant 26 : i32
      %get3A_424 = arith.index_cast %get3A_422 : i32 to index
      %get3A_425 = arith.index_cast %get3A_423 : i32 to index
      %get3A_426 = arith.index_cast %scan3A_190 : i32 to index
      %get3A_427 = arith.constant 0 : index
      %get3A_428 = tpu.vector_load %arg6[%get3A_424, %get3A_425, %get3A_426, %get3A_427] {strides = array<i32>} : memref<2x50x16x16xi32, #tpu.memory_space<vmem>>, vector<16xi32>,
      %gather3A_429 = tpu.vector_load_idx %arg5[%get3A_428] : memref<100000xf32, #tpu.memory_space<vmem>>[vector<16xi32>], vector<16xf32>,
      %add3A_430 = arith.addf %add3A_421, %gather3A_429 : vector<16xf32>
      %get3A_431 = arith.constant 0 : i32
      %get3A_432 = arith.constant 27 : i32
      %get3A_433 = arith.index_cast %get3A_431 : i32 to index
      %get3A_434 = arith.index_cast %get3A_432 : i32 to index
      %get3A_435 = arith.index_cast %scan3A_190 : i32 to index
      %get3A_436 = arith.constant 0 : index
      %get3A_437 = tpu.vector_load %arg6[%get3A_433, %get3A_434, %get3A_435, %get3A_436] {strides = array<i32>} : memref<2x50x16x16xi32, #tpu.memory_space<vmem>>, vector<16xi32>,
      %gather3A_438 = tpu.vector_load_idx %arg5[%get3A_437] : memref<100000xf32, #tpu.memory_space<vmem>>[vector<16xi32>], vector<16xf32>,
      %add3A_439 = arith.addf %add3A_430, %gather3A_438 : vector<16xf32>
      %get3A_440 = arith.constant 0 : i32
      %get3A_441 = arith.constant 28 : i32
      %get3A_442 = arith.index_cast %get3A_440 : i32 to index
      %get3A_443 = arith.index_cast %get3A_441 : i32 to index
      %get3A_444 = arith.index_cast %scan3A_190 : i32 to index
      %get3A_445 = arith.constant 0 : index
      %get3A_446 = tpu.vector_load %arg6[%get3A_442, %get3A_443, %get3A_444, %get3A_445] {strides = array<i32>} : memref<2x50x16x16xi32, #tpu.memory_space<vmem>>, vector<16xi32>,
      %gather3A_447 = tpu.vector_load_idx %arg5[%get3A_446] : memref<100000xf32, #tpu.memory_space<vmem>>[vector<16xi32>], vector<16xf32>,
      %add3A_448 = arith.addf %add3A_439, %gather3A_447 : vector<16xf32>
      %get3A_449 = arith.constant 0 : i32
      %get3A_450 = arith.constant 29 : i32
      %get3A_451 = arith.index_cast %get3A_449 : i32 to index
      %get3A_452 = arith.index_cast %get3A_450 : i32 to index
      %get3A_453 = arith.index_cast %scan3A_190 : i32 to index
      %get3A_454 = arith.constant 0 : index
      %get3A_455 = tpu.vector_load %arg6[%get3A_451, %get3A_452, %get3A_453, %get3A_454] {strides = array<i32>} : memref<2x50x16x16xi32, #tpu.memory_space<vmem>>, vector<16xi32>,
      %gather3A_456 = tpu.vector_load_idx %arg5[%get3A_455] : memref<100000xf32, #tpu.memory_space<vmem>>[vector<16xi32>], vector<16xf32>,
      %add3A_457 = arith.addf %add3A_448, %gather3A_456 : vector<16xf32>
      %get3A_458 = arith.constant 0 : i32
      %get3A_459 = arith.constant 30 : i32
      %get3A_460 = arith.index_cast %get3A_458 : i32 to index
      %get3A_461 = arith.index_cast %get3A_459 : i32 to index
      %get3A_462 = arith.index_cast %scan3A_190 : i32 to index
      %get3A_463 = arith.constant 0 : index
      %get3A_464 = tpu.vector_load %arg6[%get3A_460, %get3A_461, %get3A_462, %get3A_463] {strides = array<i32>} : memref<2x50x16x16xi32, #tpu.memory_space<vmem>>, vector<16xi32>,
      %gather3A_465 = tpu.vector_load_idx %arg5[%get3A_464] : memref<100000xf32, #tpu.memory_space<vmem>>[vector<16xi32>], vector<16xf32>,
      %add3A_466 = arith.addf %add3A_457, %gather3A_465 : vector<16xf32>
      %get3A_467 = arith.constant 0 : i32
      %get3A_468 = arith.constant 31 : i32
      %get3A_469 = arith.index_cast %get3A_467 : i32 to index
      %get3A_470 = arith.index_cast %get3A_468 : i32 to index
      %get3A_471 = arith.index_cast %scan3A_190 : i32 to index
      %get3A_472 = arith.constant 0 : index
      %get3A_473 = tpu.vector_load %arg6[%get3A_469, %get3A_470, %get3A_471, %get3A_472] {strides = array<i32>} : memref<2x50x16x16xi32, #tpu.memory_space<vmem>>, vector<16xi32>,
      %gather3A_474 = tpu.vector_load_idx %arg5[%get3A_473] : memref<100000xf32, #tpu.memory_space<vmem>>[vector<16xi32>], vector<16xf32>,
      %add3A_475 = arith.addf %add3A_466, %gather3A_474 : vector<16xf32>
      %get3A_476 = arith.constant 0 : i32
      %get3A_477 = arith.constant 32 : i32
      %get3A_478 = arith.index_cast %get3A_476 : i32 to index
      %get3A_479 = arith.index_cast %get3A_477 : i32 to index
      %get3A_480 = arith.index_cast %scan3A_190 : i32 to index
      %get3A_481 = arith.constant 0 : index
      %get3A_482 = tpu.vector_load %arg6[%get3A_478, %get3A_479, %get3A_480, %get3A_481] {strides = array<i32>} : memref<2x50x16x16xi32, #tpu.memory_space<vmem>>, vector<16xi32>,
      %gather3A_483 = tpu.vector_load_idx %arg5[%get3A_482] : memref<100000xf32, #tpu.memory_space<vmem>>[vector<16xi32>], vector<16xf32>,
      %add3A_484 = arith.addf %add3A_475, %gather3A_483 : vector<16xf32>
      %get3A_485 = arith.constant 0 : i32
      %get3A_486 = arith.constant 33 : i32
      %get3A_487 = arith.index_cast %get3A_485 : i32 to index
      %get3A_488 = arith.index_cast %get3A_486 : i32 to index
      %get3A_489 = arith.index_cast %scan3A_190 : i32 to index
      %get3A_490 = arith.constant 0 : index
      %get3A_491 = tpu.vector_load %arg6[%get3A_487, %get3A_488, %get3A_489, %get3A_490] {strides = array<i32>} : memref<2x50x16x16xi32, #tpu.memory_space<vmem>>, vector<16xi32>,
      %gather3A_492 = tpu.vector_load_idx %arg5[%get3A_491] : memref<100000xf32, #tpu.memory_space<vmem>>[vector<16xi32>], vector<16xf32>,
      %add3A_493 = arith.addf %add3A_484, %gather3A_492 : vector<16xf32>
      %get3A_494 = arith.constant 0 : i32
      %get3A_495 = arith.constant 34 : i32
      %get3A_496 = arith.index_cast %get3A_494 : i32 to index
      %get3A_497 = arith.index_cast %get3A_495 : i32 to index
      %get3A_498 = arith.index_cast %scan3A_190 : i32 to index
      %get3A_499 = arith.constant 0 : index
      %get3A_500 = tpu.vector_load %arg6[%get3A_496, %get3A_497, %get3A_498, %get3A_499] {strides = array<i32>} : memref<2x50x16x16xi32, #tpu.memory_space<vmem>>, vector<16xi32>,
      %gather3A_501 = tpu.vector_load_idx %arg5[%get3A_500] : memref<100000xf32, #tpu.memory_space<vmem>>[vector<16xi32>], vector<16xf32>,
      %add3A_502 = arith.addf %add3A_493, %gather3A_501 : vector<16xf32>
      %get3A_503 = arith.constant 0 : i32
      %get3A_504 = arith.constant 35 : i32
      %get3A_505 = arith.index_cast %get3A_503 : i32 to index
      %get3A_506 = arith.index_cast %get3A_504 : i32 to index
      %get3A_507 = arith.index_cast %scan3A_190 : i32 to index
      %get3A_508 = arith.constant 0 : index
      %get3A_509 = tpu.vector_load %arg6[%get3A_505, %get3A_506, %get3A_507, %get3A_508] {strides = array<i32>} : memref<2x50x16x16xi32, #tpu.memory_space<vmem>>, vector<16xi32>,
      %gather3A_510 = tpu.vector_load_idx %arg5[%get3A_509] : memref<100000xf32, #tpu.memory_space<vmem>>[vector<16xi32>], vector<16xf32>,
      %add3A_511 = arith.addf %add3A_502, %gather3A_510 : vector<16xf32>
      %get3A_512 = arith.constant 0 : i32
      %get3A_513 = arith.constant 36 : i32
      %get3A_514 = arith.index_cast %get3A_512 : i32 to index
      %get3A_515 = arith.index_cast %get3A_513 : i32 to index
      %get3A_516 = arith.index_cast %scan3A_190 : i32 to index
      %get3A_517 = arith.constant 0 : index
      %get3A_518 = tpu.vector_load %arg6[%get3A_514, %get3A_515, %get3A_516, %get3A_517] {strides = array<i32>} : memref<2x50x16x16xi32, #tpu.memory_space<vmem>>, vector<16xi32>,
      %gather3A_519 = tpu.vector_load_idx %arg5[%get3A_518] : memref<100000xf32, #tpu.memory_space<vmem>>[vector<16xi32>], vector<16xf32>,
      %add3A_520 = arith.addf %add3A_511, %gather3A_519 : vector<16xf32>
      %get3A_521 = arith.constant 0 : i32
      %get3A_522 = arith.constant 37 : i32
      %get3A_523 = arith.index_cast %get3A_521 : i32 to index
      %get3A_524 = arith.index_cast %get3A_522 : i32 to index
      %get3A_525 = arith.index_cast %scan3A_190 : i32 to index
      %get3A_526 = arith.constant 0 : index
      %get3A_527 = tpu.vector_load %arg6[%get3A_523, %get3A_524, %get3A_525, %get3A_526] {strides = array<i32>} : memref<2x50x16x16xi32, #tpu.memory_space<vmem>>, vector<16xi32>,
      %gather3A_528 = tpu.vector_load_idx %arg5[%get3A_527] : memref<100000xf32, #tpu.memory_space<vmem>>[vector<16xi32>], vector<16xf32>,
      %add3A_529 = arith.addf %add3A_520, %gather3A_528 : vector<16xf32>
      %get3A_530 = arith.constant 0 : i32
      %get3A_531 = arith.constant 38 : i32
      %get3A_532 = arith.index_cast %get3A_530 : i32 to index
      %get3A_533 = arith.index_cast %get3A_531 : i32 to index
      %get3A_534 = arith.index_cast %scan3A_190 : i32 to index
      %get3A_535 = arith.constant 0 : index
      %get3A_536 = tpu.vector_load %arg6[%get3A_532, %get3A_533, %get3A_534, %get3A_535] {strides = array<i32>} : memref<2x50x16x16xi32, #tpu.memory_space<vmem>>, vector<16xi32>,
      %gather3A_537 = tpu.vector_load_idx %arg5[%get3A_536] : memref<100000xf32, #tpu.memory_space<vmem>>[vector<16xi32>], vector<16xf32>,
      %add3A_538 = arith.addf %add3A_529, %gather3A_537 : vector<16xf32>
      %get3A_539 = arith.constant 0 : i32
      %get3A_540 = arith.constant 39 : i32
      %get3A_541 = arith.index_cast %get3A_539 : i32 to index
      %get3A_542 = arith.index_cast %get3A_540 : i32 to index
      %get3A_543 = arith.index_cast %scan3A_190 : i32 to index
      %get3A_544 = arith.constant 0 : index
      %get3A_545 = tpu.vector_load %arg6[%get3A_541, %get3A_542, %get3A_543, %get3A_544] {strides = array<i32>} : memref<2x50x16x16xi32, #tpu.memory_space<vmem>>, vector<16xi32>,
      %gather3A_546 = tpu.vector_load_idx %arg5[%get3A_545] : memref<100000xf32, #tpu.memory_space<vmem>>[vector<16xi32>], vector<16xf32>,
      %add3A_547 = arith.addf %add3A_538, %gather3A_546 : vector<16xf32>
      %get3A_548 = arith.constant 0 : i32
      %get3A_549 = arith.constant 40 : i32
      %get3A_550 = arith.index_cast %get3A_548 : i32 to index
      %get3A_551 = arith.index_cast %get3A_549 : i32 to index
      %get3A_552 = arith.index_cast %scan3A_190 : i32 to index
      %get3A_553 = arith.constant 0 : index
      %get3A_554 = tpu.vector_load %arg6[%get3A_550, %get3A_551, %get3A_552, %get3A_553] {strides = array<i32>} : memref<2x50x16x16xi32, #tpu.memory_space<vmem>>, vector<16xi32>,
      %gather3A_555 = tpu.vector_load_idx %arg5[%get3A_554] : memref<100000xf32, #tpu.memory_space<vmem>>[vector<16xi32>], vector<16xf32>,
      %add3A_556 = arith.addf %add3A_547, %gather3A_555 : vector<16xf32>
      %get3A_557 = arith.constant 0 : i32
      %get3A_558 = arith.constant 41 : i32
      %get3A_559 = arith.index_cast %get3A_557 : i32 to index
      %get3A_560 = arith.index_cast %get3A_558 : i32 to index
      %get3A_561 = arith.index_cast %scan3A_190 : i32 to index
      %get3A_562 = arith.constant 0 : index
      %get3A_563 = tpu.vector_load %arg6[%get3A_559, %get3A_560, %get3A_561, %get3A_562] {strides = array<i32>} : memref<2x50x16x16xi32, #tpu.memory_space<vmem>>, vector<16xi32>,
      %gather3A_564 = tpu.vector_load_idx %arg5[%get3A_563] : memref<100000xf32, #tpu.memory_space<vmem>>[vector<16xi32>], vector<16xf32>,
      %add3A_565 = arith.addf %add3A_556, %gather3A_564 : vector<16xf32>
      %get3A_566 = arith.constant 0 : i32
      %get3A_567 = arith.constant 42 : i32
      %get3A_568 = arith.index_cast %get3A_566 : i32 to index
      %get3A_569 = arith.index_cast %get3A_567 : i32 to index
      %get3A_570 = arith.index_cast %scan3A_190 : i32 to index
      %get3A_571 = arith.constant 0 : index
      %get3A_572 = tpu.vector_load %arg6[%get3A_568, %get3A_569, %get3A_570, %get3A_571] {strides = array<i32>} : memref<2x50x16x16xi32, #tpu.memory_space<vmem>>, vector<16xi32>,
      %gather3A_573 = tpu.vector_load_idx %arg5[%get3A_572] : memref<100000xf32, #tpu.memory_space<vmem>>[vector<16xi32>], vector<16xf32>,
      %add3A_574 = arith.addf %add3A_565, %gather3A_573 : vector<16xf32>
      %get3A_575 = arith.constant 0 : i32
      %get3A_576 = arith.constant 43 : i32
      %get3A_577 = arith.index_cast %get3A_575 : i32 to index
      %get3A_578 = arith.index_cast %get3A_576 : i32 to index
      %get3A_579 = arith.index_cast %scan3A_190 : i32 to index
      %get3A_580 = arith.constant 0 : index
      %get3A_581 = tpu.vector_load %arg6[%get3A_577, %get3A_578, %get3A_579, %get3A_580] {strides = array<i32>} : memref<2x50x16x16xi32, #tpu.memory_space<vmem>>, vector<16xi32>,
      %gather3A_582 = tpu.vector_load_idx %arg5[%get3A_581] : memref<100000xf32, #tpu.memory_space<vmem>>[vector<16xi32>], vector<16xf32>,
      %add3A_583 = arith.addf %add3A_574, %gather3A_582 : vector<16xf32>
      %get3A_584 = arith.constant 0 : i32
      %get3A_585 = arith.constant 44 : i32
      %get3A_586 = arith.index_cast %get3A_584 : i32 to index
      %get3A_587 = arith.index_cast %get3A_585 : i32 to index
      %get3A_588 = arith.index_cast %scan3A_190 : i32 to index
      %get3A_589 = arith.constant 0 : index
      %get3A_590 = tpu.vector_load %arg6[%get3A_586, %get3A_587, %get3A_588, %get3A_589] {strides = array<i32>} : memref<2x50x16x16xi32, #tpu.memory_space<vmem>>, vector<16xi32>,
      %gather3A_591 = tpu.vector_load_idx %arg5[%get3A_590] : memref<100000xf32, #tpu.memory_space<vmem>>[vector<16xi32>], vector<16xf32>,
      %add3A_592 = arith.addf %add3A_583, %gather3A_591 : vector<16xf32>
      %get3A_593 = arith.constant 0 : i32
      %get3A_594 = arith.constant 45 : i32
      %get3A_595 = arith.index_cast %get3A_593 : i32 to index
      %get3A_596 = arith.index_cast %get3A_594 : i32 to index
      %get3A_597 = arith.index_cast %scan3A_190 : i32 to index
      %get3A_598 = arith.constant 0 : index
      %get3A_599 = tpu.vector_load %arg6[%get3A_595, %get3A_596, %get3A_597, %get3A_598] {strides = array<i32>} : memref<2x50x16x16xi32, #tpu.memory_space<vmem>>, vector<16xi32>,
      %gather3A_600 = tpu.vector_load_idx %arg5[%get3A_599] : memref<100000xf32, #tpu.memory_space<vmem>>[vector<16xi32>], vector<16xf32>,
      %add3A_601 = arith.addf %add3A_592, %gather3A_600 : vector<16xf32>
      %get3A_602 = arith.constant 0 : i32
      %get3A_603 = arith.constant 46 : i32
      %get3A_604 = arith.index_cast %get3A_602 : i32 to index
      %get3A_605 = arith.index_cast %get3A_603 : i32 to index
      %get3A_606 = arith.index_cast %scan3A_190 : i32 to index
      %get3A_607 = arith.constant 0 : index
      %get3A_608 = tpu.vector_load %arg6[%get3A_604, %get3A_605, %get3A_606, %get3A_607] {strides = array<i32>} : memref<2x50x16x16xi32, #tpu.memory_space<vmem>>, vector<16xi32>,
      %gather3A_609 = tpu.vector_load_idx %arg5[%get3A_608] : memref<100000xf32, #tpu.memory_space<vmem>>[vector<16xi32>], vector<16xf32>,
      %add3A_610 = arith.addf %add3A_601, %gather3A_609 : vector<16xf32>
      %get3A_611 = arith.constant 0 : i32
      %get3A_612 = arith.constant 47 : i32
      %get3A_613 = arith.index_cast %get3A_611 : i32 to index
      %get3A_614 = arith.index_cast %get3A_612 : i32 to index
      %get3A_615 = arith.index_cast %scan3A_190 : i32 to index
      %get3A_616 = arith.constant 0 : index
      %get3A_617 = tpu.vector_load %arg6[%get3A_613, %get3A_614, %get3A_615, %get3A_616] {strides = array<i32>} : memref<2x50x16x16xi32, #tpu.memory_space<vmem>>, vector<16xi32>,
      %gather3A_618 = tpu.vector_load_idx %arg5[%get3A_617] : memref<100000xf32, #tpu.memory_space<vmem>>[vector<16xi32>], vector<16xf32>,
      %add3A_619 = arith.addf %add3A_610, %gather3A_618 : vector<16xf32>
      %get3A_620 = arith.constant 0 : i32
      %get3A_621 = arith.constant 48 : i32
      %get3A_622 = arith.index_cast %get3A_620 : i32 to index
      %get3A_623 = arith.index_cast %get3A_621 : i32 to index
      %get3A_624 = arith.index_cast %scan3A_190 : i32 to index
      %get3A_625 = arith.constant 0 : index
      %get3A_626 = tpu.vector_load %arg6[%get3A_622, %get3A_623, %get3A_624, %get3A_625] {strides = array<i32>} : memref<2x50x16x16xi32, #tpu.memory_space<vmem>>, vector<16xi32>,
      %gather3A_627 = tpu.vector_load_idx %arg5[%get3A_626] : memref<100000xf32, #tpu.memory_space<vmem>>[vector<16xi32>], vector<16xf32>,
      %add3A_628 = arith.addf %add3A_619, %gather3A_627 : vector<16xf32>
      %get3A_629 = arith.constant 0 : i32
      %get3A_630 = arith.constant 49 : i32
      %get3A_631 = arith.index_cast %get3A_629 : i32 to index
      %get3A_632 = arith.index_cast %get3A_630 : i32 to index
      %get3A_633 = arith.index_cast %scan3A_190 : i32 to index
      %get3A_634 = arith.constant 0 : index
      %get3A_635 = tpu.vector_load %arg6[%get3A_631, %get3A_632, %get3A_633, %get3A_634] {strides = array<i32>} : memref<2x50x16x16xi32, #tpu.memory_space<vmem>>, vector<16xi32>,
      %gather3A_636 = tpu.vector_load_idx %arg5[%get3A_635] : memref<100000xf32, #tpu.memory_space<vmem>>[vector<16xi32>], vector<16xf32>,
      %add3A_637 = arith.addf %add3A_628, %gather3A_636 : vector<16xf32>
      %mul3A_638 = vector.broadcast %scan3A_68 : f32 to vector<16xf32>
      %mul3A_639 = arith.mulf %add3A_637, %mul3A_638 : vector<16xf32>
      %add3A_640 = arith.constant 0 : i32
      %add3A_641 = arith.addi %add3A_640, %scan3A_190 : i32
      %swap3A = arith.index_cast %add3A_641 : i32 to index
      %swap3A_642 = arith.constant 0 : index
      %swap3A_643 = tpu.vector_load %arg7[%swap3A, %swap3A_642] {strides = array<i32>} : memref<64x16xf32, #tpu.memory_space<vmem>>, vector<16xf32>,
      tpu.vector_store %arg7[%swap3A, %swap3A_642], %mul3A_639 {strides = array<i32>} : memref<64x16xf32, #tpu.memory_space<vmem>>, vector<16xf32>,
    }
    %scan3A_73 = arith.constant 16 : i32
    %dma_start3A_74 = arith.constant 0 : i32
    %dma_start3A_75 = arith.constant 0 : i32
    %dma_start3A_76 = arith.constant 0 : i32
    %dma_start3A_77 = arith.constant 0 : i32
    %dma_start3A_78 = tpu.memref_slice %arg6[%dma_start3A_74, %dma_start3A_75, %dma_start3A_76, %dma_start3A_77] : memref<2x50x16x16xi32, #tpu.memory_space<vmem>> -> memref<1x50x16x16xi32, #tpu.memory_space<vmem>>
    %dma_start3A_79 = tpu.memref_squeeze %dma_start3A_78 : memref<1x50x16x16xi32, #tpu.memory_space<vmem>> -> memref<50x16x16xi32, #tpu.memory_space<vmem>>
    %dma_start3A_80 = arith.constant 0 : i32
    %dma_start3A_81 = arith.constant 32 : i32
    %dma_start3A_82 = arith.constant 0 : i32
    %dma_start3A_83 = tpu.memref_slice %arg2[%dma_start3A_80, %dma_start3A_81, %dma_start3A_82] : memref<50x64x16xi32, #tpu.memory_space<hbm>> -> memref<50x16x16xi32, #tpu.memory_space<hbm>>
    %dma_start3A_84 = arith.constant 0 : i32
    %dma_start3A_85 = arith.constant 0 : i32
    %dma_start3A_86 = arith.constant 0 : i32
    %dma_start3A_87 = tpu.memref_slice %arg6[%dma_start3A_74, %dma_start3A_84, %dma_start3A_85, %dma_start3A_86] : memref<2x50x16x16xi32, #tpu.memory_space<vmem>> -> memref<1x50x16x16xi32, #tpu.memory_space<vmem>>
    %dma_start3A_88 = tpu.memref_squeeze %dma_start3A_87 : memref<1x50x16x16xi32, #tpu.memory_space<vmem>> -> memref<50x16x16xi32, #tpu.memory_space<vmem>>
    %dma_start3A_89 = arith.constant 0 : i32
    %dma_start3A_90 = arith.constant 32 : i32
    %dma_start3A_91 = arith.constant 0 : i32
    %dma_start3A_92 = tpu.memref_slice %arg2[%dma_start3A_89, %dma_start3A_90, %dma_start3A_91] : memref<50x64x16xi32, #tpu.memory_space<hbm>> -> memref<50x16x16xi32, #tpu.memory_space<hbm>>
    tpu.enqueue_dma source(%dma_start3A_92 : memref<50x16x16xi32, #tpu.memory_space<hbm>>) target(%dma_start3A_88 : memref<50x16x16xi32, #tpu.memory_space<vmem>>) target_semaphore(%arg9 : memref<!tpu.dma_semaphore, #tpu.memory_space<semaphore_mem>>)
    %dma_wait3A_93 = arith.constant 1 : i32
    %dma_wait3A_94 = arith.constant 0 : i32
    %dma_wait3A_95 = arith.constant 0 : i32
    %dma_wait3A_96 = arith.constant 0 : i32
    %dma_wait3A_97 = tpu.memref_slice %arg6[%dma_wait3A_93, %dma_wait3A_94, %dma_wait3A_95, %dma_wait3A_96] : memref<2x50x16x16xi32, #tpu.memory_space<vmem>> -> memref<1x50x16x16xi32, #tpu.memory_space<vmem>>
    %dma_wait3A_98 = tpu.memref_squeeze %dma_wait3A_97 : memref<1x50x16x16xi32, #tpu.memory_space<vmem>> -> memref<50x16x16xi32, #tpu.memory_space<vmem>>
    %dma_wait3A_99 = arith.constant 0 : i32
    %dma_wait3A_100 = arith.constant 16 : i32
    %dma_wait3A_101 = arith.constant 0 : i32
    %dma_wait3A_102 = tpu.memref_slice %arg2[%dma_wait3A_99, %dma_wait3A_100, %dma_wait3A_101] : memref<50x64x16xi32, #tpu.memory_space<hbm>> -> memref<50x16x16xi32, #tpu.memory_space<hbm>>
    %dma_wait3A_103 = arith.constant 0 : i32
    %dma_wait3A_104 = arith.constant 0 : i32
    %dma_wait3A_105 = arith.constant 0 : i32
    %dma_wait3A_106 = tpu.memref_slice %arg6[%dma_wait3A_93, %dma_wait3A_103, %dma_wait3A_104, %dma_wait3A_105] : memref<2x50x16x16xi32, #tpu.memory_space<vmem>> -> memref<1x50x16x16xi32, #tpu.memory_space<vmem>>
    %dma_wait3A_107 = tpu.memref_squeeze %dma_wait3A_106 : memref<1x50x16x16xi32, #tpu.memory_space<vmem>> -> memref<50x16x16xi32, #tpu.memory_space<vmem>>
    %dma_wait3A_108 = arith.constant 0 : i32
    %dma_wait3A_109 = arith.constant 16 : i32
    %dma_wait3A_110 = arith.constant 0 : i32
    %dma_wait3A_111 = tpu.memref_slice %arg2[%dma_wait3A_108, %dma_wait3A_109, %dma_wait3A_110] : memref<50x64x16xi32, #tpu.memory_space<hbm>> -> memref<50x16x16xi32, #tpu.memory_space<hbm>>
    tpu.wait_dma2 semaphore(%arg10 : memref<!tpu.dma_semaphore, #tpu.memory_space<semaphore_mem>>) src(%dma_wait3A_111 : memref<50x16x16xi32, #tpu.memory_space<hbm>>) dst(%dma_wait3A_107 : memref<50x16x16xi32, #tpu.memory_space<vmem>>)
    %scan3A_112 = arith.constant 0 : i32
    %scan3A_113 = arith.constant 2.000000e-02 : f32
    %scan3A_114 = arith.constant 0 : i32
    %scan3A_115 = arith.constant 16 : i32
    %scan3A_116 = arith.addi %scan3A_114, %scan3A_115 : i32
    %scan3A_117 = arith.constant 1 : i32
    scf.for %scan3A_190 = %scan3A_114 to %scan3A_116 step %scan3A_117  : i32 {
      %get3A = arith.constant 1 : i32
      %get3A_191 = arith.constant 0 : i32
      %get3A_192 = arith.index_cast %get3A : i32 to index
      %get3A_193 = arith.index_cast %get3A_191 : i32 to index
      %get3A_194 = arith.index_cast %scan3A_190 : i32 to index
      %get3A_195 = arith.constant 0 : index
      %get3A_196 = tpu.vector_load %arg6[%get3A_192, %get3A_193, %get3A_194, %get3A_195] {strides = array<i32>} : memref<2x50x16x16xi32, #tpu.memory_space<vmem>>, vector<16xi32>,
      %gather3A = tpu.vector_load_idx %arg5[%get3A_196] : memref<100000xf32, #tpu.memory_space<vmem>>[vector<16xi32>], vector<16xf32>,
      %get3A_197 = arith.constant 1 : i32
      %get3A_198 = arith.constant 1 : i32
      %get3A_199 = arith.index_cast %get3A_197 : i32 to index
      %get3A_200 = arith.index_cast %get3A_198 : i32 to index
      %get3A_201 = arith.index_cast %scan3A_190 : i32 to index
      %get3A_202 = arith.constant 0 : index
      %get3A_203 = tpu.vector_load %arg6[%get3A_199, %get3A_200, %get3A_201, %get3A_202] {strides = array<i32>} : memref<2x50x16x16xi32, #tpu.memory_space<vmem>>, vector<16xi32>,
      %gather3A_204 = tpu.vector_load_idx %arg5[%get3A_203] : memref<100000xf32, #tpu.memory_space<vmem>>[vector<16xi32>], vector<16xf32>,
      %add3A_205 = arith.addf %gather3A, %gather3A_204 : vector<16xf32>
      %get3A_206 = arith.constant 1 : i32
      %get3A_207 = arith.constant 2 : i32
      %get3A_208 = arith.index_cast %get3A_206 : i32 to index
      %get3A_209 = arith.index_cast %get3A_207 : i32 to index
      %get3A_210 = arith.index_cast %scan3A_190 : i32 to index
      %get3A_211 = arith.constant 0 : index
      %get3A_212 = tpu.vector_load %arg6[%get3A_208, %get3A_209, %get3A_210, %get3A_211] {strides = array<i32>} : memref<2x50x16x16xi32, #tpu.memory_space<vmem>>, vector<16xi32>,
      %gather3A_213 = tpu.vector_load_idx %arg5[%get3A_212] : memref<100000xf32, #tpu.memory_space<vmem>>[vector<16xi32>], vector<16xf32>,
      %add3A_214 = arith.addf %add3A_205, %gather3A_213 : vector<16xf32>
      %get3A_215 = arith.constant 1 : i32
      %get3A_216 = arith.constant 3 : i32
      %get3A_217 = arith.index_cast %get3A_215 : i32 to index
      %get3A_218 = arith.index_cast %get3A_216 : i32 to index
      %get3A_219 = arith.index_cast %scan3A_190 : i32 to index
      %get3A_220 = arith.constant 0 : index
      %get3A_221 = tpu.vector_load %arg6[%get3A_217, %get3A_218, %get3A_219, %get3A_220] {strides = array<i32>} : memref<2x50x16x16xi32, #tpu.memory_space<vmem>>, vector<16xi32>,
      %gather3A_222 = tpu.vector_load_idx %arg5[%get3A_221] : memref<100000xf32, #tpu.memory_space<vmem>>[vector<16xi32>], vector<16xf32>,
      %add3A_223 = arith.addf %add3A_214, %gather3A_222 : vector<16xf32>
      %get3A_224 = arith.constant 1 : i32
      %get3A_225 = arith.constant 4 : i32
      %get3A_226 = arith.index_cast %get3A_224 : i32 to index
      %get3A_227 = arith.index_cast %get3A_225 : i32 to index
      %get3A_228 = arith.index_cast %scan3A_190 : i32 to index
      %get3A_229 = arith.constant 0 : index
      %get3A_230 = tpu.vector_load %arg6[%get3A_226, %get3A_227, %get3A_228, %get3A_229] {strides = array<i32>} : memref<2x50x16x16xi32, #tpu.memory_space<vmem>>, vector<16xi32>,
      %gather3A_231 = tpu.vector_load_idx %arg5[%get3A_230] : memref<100000xf32, #tpu.memory_space<vmem>>[vector<16xi32>], vector<16xf32>,
      %add3A_232 = arith.addf %add3A_223, %gather3A_231 : vector<16xf32>
      %get3A_233 = arith.constant 1 : i32
      %get3A_234 = arith.constant 5 : i32
      %get3A_235 = arith.index_cast %get3A_233 : i32 to index
      %get3A_236 = arith.index_cast %get3A_234 : i32 to index
      %get3A_237 = arith.index_cast %scan3A_190 : i32 to index
      %get3A_238 = arith.constant 0 : index
      %get3A_239 = tpu.vector_load %arg6[%get3A_235, %get3A_236, %get3A_237, %get3A_238] {strides = array<i32>} : memref<2x50x16x16xi32, #tpu.memory_space<vmem>>, vector<16xi32>,
      %gather3A_240 = tpu.vector_load_idx %arg5[%get3A_239] : memref<100000xf32, #tpu.memory_space<vmem>>[vector<16xi32>], vector<16xf32>,
      %add3A_241 = arith.addf %add3A_232, %gather3A_240 : vector<16xf32>
      %get3A_242 = arith.constant 1 : i32
      %get3A_243 = arith.constant 6 : i32
      %get3A_244 = arith.index_cast %get3A_242 : i32 to index
      %get3A_245 = arith.index_cast %get3A_243 : i32 to index
      %get3A_246 = arith.index_cast %scan3A_190 : i32 to index
      %get3A_247 = arith.constant 0 : index
      %get3A_248 = tpu.vector_load %arg6[%get3A_244, %get3A_245, %get3A_246, %get3A_247] {strides = array<i32>} : memref<2x50x16x16xi32, #tpu.memory_space<vmem>>, vector<16xi32>,
      %gather3A_249 = tpu.vector_load_idx %arg5[%get3A_248] : memref<100000xf32, #tpu.memory_space<vmem>>[vector<16xi32>], vector<16xf32>,
      %add3A_250 = arith.addf %add3A_241, %gather3A_249 : vector<16xf32>
      %get3A_251 = arith.constant 1 : i32
      %get3A_252 = arith.constant 7 : i32
      %get3A_253 = arith.index_cast %get3A_251 : i32 to index
      %get3A_254 = arith.index_cast %get3A_252 : i32 to index
      %get3A_255 = arith.index_cast %scan3A_190 : i32 to index
      %get3A_256 = arith.constant 0 : index
      %get3A_257 = tpu.vector_load %arg6[%get3A_253, %get3A_254, %get3A_255, %get3A_256] {strides = array<i32>} : memref<2x50x16x16xi32, #tpu.memory_space<vmem>>, vector<16xi32>,
      %gather3A_258 = tpu.vector_load_idx %arg5[%get3A_257] : memref<100000xf32, #tpu.memory_space<vmem>>[vector<16xi32>], vector<16xf32>,
      %add3A_259 = arith.addf %add3A_250, %gather3A_258 : vector<16xf32>
      %get3A_260 = arith.constant 1 : i32
      %get3A_261 = arith.constant 8 : i32
      %get3A_262 = arith.index_cast %get3A_260 : i32 to index
      %get3A_263 = arith.index_cast %get3A_261 : i32 to index
      %get3A_264 = arith.index_cast %scan3A_190 : i32 to index
      %get3A_265 = arith.constant 0 : index
      %get3A_266 = tpu.vector_load %arg6[%get3A_262, %get3A_263, %get3A_264, %get3A_265] {strides = array<i32>} : memref<2x50x16x16xi32, #tpu.memory_space<vmem>>, vector<16xi32>,
      %gather3A_267 = tpu.vector_load_idx %arg5[%get3A_266] : memref<100000xf32, #tpu.memory_space<vmem>>[vector<16xi32>], vector<16xf32>,
      %add3A_268 = arith.addf %add3A_259, %gather3A_267 : vector<16xf32>
      %get3A_269 = arith.constant 1 : i32
      %get3A_270 = arith.constant 9 : i32
      %get3A_271 = arith.index_cast %get3A_269 : i32 to index
      %get3A_272 = arith.index_cast %get3A_270 : i32 to index
      %get3A_273 = arith.index_cast %scan3A_190 : i32 to index
      %get3A_274 = arith.constant 0 : index
      %get3A_275 = tpu.vector_load %arg6[%get3A_271, %get3A_272, %get3A_273, %get3A_274] {strides = array<i32>} : memref<2x50x16x16xi32, #tpu.memory_space<vmem>>, vector<16xi32>,
      %gather3A_276 = tpu.vector_load_idx %arg5[%get3A_275] : memref<100000xf32, #tpu.memory_space<vmem>>[vector<16xi32>], vector<16xf32>,
      %add3A_277 = arith.addf %add3A_268, %gather3A_276 : vector<16xf32>
      %get3A_278 = arith.constant 1 : i32
      %get3A_279 = arith.constant 10 : i32
      %get3A_280 = arith.index_cast %get3A_278 : i32 to index
      %get3A_281 = arith.index_cast %get3A_279 : i32 to index
      %get3A_282 = arith.index_cast %scan3A_190 : i32 to index
      %get3A_283 = arith.constant 0 : index
      %get3A_284 = tpu.vector_load %arg6[%get3A_280, %get3A_281, %get3A_282, %get3A_283] {strides = array<i32>} : memref<2x50x16x16xi32, #tpu.memory_space<vmem>>, vector<16xi32>,
      %gather3A_285 = tpu.vector_load_idx %arg5[%get3A_284] : memref<100000xf32, #tpu.memory_space<vmem>>[vector<16xi32>], vector<16xf32>,
      %add3A_286 = arith.addf %add3A_277, %gather3A_285 : vector<16xf32>
      %get3A_287 = arith.constant 1 : i32
      %get3A_288 = arith.constant 11 : i32
      %get3A_289 = arith.index_cast %get3A_287 : i32 to index
      %get3A_290 = arith.index_cast %get3A_288 : i32 to index
      %get3A_291 = arith.index_cast %scan3A_190 : i32 to index
      %get3A_292 = arith.constant 0 : index
      %get3A_293 = tpu.vector_load %arg6[%get3A_289, %get3A_290, %get3A_291, %get3A_292] {strides = array<i32>} : memref<2x50x16x16xi32, #tpu.memory_space<vmem>>, vector<16xi32>,
      %gather3A_294 = tpu.vector_load_idx %arg5[%get3A_293] : memref<100000xf32, #tpu.memory_space<vmem>>[vector<16xi32>], vector<16xf32>,
      %add3A_295 = arith.addf %add3A_286, %gather3A_294 : vector<16xf32>
      %get3A_296 = arith.constant 1 : i32
      %get3A_297 = arith.constant 12 : i32
      %get3A_298 = arith.index_cast %get3A_296 : i32 to index
      %get3A_299 = arith.index_cast %get3A_297 : i32 to index
      %get3A_300 = arith.index_cast %scan3A_190 : i32 to index
      %get3A_301 = arith.constant 0 : index
      %get3A_302 = tpu.vector_load %arg6[%get3A_298, %get3A_299, %get3A_300, %get3A_301] {strides = array<i32>} : memref<2x50x16x16xi32, #tpu.memory_space<vmem>>, vector<16xi32>,
      %gather3A_303 = tpu.vector_load_idx %arg5[%get3A_302] : memref<100000xf32, #tpu.memory_space<vmem>>[vector<16xi32>], vector<16xf32>,
      %add3A_304 = arith.addf %add3A_295, %gather3A_303 : vector<16xf32>
      %get3A_305 = arith.constant 1 : i32
      %get3A_306 = arith.constant 13 : i32
      %get3A_307 = arith.index_cast %get3A_305 : i32 to index
      %get3A_308 = arith.index_cast %get3A_306 : i32 to index
      %get3A_309 = arith.index_cast %scan3A_190 : i32 to index
      %get3A_310 = arith.constant 0 : index
      %get3A_311 = tpu.vector_load %arg6[%get3A_307, %get3A_308, %get3A_309, %get3A_310] {strides = array<i32>} : memref<2x50x16x16xi32, #tpu.memory_space<vmem>>, vector<16xi32>,
      %gather3A_312 = tpu.vector_load_idx %arg5[%get3A_311] : memref<100000xf32, #tpu.memory_space<vmem>>[vector<16xi32>], vector<16xf32>,
      %add3A_313 = arith.addf %add3A_304, %gather3A_312 : vector<16xf32>
      %get3A_314 = arith.constant 1 : i32
      %get3A_315 = arith.constant 14 : i32
      %get3A_316 = arith.index_cast %get3A_314 : i32 to index
      %get3A_317 = arith.index_cast %get3A_315 : i32 to index
      %get3A_318 = arith.index_cast %scan3A_190 : i32 to index
      %get3A_319 = arith.constant 0 : index
      %get3A_320 = tpu.vector_load %arg6[%get3A_316, %get3A_317, %get3A_318, %get3A_319] {strides = array<i32>} : memref<2x50x16x16xi32, #tpu.memory_space<vmem>>, vector<16xi32>,
      %gather3A_321 = tpu.vector_load_idx %arg5[%get3A_320] : memref<100000xf32, #tpu.memory_space<vmem>>[vector<16xi32>], vector<16xf32>,
      %add3A_322 = arith.addf %add3A_313, %gather3A_321 : vector<16xf32>
      %get3A_323 = arith.constant 1 : i32
      %get3A_324 = arith.constant 15 : i32
      %get3A_325 = arith.index_cast %get3A_323 : i32 to index
      %get3A_326 = arith.index_cast %get3A_324 : i32 to index
      %get3A_327 = arith.index_cast %scan3A_190 : i32 to index
      %get3A_328 = arith.constant 0 : index
      %get3A_329 = tpu.vector_load %arg6[%get3A_325, %get3A_326, %get3A_327, %get3A_328] {strides = array<i32>} : memref<2x50x16x16xi32, #tpu.memory_space<vmem>>, vector<16xi32>,
      %gather3A_330 = tpu.vector_load_idx %arg5[%get3A_329] : memref<100000xf32, #tpu.memory_space<vmem>>[vector<16xi32>], vector<16xf32>,
      %add3A_331 = arith.addf %add3A_322, %gather3A_330 : vector<16xf32>
      %get3A_332 = arith.constant 1 : i32
      %get3A_333 = arith.constant 16 : i32
      %get3A_334 = arith.index_cast %get3A_332 : i32 to index
      %get3A_335 = arith.index_cast %get3A_333 : i32 to index
      %get3A_336 = arith.index_cast %scan3A_190 : i32 to index
      %get3A_337 = arith.constant 0 : index
      %get3A_338 = tpu.vector_load %arg6[%get3A_334, %get3A_335, %get3A_336, %get3A_337] {strides = array<i32>} : memref<2x50x16x16xi32, #tpu.memory_space<vmem>>, vector<16xi32>,
      %gather3A_339 = tpu.vector_load_idx %arg5[%get3A_338] : memref<100000xf32, #tpu.memory_space<vmem>>[vector<16xi32>], vector<16xf32>,
      %add3A_340 = arith.addf %add3A_331, %gather3A_339 : vector<16xf32>
      %get3A_341 = arith.constant 1 : i32
      %get3A_342 = arith.constant 17 : i32
      %get3A_343 = arith.index_cast %get3A_341 : i32 to index
      %get3A_344 = arith.index_cast %get3A_342 : i32 to index
      %get3A_345 = arith.index_cast %scan3A_190 : i32 to index
      %get3A_346 = arith.constant 0 : index
      %get3A_347 = tpu.vector_load %arg6[%get3A_343, %get3A_344, %get3A_345, %get3A_346] {strides = array<i32>} : memref<2x50x16x16xi32, #tpu.memory_space<vmem>>, vector<16xi32>,
      %gather3A_348 = tpu.vector_load_idx %arg5[%get3A_347] : memref<100000xf32, #tpu.memory_space<vmem>>[vector<16xi32>], vector<16xf32>,
      %add3A_349 = arith.addf %add3A_340, %gather3A_348 : vector<16xf32>
      %get3A_350 = arith.constant 1 : i32
      %get3A_351 = arith.constant 18 : i32
      %get3A_352 = arith.index_cast %get3A_350 : i32 to index
      %get3A_353 = arith.index_cast %get3A_351 : i32 to index
      %get3A_354 = arith.index_cast %scan3A_190 : i32 to index
      %get3A_355 = arith.constant 0 : index
      %get3A_356 = tpu.vector_load %arg6[%get3A_352, %get3A_353, %get3A_354, %get3A_355] {strides = array<i32>} : memref<2x50x16x16xi32, #tpu.memory_space<vmem>>, vector<16xi32>,
      %gather3A_357 = tpu.vector_load_idx %arg5[%get3A_356] : memref<100000xf32, #tpu.memory_space<vmem>>[vector<16xi32>], vector<16xf32>,
      %add3A_358 = arith.addf %add3A_349, %gather3A_357 : vector<16xf32>
      %get3A_359 = arith.constant 1 : i32
      %get3A_360 = arith.constant 19 : i32
      %get3A_361 = arith.index_cast %get3A_359 : i32 to index
      %get3A_362 = arith.index_cast %get3A_360 : i32 to index
      %get3A_363 = arith.index_cast %scan3A_190 : i32 to index
      %get3A_364 = arith.constant 0 : index
      %get3A_365 = tpu.vector_load %arg6[%get3A_361, %get3A_362, %get3A_363, %get3A_364] {strides = array<i32>} : memref<2x50x16x16xi32, #tpu.memory_space<vmem>>, vector<16xi32>,
      %gather3A_366 = tpu.vector_load_idx %arg5[%get3A_365] : memref<100000xf32, #tpu.memory_space<vmem>>[vector<16xi32>], vector<16xf32>,
      %add3A_367 = arith.addf %add3A_358, %gather3A_366 : vector<16xf32>
      %get3A_368 = arith.constant 1 : i32
      %get3A_369 = arith.constant 20 : i32
      %get3A_370 = arith.index_cast %get3A_368 : i32 to index
      %get3A_371 = arith.index_cast %get3A_369 : i32 to index
      %get3A_372 = arith.index_cast %scan3A_190 : i32 to index
      %get3A_373 = arith.constant 0 : index
      %get3A_374 = tpu.vector_load %arg6[%get3A_370, %get3A_371, %get3A_372, %get3A_373] {strides = array<i32>} : memref<2x50x16x16xi32, #tpu.memory_space<vmem>>, vector<16xi32>,
      %gather3A_375 = tpu.vector_load_idx %arg5[%get3A_374] : memref<100000xf32, #tpu.memory_space<vmem>>[vector<16xi32>], vector<16xf32>,
      %add3A_376 = arith.addf %add3A_367, %gather3A_375 : vector<16xf32>
      %get3A_377 = arith.constant 1 : i32
      %get3A_378 = arith.constant 21 : i32
      %get3A_379 = arith.index_cast %get3A_377 : i32 to index
      %get3A_380 = arith.index_cast %get3A_378 : i32 to index
      %get3A_381 = arith.index_cast %scan3A_190 : i32 to index
      %get3A_382 = arith.constant 0 : index
      %get3A_383 = tpu.vector_load %arg6[%get3A_379, %get3A_380, %get3A_381, %get3A_382] {strides = array<i32>} : memref<2x50x16x16xi32, #tpu.memory_space<vmem>>, vector<16xi32>,
      %gather3A_384 = tpu.vector_load_idx %arg5[%get3A_383] : memref<100000xf32, #tpu.memory_space<vmem>>[vector<16xi32>], vector<16xf32>,
      %add3A_385 = arith.addf %add3A_376, %gather3A_384 : vector<16xf32>
      %get3A_386 = arith.constant 1 : i32
      %get3A_387 = arith.constant 22 : i32
      %get3A_388 = arith.index_cast %get3A_386 : i32 to index
      %get3A_389 = arith.index_cast %get3A_387 : i32 to index
      %get3A_390 = arith.index_cast %scan3A_190 : i32 to index
      %get3A_391 = arith.constant 0 : index
      %get3A_392 = tpu.vector_load %arg6[%get3A_388, %get3A_389, %get3A_390, %get3A_391] {strides = array<i32>} : memref<2x50x16x16xi32, #tpu.memory_space<vmem>>, vector<16xi32>,
      %gather3A_393 = tpu.vector_load_idx %arg5[%get3A_392] : memref<100000xf32, #tpu.memory_space<vmem>>[vector<16xi32>], vector<16xf32>,
      %add3A_394 = arith.addf %add3A_385, %gather3A_393 : vector<16xf32>
      %get3A_395 = arith.constant 1 : i32
      %get3A_396 = arith.constant 23 : i32
      %get3A_397 = arith.index_cast %get3A_395 : i32 to index
      %get3A_398 = arith.index_cast %get3A_396 : i32 to index
      %get3A_399 = arith.index_cast %scan3A_190 : i32 to index
      %get3A_400 = arith.constant 0 : index
      %get3A_401 = tpu.vector_load %arg6[%get3A_397, %get3A_398, %get3A_399, %get3A_400] {strides = array<i32>} : memref<2x50x16x16xi32, #tpu.memory_space<vmem>>, vector<16xi32>,
      %gather3A_402 = tpu.vector_load_idx %arg5[%get3A_401] : memref<100000xf32, #tpu.memory_space<vmem>>[vector<16xi32>], vector<16xf32>,
      %add3A_403 = arith.addf %add3A_394, %gather3A_402 : vector<16xf32>
      %get3A_404 = arith.constant 1 : i32
      %get3A_405 = arith.constant 24 : i32
      %get3A_406 = arith.index_cast %get3A_404 : i32 to index
      %get3A_407 = arith.index_cast %get3A_405 : i32 to index
      %get3A_408 = arith.index_cast %scan3A_190 : i32 to index
      %get3A_409 = arith.constant 0 : index
      %get3A_410 = tpu.vector_load %arg6[%get3A_406, %get3A_407, %get3A_408, %get3A_409] {strides = array<i32>} : memref<2x50x16x16xi32, #tpu.memory_space<vmem>>, vector<16xi32>,
      %gather3A_411 = tpu.vector_load_idx %arg5[%get3A_410] : memref<100000xf32, #tpu.memory_space<vmem>>[vector<16xi32>], vector<16xf32>,
      %add3A_412 = arith.addf %add3A_403, %gather3A_411 : vector<16xf32>
      %get3A_413 = arith.constant 1 : i32
      %get3A_414 = arith.constant 25 : i32
      %get3A_415 = arith.index_cast %get3A_413 : i32 to index
      %get3A_416 = arith.index_cast %get3A_414 : i32 to index
      %get3A_417 = arith.index_cast %scan3A_190 : i32 to index
      %get3A_418 = arith.constant 0 : index
      %get3A_419 = tpu.vector_load %arg6[%get3A_415, %get3A_416, %get3A_417, %get3A_418] {strides = array<i32>} : memref<2x50x16x16xi32, #tpu.memory_space<vmem>>, vector<16xi32>,
      %gather3A_420 = tpu.vector_load_idx %arg5[%get3A_419] : memref<100000xf32, #tpu.memory_space<vmem>>[vector<16xi32>], vector<16xf32>,
      %add3A_421 = arith.addf %add3A_412, %gather3A_420 : vector<16xf32>
      %get3A_422 = arith.constant 1 : i32
      %get3A_423 = arith.constant 26 : i32
      %get3A_424 = arith.index_cast %get3A_422 : i32 to index
      %get3A_425 = arith.index_cast %get3A_423 : i32 to index
      %get3A_426 = arith.index_cast %scan3A_190 : i32 to index
      %get3A_427 = arith.constant 0 : index
      %get3A_428 = tpu.vector_load %arg6[%get3A_424, %get3A_425, %get3A_426, %get3A_427] {strides = array<i32>} : memref<2x50x16x16xi32, #tpu.memory_space<vmem>>, vector<16xi32>,
      %gather3A_429 = tpu.vector_load_idx %arg5[%get3A_428] : memref<100000xf32, #tpu.memory_space<vmem>>[vector<16xi32>], vector<16xf32>,
      %add3A_430 = arith.addf %add3A_421, %gather3A_429 : vector<16xf32>
      %get3A_431 = arith.constant 1 : i32
      %get3A_432 = arith.constant 27 : i32
      %get3A_433 = arith.index_cast %get3A_431 : i32 to index
      %get3A_434 = arith.index_cast %get3A_432 : i32 to index
      %get3A_435 = arith.index_cast %scan3A_190 : i32 to index
      %get3A_436 = arith.constant 0 : index
      %get3A_437 = tpu.vector_load %arg6[%get3A_433, %get3A_434, %get3A_435, %get3A_436] {strides = array<i32>} : memref<2x50x16x16xi32, #tpu.memory_space<vmem>>, vector<16xi32>,
      %gather3A_438 = tpu.vector_load_idx %arg5[%get3A_437] : memref<100000xf32, #tpu.memory_space<vmem>>[vector<16xi32>], vector<16xf32>,
      %add3A_439 = arith.addf %add3A_430, %gather3A_438 : vector<16xf32>
      %get3A_440 = arith.constant 1 : i32
      %get3A_441 = arith.constant 28 : i32
      %get3A_442 = arith.index_cast %get3A_440 : i32 to index
      %get3A_443 = arith.index_cast %get3A_441 : i32 to index
      %get3A_444 = arith.index_cast %scan3A_190 : i32 to index
      %get3A_445 = arith.constant 0 : index
      %get3A_446 = tpu.vector_load %arg6[%get3A_442, %get3A_443, %get3A_444, %get3A_445] {strides = array<i32>} : memref<2x50x16x16xi32, #tpu.memory_space<vmem>>, vector<16xi32>,
      %gather3A_447 = tpu.vector_load_idx %arg5[%get3A_446] : memref<100000xf32, #tpu.memory_space<vmem>>[vector<16xi32>], vector<16xf32>,
      %add3A_448 = arith.addf %add3A_439, %gather3A_447 : vector<16xf32>
      %get3A_449 = arith.constant 1 : i32
      %get3A_450 = arith.constant 29 : i32
      %get3A_451 = arith.index_cast %get3A_449 : i32 to index
      %get3A_452 = arith.index_cast %get3A_450 : i32 to index
      %get3A_453 = arith.index_cast %scan3A_190 : i32 to index
      %get3A_454 = arith.constant 0 : index
      %get3A_455 = tpu.vector_load %arg6[%get3A_451, %get3A_452, %get3A_453, %get3A_454] {strides = array<i32>} : memref<2x50x16x16xi32, #tpu.memory_space<vmem>>, vector<16xi32>,
      %gather3A_456 = tpu.vector_load_idx %arg5[%get3A_455] : memref<100000xf32, #tpu.memory_space<vmem>>[vector<16xi32>], vector<16xf32>,
      %add3A_457 = arith.addf %add3A_448, %gather3A_456 : vector<16xf32>
      %get3A_458 = arith.constant 1 : i32
      %get3A_459 = arith.constant 30 : i32
      %get3A_460 = arith.index_cast %get3A_458 : i32 to index
      %get3A_461 = arith.index_cast %get3A_459 : i32 to index
      %get3A_462 = arith.index_cast %scan3A_190 : i32 to index
      %get3A_463 = arith.constant 0 : index
      %get3A_464 = tpu.vector_load %arg6[%get3A_460, %get3A_461, %get3A_462, %get3A_463] {strides = array<i32>} : memref<2x50x16x16xi32, #tpu.memory_space<vmem>>, vector<16xi32>,
      %gather3A_465 = tpu.vector_load_idx %arg5[%get3A_464] : memref<100000xf32, #tpu.memory_space<vmem>>[vector<16xi32>], vector<16xf32>,
      %add3A_466 = arith.addf %add3A_457, %gather3A_465 : vector<16xf32>
      %get3A_467 = arith.constant 1 : i32
      %get3A_468 = arith.constant 31 : i32
      %get3A_469 = arith.index_cast %get3A_467 : i32 to index
      %get3A_470 = arith.index_cast %get3A_468 : i32 to index
      %get3A_471 = arith.index_cast %scan3A_190 : i32 to index
      %get3A_472 = arith.constant 0 : index
      %get3A_473 = tpu.vector_load %arg6[%get3A_469, %get3A_470, %get3A_471, %get3A_472] {strides = array<i32>} : memref<2x50x16x16xi32, #tpu.memory_space<vmem>>, vector<16xi32>,
      %gather3A_474 = tpu.vector_load_idx %arg5[%get3A_473] : memref<100000xf32, #tpu.memory_space<vmem>>[vector<16xi32>], vector<16xf32>,
      %add3A_475 = arith.addf %add3A_466, %gather3A_474 : vector<16xf32>
      %get3A_476 = arith.constant 1 : i32
      %get3A_477 = arith.constant 32 : i32
      %get3A_478 = arith.index_cast %get3A_476 : i32 to index
      %get3A_479 = arith.index_cast %get3A_477 : i32 to index
      %get3A_480 = arith.index_cast %scan3A_190 : i32 to index
      %get3A_481 = arith.constant 0 : index
      %get3A_482 = tpu.vector_load %arg6[%get3A_478, %get3A_479, %get3A_480, %get3A_481] {strides = array<i32>} : memref<2x50x16x16xi32, #tpu.memory_space<vmem>>, vector<16xi32>,
      %gather3A_483 = tpu.vector_load_idx %arg5[%get3A_482] : memref<100000xf32, #tpu.memory_space<vmem>>[vector<16xi32>], vector<16xf32>,
      %add3A_484 = arith.addf %add3A_475, %gather3A_483 : vector<16xf32>
      %get3A_485 = arith.constant 1 : i32
      %get3A_486 = arith.constant 33 : i32
      %get3A_487 = arith.index_cast %get3A_485 : i32 to index
      %get3A_488 = arith.index_cast %get3A_486 : i32 to index
      %get3A_489 = arith.index_cast %scan3A_190 : i32 to index
      %get3A_490 = arith.constant 0 : index
      %get3A_491 = tpu.vector_load %arg6[%get3A_487, %get3A_488, %get3A_489, %get3A_490] {strides = array<i32>} : memref<2x50x16x16xi32, #tpu.memory_space<vmem>>, vector<16xi32>,
      %gather3A_492 = tpu.vector_load_idx %arg5[%get3A_491] : memref<100000xf32, #tpu.memory_space<vmem>>[vector<16xi32>], vector<16xf32>,
      %add3A_493 = arith.addf %add3A_484, %gather3A_492 : vector<16xf32>
      %get3A_494 = arith.constant 1 : i32
      %get3A_495 = arith.constant 34 : i32
      %get3A_496 = arith.index_cast %get3A_494 : i32 to index
      %get3A_497 = arith.index_cast %get3A_495 : i32 to index
      %get3A_498 = arith.index_cast %scan3A_190 : i32 to index
      %get3A_499 = arith.constant 0 : index
      %get3A_500 = tpu.vector_load %arg6[%get3A_496, %get3A_497, %get3A_498, %get3A_499] {strides = array<i32>} : memref<2x50x16x16xi32, #tpu.memory_space<vmem>>, vector<16xi32>,
      %gather3A_501 = tpu.vector_load_idx %arg5[%get3A_500] : memref<100000xf32, #tpu.memory_space<vmem>>[vector<16xi32>], vector<16xf32>,
      %add3A_502 = arith.addf %add3A_493, %gather3A_501 : vector<16xf32>
      %get3A_503 = arith.constant 1 : i32
      %get3A_504 = arith.constant 35 : i32
      %get3A_505 = arith.index_cast %get3A_503 : i32 to index
      %get3A_506 = arith.index_cast %get3A_504 : i32 to index
      %get3A_507 = arith.index_cast %scan3A_190 : i32 to index
      %get3A_508 = arith.constant 0 : index
      %get3A_509 = tpu.vector_load %arg6[%get3A_505, %get3A_506, %get3A_507, %get3A_508] {strides = array<i32>} : memref<2x50x16x16xi32, #tpu.memory_space<vmem>>, vector<16xi32>,
      %gather3A_510 = tpu.vector_load_idx %arg5[%get3A_509] : memref<100000xf32, #tpu.memory_space<vmem>>[vector<16xi32>], vector<16xf32>,
      %add3A_511 = arith.addf %add3A_502, %gather3A_510 : vector<16xf32>
      %get3A_512 = arith.constant 1 : i32
      %get3A_513 = arith.constant 36 : i32
      %get3A_514 = arith.index_cast %get3A_512 : i32 to index
      %get3A_515 = arith.index_cast %get3A_513 : i32 to index
      %get3A_516 = arith.index_cast %scan3A_190 : i32 to index
      %get3A_517 = arith.constant 0 : index
      %get3A_518 = tpu.vector_load %arg6[%get3A_514, %get3A_515, %get3A_516, %get3A_517] {strides = array<i32>} : memref<2x50x16x16xi32, #tpu.memory_space<vmem>>, vector<16xi32>,
      %gather3A_519 = tpu.vector_load_idx %arg5[%get3A_518] : memref<100000xf32, #tpu.memory_space<vmem>>[vector<16xi32>], vector<16xf32>,
      %add3A_520 = arith.addf %add3A_511, %gather3A_519 : vector<16xf32>
      %get3A_521 = arith.constant 1 : i32
      %get3A_522 = arith.constant 37 : i32
      %get3A_523 = arith.index_cast %get3A_521 : i32 to index
      %get3A_524 = arith.index_cast %get3A_522 : i32 to index
      %get3A_525 = arith.index_cast %scan3A_190 : i32 to index
      %get3A_526 = arith.constant 0 : index
      %get3A_527 = tpu.vector_load %arg6[%get3A_523, %get3A_524, %get3A_525, %get3A_526] {strides = array<i32>} : memref<2x50x16x16xi32, #tpu.memory_space<vmem>>, vector<16xi32>,
      %gather3A_528 = tpu.vector_load_idx %arg5[%get3A_527] : memref<100000xf32, #tpu.memory_space<vmem>>[vector<16xi32>], vector<16xf32>,
      %add3A_529 = arith.addf %add3A_520, %gather3A_528 : vector<16xf32>
      %get3A_530 = arith.constant 1 : i32
      %get3A_531 = arith.constant 38 : i32
      %get3A_532 = arith.index_cast %get3A_530 : i32 to index
      %get3A_533 = arith.index_cast %get3A_531 : i32 to index
      %get3A_534 = arith.index_cast %scan3A_190 : i32 to index
      %get3A_535 = arith.constant 0 : index
      %get3A_536 = tpu.vector_load %arg6[%get3A_532, %get3A_533, %get3A_534, %get3A_535] {strides = array<i32>} : memref<2x50x16x16xi32, #tpu.memory_space<vmem>>, vector<16xi32>,
      %gather3A_537 = tpu.vector_load_idx %arg5[%get3A_536] : memref<100000xf32, #tpu.memory_space<vmem>>[vector<16xi32>], vector<16xf32>,
      %add3A_538 = arith.addf %add3A_529, %gather3A_537 : vector<16xf32>
      %get3A_539 = arith.constant 1 : i32
      %get3A_540 = arith.constant 39 : i32
      %get3A_541 = arith.index_cast %get3A_539 : i32 to index
      %get3A_542 = arith.index_cast %get3A_540 : i32 to index
      %get3A_543 = arith.index_cast %scan3A_190 : i32 to index
      %get3A_544 = arith.constant 0 : index
      %get3A_545 = tpu.vector_load %arg6[%get3A_541, %get3A_542, %get3A_543, %get3A_544] {strides = array<i32>} : memref<2x50x16x16xi32, #tpu.memory_space<vmem>>, vector<16xi32>,
      %gather3A_546 = tpu.vector_load_idx %arg5[%get3A_545] : memref<100000xf32, #tpu.memory_space<vmem>>[vector<16xi32>], vector<16xf32>,
      %add3A_547 = arith.addf %add3A_538, %gather3A_546 : vector<16xf32>
      %get3A_548 = arith.constant 1 : i32
      %get3A_549 = arith.constant 40 : i32
      %get3A_550 = arith.index_cast %get3A_548 : i32 to index
      %get3A_551 = arith.index_cast %get3A_549 : i32 to index
      %get3A_552 = arith.index_cast %scan3A_190 : i32 to index
      %get3A_553 = arith.constant 0 : index
      %get3A_554 = tpu.vector_load %arg6[%get3A_550, %get3A_551, %get3A_552, %get3A_553] {strides = array<i32>} : memref<2x50x16x16xi32, #tpu.memory_space<vmem>>, vector<16xi32>,
      %gather3A_555 = tpu.vector_load_idx %arg5[%get3A_554] : memref<100000xf32, #tpu.memory_space<vmem>>[vector<16xi32>], vector<16xf32>,
      %add3A_556 = arith.addf %add3A_547, %gather3A_555 : vector<16xf32>
      %get3A_557 = arith.constant 1 : i32
      %get3A_558 = arith.constant 41 : i32
      %get3A_559 = arith.index_cast %get3A_557 : i32 to index
      %get3A_560 = arith.index_cast %get3A_558 : i32 to index
      %get3A_561 = arith.index_cast %scan3A_190 : i32 to index
      %get3A_562 = arith.constant 0 : index
      %get3A_563 = tpu.vector_load %arg6[%get3A_559, %get3A_560, %get3A_561, %get3A_562] {strides = array<i32>} : memref<2x50x16x16xi32, #tpu.memory_space<vmem>>, vector<16xi32>,
      %gather3A_564 = tpu.vector_load_idx %arg5[%get3A_563] : memref<100000xf32, #tpu.memory_space<vmem>>[vector<16xi32>], vector<16xf32>,
      %add3A_565 = arith.addf %add3A_556, %gather3A_564 : vector<16xf32>
      %get3A_566 = arith.constant 1 : i32
      %get3A_567 = arith.constant 42 : i32
      %get3A_568 = arith.index_cast %get3A_566 : i32 to index
      %get3A_569 = arith.index_cast %get3A_567 : i32 to index
      %get3A_570 = arith.index_cast %scan3A_190 : i32 to index
      %get3A_571 = arith.constant 0 : index
      %get3A_572 = tpu.vector_load %arg6[%get3A_568, %get3A_569, %get3A_570, %get3A_571] {strides = array<i32>} : memref<2x50x16x16xi32, #tpu.memory_space<vmem>>, vector<16xi32>,
      %gather3A_573 = tpu.vector_load_idx %arg5[%get3A_572] : memref<100000xf32, #tpu.memory_space<vmem>>[vector<16xi32>], vector<16xf32>,
      %add3A_574 = arith.addf %add3A_565, %gather3A_573 : vector<16xf32>
      %get3A_575 = arith.constant 1 : i32
      %get3A_576 = arith.constant 43 : i32
      %get3A_577 = arith.index_cast %get3A_575 : i32 to index
      %get3A_578 = arith.index_cast %get3A_576 : i32 to index
      %get3A_579 = arith.index_cast %scan3A_190 : i32 to index
      %get3A_580 = arith.constant 0 : index
      %get3A_581 = tpu.vector_load %arg6[%get3A_577, %get3A_578, %get3A_579, %get3A_580] {strides = array<i32>} : memref<2x50x16x16xi32, #tpu.memory_space<vmem>>, vector<16xi32>,
      %gather3A_582 = tpu.vector_load_idx %arg5[%get3A_581] : memref<100000xf32, #tpu.memory_space<vmem>>[vector<16xi32>], vector<16xf32>,
      %add3A_583 = arith.addf %add3A_574, %gather3A_582 : vector<16xf32>
      %get3A_584 = arith.constant 1 : i32
      %get3A_585 = arith.constant 44 : i32
      %get3A_586 = arith.index_cast %get3A_584 : i32 to index
      %get3A_587 = arith.index_cast %get3A_585 : i32 to index
      %get3A_588 = arith.index_cast %scan3A_190 : i32 to index
      %get3A_589 = arith.constant 0 : index
      %get3A_590 = tpu.vector_load %arg6[%get3A_586, %get3A_587, %get3A_588, %get3A_589] {strides = array<i32>} : memref<2x50x16x16xi32, #tpu.memory_space<vmem>>, vector<16xi32>,
      %gather3A_591 = tpu.vector_load_idx %arg5[%get3A_590] : memref<100000xf32, #tpu.memory_space<vmem>>[vector<16xi32>], vector<16xf32>,
      %add3A_592 = arith.addf %add3A_583, %gather3A_591 : vector<16xf32>
      %get3A_593 = arith.constant 1 : i32
      %get3A_594 = arith.constant 45 : i32
      %get3A_595 = arith.index_cast %get3A_593 : i32 to index
      %get3A_596 = arith.index_cast %get3A_594 : i32 to index
      %get3A_597 = arith.index_cast %scan3A_190 : i32 to index
      %get3A_598 = arith.constant 0 : index
      %get3A_599 = tpu.vector_load %arg6[%get3A_595, %get3A_596, %get3A_597, %get3A_598] {strides = array<i32>} : memref<2x50x16x16xi32, #tpu.memory_space<vmem>>, vector<16xi32>,
      %gather3A_600 = tpu.vector_load_idx %arg5[%get3A_599] : memref<100000xf32, #tpu.memory_space<vmem>>[vector<16xi32>], vector<16xf32>,
      %add3A_601 = arith.addf %add3A_592, %gather3A_600 : vector<16xf32>
      %get3A_602 = arith.constant 1 : i32
      %get3A_603 = arith.constant 46 : i32
      %get3A_604 = arith.index_cast %get3A_602 : i32 to index
      %get3A_605 = arith.index_cast %get3A_603 : i32 to index
      %get3A_606 = arith.index_cast %scan3A_190 : i32 to index
      %get3A_607 = arith.constant 0 : index
      %get3A_608 = tpu.vector_load %arg6[%get3A_604, %get3A_605, %get3A_606, %get3A_607] {strides = array<i32>} : memref<2x50x16x16xi32, #tpu.memory_space<vmem>>, vector<16xi32>,
      %gather3A_609 = tpu.vector_load_idx %arg5[%get3A_608] : memref<100000xf32, #tpu.memory_space<vmem>>[vector<16xi32>], vector<16xf32>,
      %add3A_610 = arith.addf %add3A_601, %gather3A_609 : vector<16xf32>
      %get3A_611 = arith.constant 1 : i32
      %get3A_612 = arith.constant 47 : i32
      %get3A_613 = arith.index_cast %get3A_611 : i32 to index
      %get3A_614 = arith.index_cast %get3A_612 : i32 to index
      %get3A_615 = arith.index_cast %scan3A_190 : i32 to index
      %get3A_616 = arith.constant 0 : index
      %get3A_617 = tpu.vector_load %arg6[%get3A_613, %get3A_614, %get3A_615, %get3A_616] {strides = array<i32>} : memref<2x50x16x16xi32, #tpu.memory_space<vmem>>, vector<16xi32>,
      %gather3A_618 = tpu.vector_load_idx %arg5[%get3A_617] : memref<100000xf32, #tpu.memory_space<vmem>>[vector<16xi32>], vector<16xf32>,
      %add3A_619 = arith.addf %add3A_610, %gather3A_618 : vector<16xf32>
      %get3A_620 = arith.constant 1 : i32
      %get3A_621 = arith.constant 48 : i32
      %get3A_622 = arith.index_cast %get3A_620 : i32 to index
      %get3A_623 = arith.index_cast %get3A_621 : i32 to index
      %get3A_624 = arith.index_cast %scan3A_190 : i32 to index
      %get3A_625 = arith.constant 0 : index
      %get3A_626 = tpu.vector_load %arg6[%get3A_622, %get3A_623, %get3A_624, %get3A_625] {strides = array<i32>} : memref<2x50x16x16xi32, #tpu.memory_space<vmem>>, vector<16xi32>,
      %gather3A_627 = tpu.vector_load_idx %arg5[%get3A_626] : memref<100000xf32, #tpu.memory_space<vmem>>[vector<16xi32>], vector<16xf32>,
      %add3A_628 = arith.addf %add3A_619, %gather3A_627 : vector<16xf32>
      %get3A_629 = arith.constant 1 : i32
      %get3A_630 = arith.constant 49 : i32
      %get3A_631 = arith.index_cast %get3A_629 : i32 to index
      %get3A_632 = arith.index_cast %get3A_630 : i32 to index
      %get3A_633 = arith.index_cast %scan3A_190 : i32 to index
      %get3A_634 = arith.constant 0 : index
      %get3A_635 = tpu.vector_load %arg6[%get3A_631, %get3A_632, %get3A_633, %get3A_634] {strides = array<i32>} : memref<2x50x16x16xi32, #tpu.memory_space<vmem>>, vector<16xi32>,
      %gather3A_636 = tpu.vector_load_idx %arg5[%get3A_635] : memref<100000xf32, #tpu.memory_space<vmem>>[vector<16xi32>], vector<16xf32>,
      %add3A_637 = arith.addf %add3A_628, %gather3A_636 : vector<16xf32>
      %mul3A_638 = vector.broadcast %scan3A_113 : f32 to vector<16xf32>
      %mul3A_639 = arith.mulf %add3A_637, %mul3A_638 : vector<16xf32>
      %add3A_640 = arith.constant 16 : i32
      %add3A_641 = arith.addi %add3A_640, %scan3A_190 : i32
      %swap3A = arith.index_cast %add3A_641 : i32 to index
      %swap3A_642 = arith.constant 0 : index
      %swap3A_643 = tpu.vector_load %arg7[%swap3A, %swap3A_642] {strides = array<i32>} : memref<64x16xf32, #tpu.memory_space<vmem>>, vector<16xf32>,
      tpu.vector_store %arg7[%swap3A, %swap3A_642], %mul3A_639 {strides = array<i32>} : memref<64x16xf32, #tpu.memory_space<vmem>>, vector<16xf32>,
    }
    %scan3A_118 = arith.constant 16 : i32
    %dma_start3A_119 = arith.constant 1 : i32
    %dma_start3A_120 = arith.constant 0 : i32
    %dma_start3A_121 = arith.constant 0 : i32
    %dma_start3A_122 = arith.constant 0 : i32
    %dma_start3A_123 = tpu.memref_slice %arg6[%dma_start3A_119, %dma_start3A_120, %dma_start3A_121, %dma_start3A_122] : memref<2x50x16x16xi32, #tpu.memory_space<vmem>> -> memref<1x50x16x16xi32, #tpu.memory_space<vmem>>
    %dma_start3A_124 = tpu.memref_squeeze %dma_start3A_123 : memref<1x50x16x16xi32, #tpu.memory_space<vmem>> -> memref<50x16x16xi32, #tpu.memory_space<vmem>>
    %dma_start3A_125 = arith.constant 0 : i32
    %dma_start3A_126 = arith.constant 48 : i32
    %dma_start3A_127 = arith.constant 0 : i32
    %dma_start3A_128 = tpu.memref_slice %arg2[%dma_start3A_125, %dma_start3A_126, %dma_start3A_127] : memref<50x64x16xi32, #tpu.memory_space<hbm>> -> memref<50x16x16xi32, #tpu.memory_space<hbm>>
    %dma_start3A_129 = arith.constant 0 : i32
    %dma_start3A_130 = arith.constant 0 : i32
    %dma_start3A_131 = arith.constant 0 : i32
    %dma_start3A_132 = tpu.memref_slice %arg6[%dma_start3A_119, %dma_start3A_129, %dma_start3A_130, %dma_start3A_131] : memref<2x50x16x16xi32, #tpu.memory_space<vmem>> -> memref<1x50x16x16xi32, #tpu.memory_space<vmem>>
    %dma_start3A_133 = tpu.memref_squeeze %dma_start3A_132 : memref<1x50x16x16xi32, #tpu.memory_space<vmem>> -> memref<50x16x16xi32, #tpu.memory_space<vmem>>
    %dma_start3A_134 = arith.constant 0 : i32
    %dma_start3A_135 = arith.constant 48 : i32
    %dma_start3A_136 = arith.constant 0 : i32
    %dma_start3A_137 = tpu.memref_slice %arg2[%dma_start3A_134, %dma_start3A_135, %dma_start3A_136] : memref<50x64x16xi32, #tpu.memory_space<hbm>> -> memref<50x16x16xi32, #tpu.memory_space<hbm>>
    tpu.enqueue_dma source(%dma_start3A_137 : memref<50x16x16xi32, #tpu.memory_space<hbm>>) target(%dma_start3A_133 : memref<50x16x16xi32, #tpu.memory_space<vmem>>) target_semaphore(%arg10 : memref<!tpu.dma_semaphore, #tpu.memory_space<semaphore_mem>>)
    %dma_wait3A_138 = arith.constant 0 : i32
    %dma_wait3A_139 = arith.constant 0 : i32
    %dma_wait3A_140 = arith.constant 0 : i32
    %dma_wait3A_141 = arith.constant 0 : i32
    %dma_wait3A_142 = tpu.memref_slice %arg6[%dma_wait3A_138, %dma_wait3A_139, %dma_wait3A_140, %dma_wait3A_141] : memref<2x50x16x16xi32, #tpu.memory_space<vmem>> -> memref<1x50x16x16xi32, #tpu.memory_space<vmem>>
    %dma_wait3A_143 = tpu.memref_squeeze %dma_wait3A_142 : memref<1x50x16x16xi32, #tpu.memory_space<vmem>> -> memref<50x16x16xi32, #tpu.memory_space<vmem>>
    %dma_wait3A_144 = arith.constant 0 : i32
    %dma_wait3A_145 = arith.constant 32 : i32
    %dma_wait3A_146 = arith.constant 0 : i32
    %dma_wait3A_147 = tpu.memref_slice %arg2[%dma_wait3A_144, %dma_wait3A_145, %dma_wait3A_146] : memref<50x64x16xi32, #tpu.memory_space<hbm>> -> memref<50x16x16xi32, #tpu.memory_space<hbm>>
    %dma_wait3A_148 = arith.constant 0 : i32
    %dma_wait3A_149 = arith.constant 0 : i32
    %dma_wait3A_150 = arith.constant 0 : i32
    %dma_wait3A_151 = tpu.memref_slice %arg6[%dma_wait3A_138, %dma_wait3A_148, %dma_wait3A_149, %dma_wait3A_150] : memref<2x50x16x16xi32, #tpu.memory_space<vmem>> -> memref<1x50x16x16xi32, #tpu.memory_space<vmem>>
    %dma_wait3A_152 = tpu.memref_squeeze %dma_wait3A_151 : memref<1x50x16x16xi32, #tpu.memory_space<vmem>> -> memref<50x16x16xi32, #tpu.memory_space<vmem>>
    %dma_wait3A_153 = arith.constant 0 : i32
    %dma_wait3A_154 = arith.constant 32 : i32
    %dma_wait3A_155 = arith.constant 0 : i32
    %dma_wait3A_156 = tpu.memref_slice %arg2[%dma_wait3A_153, %dma_wait3A_154, %dma_wait3A_155] : memref<50x64x16xi32, #tpu.memory_space<hbm>> -> memref<50x16x16xi32, #tpu.memory_space<hbm>>
    tpu.wait_dma2 semaphore(%arg9 : memref<!tpu.dma_semaphore, #tpu.memory_space<semaphore_mem>>) src(%dma_wait3A_156 : memref<50x16x16xi32, #tpu.memory_space<hbm>>) dst(%dma_wait3A_152 : memref<50x16x16xi32, #tpu.memory_space<vmem>>)
    %scan3A_157 = arith.constant 0 : i32
    %scan3A_158 = arith.constant 2.000000e-02 : f32
    %scan3A_159 = arith.constant 0 : i32
    %scan3A_160 = arith.constant 16 : i32
    %scan3A_161 = arith.addi %scan3A_159, %scan3A_160 : i32
    %scan3A_162 = arith.constant 1 : i32
    scf.for %scan3A_190 = %scan3A_159 to %scan3A_161 step %scan3A_162  : i32 {
      %get3A = arith.constant 0 : i32
      %get3A_191 = arith.constant 0 : i32
      %get3A_192 = arith.index_cast %get3A : i32 to index
      %get3A_193 = arith.index_cast %get3A_191 : i32 to index
      %get3A_194 = arith.index_cast %scan3A_190 : i32 to index
      %get3A_195 = arith.constant 0 : index
      %get3A_196 = tpu.vector_load %arg6[%get3A_192, %get3A_193, %get3A_194, %get3A_195] {strides = array<i32>} : memref<2x50x16x16xi32, #tpu.memory_space<vmem>>, vector<16xi32>,
      %gather3A = tpu.vector_load_idx %arg5[%get3A_196] : memref<100000xf32, #tpu.memory_space<vmem>>[vector<16xi32>], vector<16xf32>,
      %get3A_197 = arith.constant 0 : i32
      %get3A_198 = arith.constant 1 : i32
      %get3A_199 = arith.index_cast %get3A_197 : i32 to index
      %get3A_200 = arith.index_cast %get3A_198 : i32 to index
      %get3A_201 = arith.index_cast %scan3A_190 : i32 to index
      %get3A_202 = arith.constant 0 : index
      %get3A_203 = tpu.vector_load %arg6[%get3A_199, %get3A_200, %get3A_201, %get3A_202] {strides = array<i32>} : memref<2x50x16x16xi32, #tpu.memory_space<vmem>>, vector<16xi32>,
      %gather3A_204 = tpu.vector_load_idx %arg5[%get3A_203] : memref<100000xf32, #tpu.memory_space<vmem>>[vector<16xi32>], vector<16xf32>,
      %add3A_205 = arith.addf %gather3A, %gather3A_204 : vector<16xf32>
      %get3A_206 = arith.constant 0 : i32
      %get3A_207 = arith.constant 2 : i32
      %get3A_208 = arith.index_cast %get3A_206 : i32 to index
      %get3A_209 = arith.index_cast %get3A_207 : i32 to index
      %get3A_210 = arith.index_cast %scan3A_190 : i32 to index
      %get3A_211 = arith.constant 0 : index
      %get3A_212 = tpu.vector_load %arg6[%get3A_208, %get3A_209, %get3A_210, %get3A_211] {strides = array<i32>} : memref<2x50x16x16xi32, #tpu.memory_space<vmem>>, vector<16xi32>,
      %gather3A_213 = tpu.vector_load_idx %arg5[%get3A_212] : memref<100000xf32, #tpu.memory_space<vmem>>[vector<16xi32>], vector<16xf32>,
      %add3A_214 = arith.addf %add3A_205, %gather3A_213 : vector<16xf32>
      %get3A_215 = arith.constant 0 : i32
      %get3A_216 = arith.constant 3 : i32
      %get3A_217 = arith.index_cast %get3A_215 : i32 to index
      %get3A_218 = arith.index_cast %get3A_216 : i32 to index
      %get3A_219 = arith.index_cast %scan3A_190 : i32 to index
      %get3A_220 = arith.constant 0 : index
      %get3A_221 = tpu.vector_load %arg6[%get3A_217, %get3A_218, %get3A_219, %get3A_220] {strides = array<i32>} : memref<2x50x16x16xi32, #tpu.memory_space<vmem>>, vector<16xi32>,
      %gather3A_222 = tpu.vector_load_idx %arg5[%get3A_221] : memref<100000xf32, #tpu.memory_space<vmem>>[vector<16xi32>], vector<16xf32>,
      %add3A_223 = arith.addf %add3A_214, %gather3A_222 : vector<16xf32>
      %get3A_224 = arith.constant 0 : i32
      %get3A_225 = arith.constant 4 : i32
      %get3A_226 = arith.index_cast %get3A_224 : i32 to index
      %get3A_227 = arith.index_cast %get3A_225 : i32 to index
      %get3A_228 = arith.index_cast %scan3A_190 : i32 to index
      %get3A_229 = arith.constant 0 : index
      %get3A_230 = tpu.vector_load %arg6[%get3A_226, %get3A_227, %get3A_228, %get3A_229] {strides = array<i32>} : memref<2x50x16x16xi32, #tpu.memory_space<vmem>>, vector<16xi32>,
      %gather3A_231 = tpu.vector_load_idx %arg5[%get3A_230] : memref<100000xf32, #tpu.memory_space<vmem>>[vector<16xi32>], vector<16xf32>,
      %add3A_232 = arith.addf %add3A_223, %gather3A_231 : vector<16xf32>
      %get3A_233 = arith.constant 0 : i32
      %get3A_234 = arith.constant 5 : i32
      %get3A_235 = arith.index_cast %get3A_233 : i32 to index
      %get3A_236 = arith.index_cast %get3A_234 : i32 to index
      %get3A_237 = arith.index_cast %scan3A_190 : i32 to index
      %get3A_238 = arith.constant 0 : index
      %get3A_239 = tpu.vector_load %arg6[%get3A_235, %get3A_236, %get3A_237, %get3A_238] {strides = array<i32>} : memref<2x50x16x16xi32, #tpu.memory_space<vmem>>, vector<16xi32>,
      %gather3A_240 = tpu.vector_load_idx %arg5[%get3A_239] : memref<100000xf32, #tpu.memory_space<vmem>>[vector<16xi32>], vector<16xf32>,
      %add3A_241 = arith.addf %add3A_232, %gather3A_240 : vector<16xf32>
      %get3A_242 = arith.constant 0 : i32
      %get3A_243 = arith.constant 6 : i32
      %get3A_244 = arith.index_cast %get3A_242 : i32 to index
      %get3A_245 = arith.index_cast %get3A_243 : i32 to index
      %get3A_246 = arith.index_cast %scan3A_190 : i32 to index
      %get3A_247 = arith.constant 0 : index
      %get3A_248 = tpu.vector_load %arg6[%get3A_244, %get3A_245, %get3A_246, %get3A_247] {strides = array<i32>} : memref<2x50x16x16xi32, #tpu.memory_space<vmem>>, vector<16xi32>,
      %gather3A_249 = tpu.vector_load_idx %arg5[%get3A_248] : memref<100000xf32, #tpu.memory_space<vmem>>[vector<16xi32>], vector<16xf32>,
      %add3A_250 = arith.addf %add3A_241, %gather3A_249 : vector<16xf32>
      %get3A_251 = arith.constant 0 : i32
      %get3A_252 = arith.constant 7 : i32
      %get3A_253 = arith.index_cast %get3A_251 : i32 to index
      %get3A_254 = arith.index_cast %get3A_252 : i32 to index
      %get3A_255 = arith.index_cast %scan3A_190 : i32 to index
      %get3A_256 = arith.constant 0 : index
      %get3A_257 = tpu.vector_load %arg6[%get3A_253, %get3A_254, %get3A_255, %get3A_256] {strides = array<i32>} : memref<2x50x16x16xi32, #tpu.memory_space<vmem>>, vector<16xi32>,
      %gather3A_258 = tpu.vector_load_idx %arg5[%get3A_257] : memref<100000xf32, #tpu.memory_space<vmem>>[vector<16xi32>], vector<16xf32>,
      %add3A_259 = arith.addf %add3A_250, %gather3A_258 : vector<16xf32>
      %get3A_260 = arith.constant 0 : i32
      %get3A_261 = arith.constant 8 : i32
      %get3A_262 = arith.index_cast %get3A_260 : i32 to index
      %get3A_263 = arith.index_cast %get3A_261 : i32 to index
      %get3A_264 = arith.index_cast %scan3A_190 : i32 to index
      %get3A_265 = arith.constant 0 : index
      %get3A_266 = tpu.vector_load %arg6[%get3A_262, %get3A_263, %get3A_264, %get3A_265] {strides = array<i32>} : memref<2x50x16x16xi32, #tpu.memory_space<vmem>>, vector<16xi32>,
      %gather3A_267 = tpu.vector_load_idx %arg5[%get3A_266] : memref<100000xf32, #tpu.memory_space<vmem>>[vector<16xi32>], vector<16xf32>,
      %add3A_268 = arith.addf %add3A_259, %gather3A_267 : vector<16xf32>
      %get3A_269 = arith.constant 0 : i32
      %get3A_270 = arith.constant 9 : i32
      %get3A_271 = arith.index_cast %get3A_269 : i32 to index
      %get3A_272 = arith.index_cast %get3A_270 : i32 to index
      %get3A_273 = arith.index_cast %scan3A_190 : i32 to index
      %get3A_274 = arith.constant 0 : index
      %get3A_275 = tpu.vector_load %arg6[%get3A_271, %get3A_272, %get3A_273, %get3A_274] {strides = array<i32>} : memref<2x50x16x16xi32, #tpu.memory_space<vmem>>, vector<16xi32>,
      %gather3A_276 = tpu.vector_load_idx %arg5[%get3A_275] : memref<100000xf32, #tpu.memory_space<vmem>>[vector<16xi32>], vector<16xf32>,
      %add3A_277 = arith.addf %add3A_268, %gather3A_276 : vector<16xf32>
      %get3A_278 = arith.constant 0 : i32
      %get3A_279 = arith.constant 10 : i32
      %get3A_280 = arith.index_cast %get3A_278 : i32 to index
      %get3A_281 = arith.index_cast %get3A_279 : i32 to index
      %get3A_282 = arith.index_cast %scan3A_190 : i32 to index
      %get3A_283 = arith.constant 0 : index
      %get3A_284 = tpu.vector_load %arg6[%get3A_280, %get3A_281, %get3A_282, %get3A_283] {strides = array<i32>} : memref<2x50x16x16xi32, #tpu.memory_space<vmem>>, vector<16xi32>,
      %gather3A_285 = tpu.vector_load_idx %arg5[%get3A_284] : memref<100000xf32, #tpu.memory_space<vmem>>[vector<16xi32>], vector<16xf32>,
      %add3A_286 = arith.addf %add3A_277, %gather3A_285 : vector<16xf32>
      %get3A_287 = arith.constant 0 : i32
      %get3A_288 = arith.constant 11 : i32
      %get3A_289 = arith.index_cast %get3A_287 : i32 to index
      %get3A_290 = arith.index_cast %get3A_288 : i32 to index
      %get3A_291 = arith.index_cast %scan3A_190 : i32 to index
      %get3A_292 = arith.constant 0 : index
      %get3A_293 = tpu.vector_load %arg6[%get3A_289, %get3A_290, %get3A_291, %get3A_292] {strides = array<i32>} : memref<2x50x16x16xi32, #tpu.memory_space<vmem>>, vector<16xi32>,
      %gather3A_294 = tpu.vector_load_idx %arg5[%get3A_293] : memref<100000xf32, #tpu.memory_space<vmem>>[vector<16xi32>], vector<16xf32>,
      %add3A_295 = arith.addf %add3A_286, %gather3A_294 : vector<16xf32>
      %get3A_296 = arith.constant 0 : i32
      %get3A_297 = arith.constant 12 : i32
      %get3A_298 = arith.index_cast %get3A_296 : i32 to index
      %get3A_299 = arith.index_cast %get3A_297 : i32 to index
      %get3A_300 = arith.index_cast %scan3A_190 : i32 to index
      %get3A_301 = arith.constant 0 : index
      %get3A_302 = tpu.vector_load %arg6[%get3A_298, %get3A_299, %get3A_300, %get3A_301] {strides = array<i32>} : memref<2x50x16x16xi32, #tpu.memory_space<vmem>>, vector<16xi32>,
      %gather3A_303 = tpu.vector_load_idx %arg5[%get3A_302] : memref<100000xf32, #tpu.memory_space<vmem>>[vector<16xi32>], vector<16xf32>,
      %add3A_304 = arith.addf %add3A_295, %gather3A_303 : vector<16xf32>
      %get3A_305 = arith.constant 0 : i32
      %get3A_306 = arith.constant 13 : i32
      %get3A_307 = arith.index_cast %get3A_305 : i32 to index
      %get3A_308 = arith.index_cast %get3A_306 : i32 to index
      %get3A_309 = arith.index_cast %scan3A_190 : i32 to index
      %get3A_310 = arith.constant 0 : index
      %get3A_311 = tpu.vector_load %arg6[%get3A_307, %get3A_308, %get3A_309, %get3A_310] {strides = array<i32>} : memref<2x50x16x16xi32, #tpu.memory_space<vmem>>, vector<16xi32>,
      %gather3A_312 = tpu.vector_load_idx %arg5[%get3A_311] : memref<100000xf32, #tpu.memory_space<vmem>>[vector<16xi32>], vector<16xf32>,
      %add3A_313 = arith.addf %add3A_304, %gather3A_312 : vector<16xf32>
      %get3A_314 = arith.constant 0 : i32
      %get3A_315 = arith.constant 14 : i32
      %get3A_316 = arith.index_cast %get3A_314 : i32 to index
      %get3A_317 = arith.index_cast %get3A_315 : i32 to index
      %get3A_318 = arith.index_cast %scan3A_190 : i32 to index
      %get3A_319 = arith.constant 0 : index
      %get3A_320 = tpu.vector_load %arg6[%get3A_316, %get3A_317, %get3A_318, %get3A_319] {strides = array<i32>} : memref<2x50x16x16xi32, #tpu.memory_space<vmem>>, vector<16xi32>,
      %gather3A_321 = tpu.vector_load_idx %arg5[%get3A_320] : memref<100000xf32, #tpu.memory_space<vmem>>[vector<16xi32>], vector<16xf32>,
      %add3A_322 = arith.addf %add3A_313, %gather3A_321 : vector<16xf32>
      %get3A_323 = arith.constant 0 : i32
      %get3A_324 = arith.constant 15 : i32
      %get3A_325 = arith.index_cast %get3A_323 : i32 to index
      %get3A_326 = arith.index_cast %get3A_324 : i32 to index
      %get3A_327 = arith.index_cast %scan3A_190 : i32 to index
      %get3A_328 = arith.constant 0 : index
      %get3A_329 = tpu.vector_load %arg6[%get3A_325, %get3A_326, %get3A_327, %get3A_328] {strides = array<i32>} : memref<2x50x16x16xi32, #tpu.memory_space<vmem>>, vector<16xi32>,
      %gather3A_330 = tpu.vector_load_idx %arg5[%get3A_329] : memref<100000xf32, #tpu.memory_space<vmem>>[vector<16xi32>], vector<16xf32>,
      %add3A_331 = arith.addf %add3A_322, %gather3A_330 : vector<16xf32>
      %get3A_332 = arith.constant 0 : i32
      %get3A_333 = arith.constant 16 : i32
      %get3A_334 = arith.index_cast %get3A_332 : i32 to index
      %get3A_335 = arith.index_cast %get3A_333 : i32 to index
      %get3A_336 = arith.index_cast %scan3A_190 : i32 to index
      %get3A_337 = arith.constant 0 : index
      %get3A_338 = tpu.vector_load %arg6[%get3A_334, %get3A_335, %get3A_336, %get3A_337] {strides = array<i32>} : memref<2x50x16x16xi32, #tpu.memory_space<vmem>>, vector<16xi32>,
      %gather3A_339 = tpu.vector_load_idx %arg5[%get3A_338] : memref<100000xf32, #tpu.memory_space<vmem>>[vector<16xi32>], vector<16xf32>,
      %add3A_340 = arith.addf %add3A_331, %gather3A_339 : vector<16xf32>
      %get3A_341 = arith.constant 0 : i32
      %get3A_342 = arith.constant 17 : i32
      %get3A_343 = arith.index_cast %get3A_341 : i32 to index
      %get3A_344 = arith.index_cast %get3A_342 : i32 to index
      %get3A_345 = arith.index_cast %scan3A_190 : i32 to index
      %get3A_346 = arith.constant 0 : index
      %get3A_347 = tpu.vector_load %arg6[%get3A_343, %get3A_344, %get3A_345, %get3A_346] {strides = array<i32>} : memref<2x50x16x16xi32, #tpu.memory_space<vmem>>, vector<16xi32>,
      %gather3A_348 = tpu.vector_load_idx %arg5[%get3A_347] : memref<100000xf32, #tpu.memory_space<vmem>>[vector<16xi32>], vector<16xf32>,
      %add3A_349 = arith.addf %add3A_340, %gather3A_348 : vector<16xf32>
      %get3A_350 = arith.constant 0 : i32
      %get3A_351 = arith.constant 18 : i32
      %get3A_352 = arith.index_cast %get3A_350 : i32 to index
      %get3A_353 = arith.index_cast %get3A_351 : i32 to index
      %get3A_354 = arith.index_cast %scan3A_190 : i32 to index
      %get3A_355 = arith.constant 0 : index
      %get3A_356 = tpu.vector_load %arg6[%get3A_352, %get3A_353, %get3A_354, %get3A_355] {strides = array<i32>} : memref<2x50x16x16xi32, #tpu.memory_space<vmem>>, vector<16xi32>,
      %gather3A_357 = tpu.vector_load_idx %arg5[%get3A_356] : memref<100000xf32, #tpu.memory_space<vmem>>[vector<16xi32>], vector<16xf32>,
      %add3A_358 = arith.addf %add3A_349, %gather3A_357 : vector<16xf32>
      %get3A_359 = arith.constant 0 : i32
      %get3A_360 = arith.constant 19 : i32
      %get3A_361 = arith.index_cast %get3A_359 : i32 to index
      %get3A_362 = arith.index_cast %get3A_360 : i32 to index
      %get3A_363 = arith.index_cast %scan3A_190 : i32 to index
      %get3A_364 = arith.constant 0 : index
      %get3A_365 = tpu.vector_load %arg6[%get3A_361, %get3A_362, %get3A_363, %get3A_364] {strides = array<i32>} : memref<2x50x16x16xi32, #tpu.memory_space<vmem>>, vector<16xi32>,
      %gather3A_366 = tpu.vector_load_idx %arg5[%get3A_365] : memref<100000xf32, #tpu.memory_space<vmem>>[vector<16xi32>], vector<16xf32>,
      %add3A_367 = arith.addf %add3A_358, %gather3A_366 : vector<16xf32>
      %get3A_368 = arith.constant 0 : i32
      %get3A_369 = arith.constant 20 : i32
      %get3A_370 = arith.index_cast %get3A_368 : i32 to index
      %get3A_371 = arith.index_cast %get3A_369 : i32 to index
      %get3A_372 = arith.index_cast %scan3A_190 : i32 to index
      %get3A_373 = arith.constant 0 : index
      %get3A_374 = tpu.vector_load %arg6[%get3A_370, %get3A_371, %get3A_372, %get3A_373] {strides = array<i32>} : memref<2x50x16x16xi32, #tpu.memory_space<vmem>>, vector<16xi32>,
      %gather3A_375 = tpu.vector_load_idx %arg5[%get3A_374] : memref<100000xf32, #tpu.memory_space<vmem>>[vector<16xi32>], vector<16xf32>,
      %add3A_376 = arith.addf %add3A_367, %gather3A_375 : vector<16xf32>
      %get3A_377 = arith.constant 0 : i32
      %get3A_378 = arith.constant 21 : i32
      %get3A_379 = arith.index_cast %get3A_377 : i32 to index
      %get3A_380 = arith.index_cast %get3A_378 : i32 to index
      %get3A_381 = arith.index_cast %scan3A_190 : i32 to index
      %get3A_382 = arith.constant 0 : index
      %get3A_383 = tpu.vector_load %arg6[%get3A_379, %get3A_380, %get3A_381, %get3A_382] {strides = array<i32>} : memref<2x50x16x16xi32, #tpu.memory_space<vmem>>, vector<16xi32>,
      %gather3A_384 = tpu.vector_load_idx %arg5[%get3A_383] : memref<100000xf32, #tpu.memory_space<vmem>>[vector<16xi32>], vector<16xf32>,
      %add3A_385 = arith.addf %add3A_376, %gather3A_384 : vector<16xf32>
      %get3A_386 = arith.constant 0 : i32
      %get3A_387 = arith.constant 22 : i32
      %get3A_388 = arith.index_cast %get3A_386 : i32 to index
      %get3A_389 = arith.index_cast %get3A_387 : i32 to index
      %get3A_390 = arith.index_cast %scan3A_190 : i32 to index
      %get3A_391 = arith.constant 0 : index
      %get3A_392 = tpu.vector_load %arg6[%get3A_388, %get3A_389, %get3A_390, %get3A_391] {strides = array<i32>} : memref<2x50x16x16xi32, #tpu.memory_space<vmem>>, vector<16xi32>,
      %gather3A_393 = tpu.vector_load_idx %arg5[%get3A_392] : memref<100000xf32, #tpu.memory_space<vmem>>[vector<16xi32>], vector<16xf32>,
      %add3A_394 = arith.addf %add3A_385, %gather3A_393 : vector<16xf32>
      %get3A_395 = arith.constant 0 : i32
      %get3A_396 = arith.constant 23 : i32
      %get3A_397 = arith.index_cast %get3A_395 : i32 to index
      %get3A_398 = arith.index_cast %get3A_396 : i32 to index
      %get3A_399 = arith.index_cast %scan3A_190 : i32 to index
      %get3A_400 = arith.constant 0 : index
      %get3A_401 = tpu.vector_load %arg6[%get3A_397, %get3A_398, %get3A_399, %get3A_400] {strides = array<i32>} : memref<2x50x16x16xi32, #tpu.memory_space<vmem>>, vector<16xi32>,
      %gather3A_402 = tpu.vector_load_idx %arg5[%get3A_401] : memref<100000xf32, #tpu.memory_space<vmem>>[vector<16xi32>], vector<16xf32>,
      %add3A_403 = arith.addf %add3A_394, %gather3A_402 : vector<16xf32>
      %get3A_404 = arith.constant 0 : i32
      %get3A_405 = arith.constant 24 : i32
      %get3A_406 = arith.index_cast %get3A_404 : i32 to index
      %get3A_407 = arith.index_cast %get3A_405 : i32 to index
      %get3A_408 = arith.index_cast %scan3A_190 : i32 to index
      %get3A_409 = arith.constant 0 : index
      %get3A_410 = tpu.vector_load %arg6[%get3A_406, %get3A_407, %get3A_408, %get3A_409] {strides = array<i32>} : memref<2x50x16x16xi32, #tpu.memory_space<vmem>>, vector<16xi32>,
      %gather3A_411 = tpu.vector_load_idx %arg5[%get3A_410] : memref<100000xf32, #tpu.memory_space<vmem>>[vector<16xi32>], vector<16xf32>,
      %add3A_412 = arith.addf %add3A_403, %gather3A_411 : vector<16xf32>
      %get3A_413 = arith.constant 0 : i32
      %get3A_414 = arith.constant 25 : i32
      %get3A_415 = arith.index_cast %get3A_413 : i32 to index
      %get3A_416 = arith.index_cast %get3A_414 : i32 to index
      %get3A_417 = arith.index_cast %scan3A_190 : i32 to index
      %get3A_418 = arith.constant 0 : index
      %get3A_419 = tpu.vector_load %arg6[%get3A_415, %get3A_416, %get3A_417, %get3A_418] {strides = array<i32>} : memref<2x50x16x16xi32, #tpu.memory_space<vmem>>, vector<16xi32>,
      %gather3A_420 = tpu.vector_load_idx %arg5[%get3A_419] : memref<100000xf32, #tpu.memory_space<vmem>>[vector<16xi32>], vector<16xf32>,
      %add3A_421 = arith.addf %add3A_412, %gather3A_420 : vector<16xf32>
      %get3A_422 = arith.constant 0 : i32
      %get3A_423 = arith.constant 26 : i32
      %get3A_424 = arith.index_cast %get3A_422 : i32 to index
      %get3A_425 = arith.index_cast %get3A_423 : i32 to index
      %get3A_426 = arith.index_cast %scan3A_190 : i32 to index
      %get3A_427 = arith.constant 0 : index
      %get3A_428 = tpu.vector_load %arg6[%get3A_424, %get3A_425, %get3A_426, %get3A_427] {strides = array<i32>} : memref<2x50x16x16xi32, #tpu.memory_space<vmem>>, vector<16xi32>,
      %gather3A_429 = tpu.vector_load_idx %arg5[%get3A_428] : memref<100000xf32, #tpu.memory_space<vmem>>[vector<16xi32>], vector<16xf32>,
      %add3A_430 = arith.addf %add3A_421, %gather3A_429 : vector<16xf32>
      %get3A_431 = arith.constant 0 : i32
      %get3A_432 = arith.constant 27 : i32
      %get3A_433 = arith.index_cast %get3A_431 : i32 to index
      %get3A_434 = arith.index_cast %get3A_432 : i32 to index
      %get3A_435 = arith.index_cast %scan3A_190 : i32 to index
      %get3A_436 = arith.constant 0 : index
      %get3A_437 = tpu.vector_load %arg6[%get3A_433, %get3A_434, %get3A_435, %get3A_436] {strides = array<i32>} : memref<2x50x16x16xi32, #tpu.memory_space<vmem>>, vector<16xi32>,
      %gather3A_438 = tpu.vector_load_idx %arg5[%get3A_437] : memref<100000xf32, #tpu.memory_space<vmem>>[vector<16xi32>], vector<16xf32>,
      %add3A_439 = arith.addf %add3A_430, %gather3A_438 : vector<16xf32>
      %get3A_440 = arith.constant 0 : i32
      %get3A_441 = arith.constant 28 : i32
      %get3A_442 = arith.index_cast %get3A_440 : i32 to index
      %get3A_443 = arith.index_cast %get3A_441 : i32 to index
      %get3A_444 = arith.index_cast %scan3A_190 : i32 to index
      %get3A_445 = arith.constant 0 : index
      %get3A_446 = tpu.vector_load %arg6[%get3A_442, %get3A_443, %get3A_444, %get3A_445] {strides = array<i32>} : memref<2x50x16x16xi32, #tpu.memory_space<vmem>>, vector<16xi32>,
      %gather3A_447 = tpu.vector_load_idx %arg5[%get3A_446] : memref<100000xf32, #tpu.memory_space<vmem>>[vector<16xi32>], vector<16xf32>,
      %add3A_448 = arith.addf %add3A_439, %gather3A_447 : vector<16xf32>
      %get3A_449 = arith.constant 0 : i32
      %get3A_450 = arith.constant 29 : i32
      %get3A_451 = arith.index_cast %get3A_449 : i32 to index
      %get3A_452 = arith.index_cast %get3A_450 : i32 to index
      %get3A_453 = arith.index_cast %scan3A_190 : i32 to index
      %get3A_454 = arith.constant 0 : index
      %get3A_455 = tpu.vector_load %arg6[%get3A_451, %get3A_452, %get3A_453, %get3A_454] {strides = array<i32>} : memref<2x50x16x16xi32, #tpu.memory_space<vmem>>, vector<16xi32>,
      %gather3A_456 = tpu.vector_load_idx %arg5[%get3A_455] : memref<100000xf32, #tpu.memory_space<vmem>>[vector<16xi32>], vector<16xf32>,
      %add3A_457 = arith.addf %add3A_448, %gather3A_456 : vector<16xf32>
      %get3A_458 = arith.constant 0 : i32
      %get3A_459 = arith.constant 30 : i32
      %get3A_460 = arith.index_cast %get3A_458 : i32 to index
      %get3A_461 = arith.index_cast %get3A_459 : i32 to index
      %get3A_462 = arith.index_cast %scan3A_190 : i32 to index
      %get3A_463 = arith.constant 0 : index
      %get3A_464 = tpu.vector_load %arg6[%get3A_460, %get3A_461, %get3A_462, %get3A_463] {strides = array<i32>} : memref<2x50x16x16xi32, #tpu.memory_space<vmem>>, vector<16xi32>,
      %gather3A_465 = tpu.vector_load_idx %arg5[%get3A_464] : memref<100000xf32, #tpu.memory_space<vmem>>[vector<16xi32>], vector<16xf32>,
      %add3A_466 = arith.addf %add3A_457, %gather3A_465 : vector<16xf32>
      %get3A_467 = arith.constant 0 : i32
      %get3A_468 = arith.constant 31 : i32
      %get3A_469 = arith.index_cast %get3A_467 : i32 to index
      %get3A_470 = arith.index_cast %get3A_468 : i32 to index
      %get3A_471 = arith.index_cast %scan3A_190 : i32 to index
      %get3A_472 = arith.constant 0 : index
      %get3A_473 = tpu.vector_load %arg6[%get3A_469, %get3A_470, %get3A_471, %get3A_472] {strides = array<i32>} : memref<2x50x16x16xi32, #tpu.memory_space<vmem>>, vector<16xi32>,
      %gather3A_474 = tpu.vector_load_idx %arg5[%get3A_473] : memref<100000xf32, #tpu.memory_space<vmem>>[vector<16xi32>], vector<16xf32>,
      %add3A_475 = arith.addf %add3A_466, %gather3A_474 : vector<16xf32>
      %get3A_476 = arith.constant 0 : i32
      %get3A_477 = arith.constant 32 : i32
      %get3A_478 = arith.index_cast %get3A_476 : i32 to index
      %get3A_479 = arith.index_cast %get3A_477 : i32 to index
      %get3A_480 = arith.index_cast %scan3A_190 : i32 to index
      %get3A_481 = arith.constant 0 : index
      %get3A_482 = tpu.vector_load %arg6[%get3A_478, %get3A_479, %get3A_480, %get3A_481] {strides = array<i32>} : memref<2x50x16x16xi32, #tpu.memory_space<vmem>>, vector<16xi32>,
      %gather3A_483 = tpu.vector_load_idx %arg5[%get3A_482] : memref<100000xf32, #tpu.memory_space<vmem>>[vector<16xi32>], vector<16xf32>,
      %add3A_484 = arith.addf %add3A_475, %gather3A_483 : vector<16xf32>
      %get3A_485 = arith.constant 0 : i32
      %get3A_486 = arith.constant 33 : i32
      %get3A_487 = arith.index_cast %get3A_485 : i32 to index
      %get3A_488 = arith.index_cast %get3A_486 : i32 to index
      %get3A_489 = arith.index_cast %scan3A_190 : i32 to index
      %get3A_490 = arith.constant 0 : index
      %get3A_491 = tpu.vector_load %arg6[%get3A_487, %get3A_488, %get3A_489, %get3A_490] {strides = array<i32>} : memref<2x50x16x16xi32, #tpu.memory_space<vmem>>, vector<16xi32>,
      %gather3A_492 = tpu.vector_load_idx %arg5[%get3A_491] : memref<100000xf32, #tpu.memory_space<vmem>>[vector<16xi32>], vector<16xf32>,
      %add3A_493 = arith.addf %add3A_484, %gather3A_492 : vector<16xf32>
      %get3A_494 = arith.constant 0 : i32
      %get3A_495 = arith.constant 34 : i32
      %get3A_496 = arith.index_cast %get3A_494 : i32 to index
      %get3A_497 = arith.index_cast %get3A_495 : i32 to index
      %get3A_498 = arith.index_cast %scan3A_190 : i32 to index
      %get3A_499 = arith.constant 0 : index
      %get3A_500 = tpu.vector_load %arg6[%get3A_496, %get3A_497, %get3A_498, %get3A_499] {strides = array<i32>} : memref<2x50x16x16xi32, #tpu.memory_space<vmem>>, vector<16xi32>,
      %gather3A_501 = tpu.vector_load_idx %arg5[%get3A_500] : memref<100000xf32, #tpu.memory_space<vmem>>[vector<16xi32>], vector<16xf32>,
      %add3A_502 = arith.addf %add3A_493, %gather3A_501 : vector<16xf32>
      %get3A_503 = arith.constant 0 : i32
      %get3A_504 = arith.constant 35 : i32
      %get3A_505 = arith.index_cast %get3A_503 : i32 to index
      %get3A_506 = arith.index_cast %get3A_504 : i32 to index
      %get3A_507 = arith.index_cast %scan3A_190 : i32 to index
      %get3A_508 = arith.constant 0 : index
      %get3A_509 = tpu.vector_load %arg6[%get3A_505, %get3A_506, %get3A_507, %get3A_508] {strides = array<i32>} : memref<2x50x16x16xi32, #tpu.memory_space<vmem>>, vector<16xi32>,
      %gather3A_510 = tpu.vector_load_idx %arg5[%get3A_509] : memref<100000xf32, #tpu.memory_space<vmem>>[vector<16xi32>], vector<16xf32>,
      %add3A_511 = arith.addf %add3A_502, %gather3A_510 : vector<16xf32>
      %get3A_512 = arith.constant 0 : i32
      %get3A_513 = arith.constant 36 : i32
      %get3A_514 = arith.index_cast %get3A_512 : i32 to index
      %get3A_515 = arith.index_cast %get3A_513 : i32 to index
      %get3A_516 = arith.index_cast %scan3A_190 : i32 to index
      %get3A_517 = arith.constant 0 : index
      %get3A_518 = tpu.vector_load %arg6[%get3A_514, %get3A_515, %get3A_516, %get3A_517] {strides = array<i32>} : memref<2x50x16x16xi32, #tpu.memory_space<vmem>>, vector<16xi32>,
      %gather3A_519 = tpu.vector_load_idx %arg5[%get3A_518] : memref<100000xf32, #tpu.memory_space<vmem>>[vector<16xi32>], vector<16xf32>,
      %add3A_520 = arith.addf %add3A_511, %gather3A_519 : vector<16xf32>
      %get3A_521 = arith.constant 0 : i32
      %get3A_522 = arith.constant 37 : i32
      %get3A_523 = arith.index_cast %get3A_521 : i32 to index
      %get3A_524 = arith.index_cast %get3A_522 : i32 to index
      %get3A_525 = arith.index_cast %scan3A_190 : i32 to index
      %get3A_526 = arith.constant 0 : index
      %get3A_527 = tpu.vector_load %arg6[%get3A_523, %get3A_524, %get3A_525, %get3A_526] {strides = array<i32>} : memref<2x50x16x16xi32, #tpu.memory_space<vmem>>, vector<16xi32>,
      %gather3A_528 = tpu.vector_load_idx %arg5[%get3A_527] : memref<100000xf32, #tpu.memory_space<vmem>>[vector<16xi32>], vector<16xf32>,
      %add3A_529 = arith.addf %add3A_520, %gather3A_528 : vector<16xf32>
      %get3A_530 = arith.constant 0 : i32
      %get3A_531 = arith.constant 38 : i32
      %get3A_532 = arith.index_cast %get3A_530 : i32 to index
      %get3A_533 = arith.index_cast %get3A_531 : i32 to index
      %get3A_534 = arith.index_cast %scan3A_190 : i32 to index
      %get3A_535 = arith.constant 0 : index
      %get3A_536 = tpu.vector_load %arg6[%get3A_532, %get3A_533, %get3A_534, %get3A_535] {strides = array<i32>} : memref<2x50x16x16xi32, #tpu.memory_space<vmem>>, vector<16xi32>,
      %gather3A_537 = tpu.vector_load_idx %arg5[%get3A_536] : memref<100000xf32, #tpu.memory_space<vmem>>[vector<16xi32>], vector<16xf32>,
      %add3A_538 = arith.addf %add3A_529, %gather3A_537 : vector<16xf32>
      %get3A_539 = arith.constant 0 : i32
      %get3A_540 = arith.constant 39 : i32
      %get3A_541 = arith.index_cast %get3A_539 : i32 to index
      %get3A_542 = arith.index_cast %get3A_540 : i32 to index
      %get3A_543 = arith.index_cast %scan3A_190 : i32 to index
      %get3A_544 = arith.constant 0 : index
      %get3A_545 = tpu.vector_load %arg6[%get3A_541, %get3A_542, %get3A_543, %get3A_544] {strides = array<i32>} : memref<2x50x16x16xi32, #tpu.memory_space<vmem>>, vector<16xi32>,
      %gather3A_546 = tpu.vector_load_idx %arg5[%get3A_545] : memref<100000xf32, #tpu.memory_space<vmem>>[vector<16xi32>], vector<16xf32>,
      %add3A_547 = arith.addf %add3A_538, %gather3A_546 : vector<16xf32>
      %get3A_548 = arith.constant 0 : i32
      %get3A_549 = arith.constant 40 : i32
      %get3A_550 = arith.index_cast %get3A_548 : i32 to index
      %get3A_551 = arith.index_cast %get3A_549 : i32 to index
      %get3A_552 = arith.index_cast %scan3A_190 : i32 to index
      %get3A_553 = arith.constant 0 : index
      %get3A_554 = tpu.vector_load %arg6[%get3A_550, %get3A_551, %get3A_552, %get3A_553] {strides = array<i32>} : memref<2x50x16x16xi32, #tpu.memory_space<vmem>>, vector<16xi32>,
      %gather3A_555 = tpu.vector_load_idx %arg5[%get3A_554] : memref<100000xf32, #tpu.memory_space<vmem>>[vector<16xi32>], vector<16xf32>,
      %add3A_556 = arith.addf %add3A_547, %gather3A_555 : vector<16xf32>
      %get3A_557 = arith.constant 0 : i32
      %get3A_558 = arith.constant 41 : i32
      %get3A_559 = arith.index_cast %get3A_557 : i32 to index
      %get3A_560 = arith.index_cast %get3A_558 : i32 to index
      %get3A_561 = arith.index_cast %scan3A_190 : i32 to index
      %get3A_562 = arith.constant 0 : index
      %get3A_563 = tpu.vector_load %arg6[%get3A_559, %get3A_560, %get3A_561, %get3A_562] {strides = array<i32>} : memref<2x50x16x16xi32, #tpu.memory_space<vmem>>, vector<16xi32>,
      %gather3A_564 = tpu.vector_load_idx %arg5[%get3A_563] : memref<100000xf32, #tpu.memory_space<vmem>>[vector<16xi32>], vector<16xf32>,
      %add3A_565 = arith.addf %add3A_556, %gather3A_564 : vector<16xf32>
      %get3A_566 = arith.constant 0 : i32
      %get3A_567 = arith.constant 42 : i32
      %get3A_568 = arith.index_cast %get3A_566 : i32 to index
      %get3A_569 = arith.index_cast %get3A_567 : i32 to index
      %get3A_570 = arith.index_cast %scan3A_190 : i32 to index
      %get3A_571 = arith.constant 0 : index
      %get3A_572 = tpu.vector_load %arg6[%get3A_568, %get3A_569, %get3A_570, %get3A_571] {strides = array<i32>} : memref<2x50x16x16xi32, #tpu.memory_space<vmem>>, vector<16xi32>,
      %gather3A_573 = tpu.vector_load_idx %arg5[%get3A_572] : memref<100000xf32, #tpu.memory_space<vmem>>[vector<16xi32>], vector<16xf32>,
      %add3A_574 = arith.addf %add3A_565, %gather3A_573 : vector<16xf32>
      %get3A_575 = arith.constant 0 : i32
      %get3A_576 = arith.constant 43 : i32
      %get3A_577 = arith.index_cast %get3A_575 : i32 to index
      %get3A_578 = arith.index_cast %get3A_576 : i32 to index
      %get3A_579 = arith.index_cast %scan3A_190 : i32 to index
      %get3A_580 = arith.constant 0 : index
      %get3A_581 = tpu.vector_load %arg6[%get3A_577, %get3A_578, %get3A_579, %get3A_580] {strides = array<i32>} : memref<2x50x16x16xi32, #tpu.memory_space<vmem>>, vector<16xi32>,
      %gather3A_582 = tpu.vector_load_idx %arg5[%get3A_581] : memref<100000xf32, #tpu.memory_space<vmem>>[vector<16xi32>], vector<16xf32>,
      %add3A_583 = arith.addf %add3A_574, %gather3A_582 : vector<16xf32>
      %get3A_584 = arith.constant 0 : i32
      %get3A_585 = arith.constant 44 : i32
      %get3A_586 = arith.index_cast %get3A_584 : i32 to index
      %get3A_587 = arith.index_cast %get3A_585 : i32 to index
      %get3A_588 = arith.index_cast %scan3A_190 : i32 to index
      %get3A_589 = arith.constant 0 : index
      %get3A_590 = tpu.vector_load %arg6[%get3A_586, %get3A_587, %get3A_588, %get3A_589] {strides = array<i32>} : memref<2x50x16x16xi32, #tpu.memory_space<vmem>>, vector<16xi32>,
      %gather3A_591 = tpu.vector_load_idx %arg5[%get3A_590] : memref<100000xf32, #tpu.memory_space<vmem>>[vector<16xi32>], vector<16xf32>,
      %add3A_592 = arith.addf %add3A_583, %gather3A_591 : vector<16xf32>
      %get3A_593 = arith.constant 0 : i32
      %get3A_594 = arith.constant 45 : i32
      %get3A_595 = arith.index_cast %get3A_593 : i32 to index
      %get3A_596 = arith.index_cast %get3A_594 : i32 to index
      %get3A_597 = arith.index_cast %scan3A_190 : i32 to index
      %get3A_598 = arith.constant 0 : index
      %get3A_599 = tpu.vector_load %arg6[%get3A_595, %get3A_596, %get3A_597, %get3A_598] {strides = array<i32>} : memref<2x50x16x16xi32, #tpu.memory_space<vmem>>, vector<16xi32>,
      %gather3A_600 = tpu.vector_load_idx %arg5[%get3A_599] : memref<100000xf32, #tpu.memory_space<vmem>>[vector<16xi32>], vector<16xf32>,
      %add3A_601 = arith.addf %add3A_592, %gather3A_600 : vector<16xf32>
      %get3A_602 = arith.constant 0 : i32
      %get3A_603 = arith.constant 46 : i32
      %get3A_604 = arith.index_cast %get3A_602 : i32 to index
      %get3A_605 = arith.index_cast %get3A_603 : i32 to index
      %get3A_606 = arith.index_cast %scan3A_190 : i32 to index
      %get3A_607 = arith.constant 0 : index
      %get3A_608 = tpu.vector_load %arg6[%get3A_604, %get3A_605, %get3A_606, %get3A_607] {strides = array<i32>} : memref<2x50x16x16xi32, #tpu.memory_space<vmem>>, vector<16xi32>,
      %gather3A_609 = tpu.vector_load_idx %arg5[%get3A_608] : memref<100000xf32, #tpu.memory_space<vmem>>[vector<16xi32>], vector<16xf32>,
      %add3A_610 = arith.addf %add3A_601, %gather3A_609 : vector<16xf32>
      %get3A_611 = arith.constant 0 : i32
      %get3A_612 = arith.constant 47 : i32
      %get3A_613 = arith.index_cast %get3A_611 : i32 to index
      %get3A_614 = arith.index_cast %get3A_612 : i32 to index
      %get3A_615 = arith.index_cast %scan3A_190 : i32 to index
      %get3A_616 = arith.constant 0 : index
      %get3A_617 = tpu.vector_load %arg6[%get3A_613, %get3A_614, %get3A_615, %get3A_616] {strides = array<i32>} : memref<2x50x16x16xi32, #tpu.memory_space<vmem>>, vector<16xi32>,
      %gather3A_618 = tpu.vector_load_idx %arg5[%get3A_617] : memref<100000xf32, #tpu.memory_space<vmem>>[vector<16xi32>], vector<16xf32>,
      %add3A_619 = arith.addf %add3A_610, %gather3A_618 : vector<16xf32>
      %get3A_620 = arith.constant 0 : i32
      %get3A_621 = arith.constant 48 : i32
      %get3A_622 = arith.index_cast %get3A_620 : i32 to index
      %get3A_623 = arith.index_cast %get3A_621 : i32 to index
      %get3A_624 = arith.index_cast %scan3A_190 : i32 to index
      %get3A_625 = arith.constant 0 : index
      %get3A_626 = tpu.vector_load %arg6[%get3A_622, %get3A_623, %get3A_624, %get3A_625] {strides = array<i32>} : memref<2x50x16x16xi32, #tpu.memory_space<vmem>>, vector<16xi32>,
      %gather3A_627 = tpu.vector_load_idx %arg5[%get3A_626] : memref<100000xf32, #tpu.memory_space<vmem>>[vector<16xi32>], vector<16xf32>,
      %add3A_628 = arith.addf %add3A_619, %gather3A_627 : vector<16xf32>
      %get3A_629 = arith.constant 0 : i32
      %get3A_630 = arith.constant 49 : i32
      %get3A_631 = arith.index_cast %get3A_629 : i32 to index
      %get3A_632 = arith.index_cast %get3A_630 : i32 to index
      %get3A_633 = arith.index_cast %scan3A_190 : i32 to index
      %get3A_634 = arith.constant 0 : index
      %get3A_635 = tpu.vector_load %arg6[%get3A_631, %get3A_632, %get3A_633, %get3A_634] {strides = array<i32>} : memref<2x50x16x16xi32, #tpu.memory_space<vmem>>, vector<16xi32>,
      %gather3A_636 = tpu.vector_load_idx %arg5[%get3A_635] : memref<100000xf32, #tpu.memory_space<vmem>>[vector<16xi32>], vector<16xf32>,
      %add3A_637 = arith.addf %add3A_628, %gather3A_636 : vector<16xf32>
      %mul3A_638 = vector.broadcast %scan3A_158 : f32 to vector<16xf32>
      %mul3A_639 = arith.mulf %add3A_637, %mul3A_638 : vector<16xf32>
      %add3A_640 = arith.constant 32 : i32
      %add3A_641 = arith.addi %add3A_640, %scan3A_190 : i32
      %swap3A = arith.index_cast %add3A_641 : i32 to index
      %swap3A_642 = arith.constant 0 : index
      %swap3A_643 = tpu.vector_load %arg7[%swap3A, %swap3A_642] {strides = array<i32>} : memref<64x16xf32, #tpu.memory_space<vmem>>, vector<16xf32>,
      tpu.vector_store %arg7[%swap3A, %swap3A_642], %mul3A_639 {strides = array<i32>} : memref<64x16xf32, #tpu.memory_space<vmem>>, vector<16xf32>,
    }
    %scan3A_163 = arith.constant 16 : i32
    %dma_wait3A_164 = arith.constant 1 : i32
    %dma_wait3A_165 = arith.constant 0 : i32
    %dma_wait3A_166 = arith.constant 0 : i32
    %dma_wait3A_167 = arith.constant 0 : i32
    %dma_wait3A_168 = tpu.memref_slice %arg6[%dma_wait3A_164, %dma_wait3A_165, %dma_wait3A_166, %dma_wait3A_167] : memref<2x50x16x16xi32, #tpu.memory_space<vmem>> -> memref<1x50x16x16xi32, #tpu.memory_space<vmem>>
    %dma_wait3A_169 = tpu.memref_squeeze %dma_wait3A_168 : memref<1x50x16x16xi32, #tpu.memory_space<vmem>> -> memref<50x16x16xi32, #tpu.memory_space<vmem>>
    %dma_wait3A_170 = arith.constant 0 : i32
    %dma_wait3A_171 = arith.constant 48 : i32
    %dma_wait3A_172 = arith.constant 0 : i32
    %dma_wait3A_173 = tpu.memref_slice %arg2[%dma_wait3A_170, %dma_wait3A_171, %dma_wait3A_172] : memref<50x64x16xi32, #tpu.memory_space<hbm>> -> memref<50x16x16xi32, #tpu.memory_space<hbm>>
    %dma_wait3A_174 = arith.constant 0 : i32
    %dma_wait3A_175 = arith.constant 0 : i32
    %dma_wait3A_176 = arith.constant 0 : i32
    %dma_wait3A_177 = tpu.memref_slice %arg6[%dma_wait3A_164, %dma_wait3A_174, %dma_wait3A_175, %dma_wait3A_176] : memref<2x50x16x16xi32, #tpu.memory_space<vmem>> -> memref<1x50x16x16xi32, #tpu.memory_space<vmem>>
    %dma_wait3A_178 = tpu.memref_squeeze %dma_wait3A_177 : memref<1x50x16x16xi32, #tpu.memory_space<vmem>> -> memref<50x16x16xi32, #tpu.memory_space<vmem>>
    %dma_wait3A_179 = arith.constant 0 : i32
    %dma_wait3A_180 = arith.constant 48 : i32
    %dma_wait3A_181 = arith.constant 0 : i32
    %dma_wait3A_182 = tpu.memref_slice %arg2[%dma_wait3A_179, %dma_wait3A_180, %dma_wait3A_181] : memref<50x64x16xi32, #tpu.memory_space<hbm>> -> memref<50x16x16xi32, #tpu.memory_space<hbm>>
    tpu.wait_dma2 semaphore(%arg10 : memref<!tpu.dma_semaphore, #tpu.memory_space<semaphore_mem>>) src(%dma_wait3A_182 : memref<50x16x16xi32, #tpu.memory_space<hbm>>) dst(%dma_wait3A_178 : memref<50x16x16xi32, #tpu.memory_space<vmem>>)
    %scan3A_183 = arith.constant 0 : i32
    %scan3A_184 = arith.constant 2.000000e-02 : f32
    %scan3A_185 = arith.constant 0 : i32
    %scan3A_186 = arith.constant 16 : i32
    %scan3A_187 = arith.addi %scan3A_185, %scan3A_186 : i32
    %scan3A_188 = arith.constant 1 : i32
    scf.for %scan3A_190 = %scan3A_185 to %scan3A_187 step %scan3A_188  : i32 {
      %get3A = arith.constant 1 : i32
      %get3A_191 = arith.constant 0 : i32
      %get3A_192 = arith.index_cast %get3A : i32 to index
      %get3A_193 = arith.index_cast %get3A_191 : i32 to index
      %get3A_194 = arith.index_cast %scan3A_190 : i32 to index
      %get3A_195 = arith.constant 0 : index
      %get3A_196 = tpu.vector_load %arg6[%get3A_192, %get3A_193, %get3A_194, %get3A_195] {strides = array<i32>} : memref<2x50x16x16xi32, #tpu.memory_space<vmem>>, vector<16xi32>,
      %gather3A = tpu.vector_load_idx %arg5[%get3A_196] : memref<100000xf32, #tpu.memory_space<vmem>>[vector<16xi32>], vector<16xf32>,
      %get3A_197 = arith.constant 1 : i32
      %get3A_198 = arith.constant 1 : i32
      %get3A_199 = arith.index_cast %get3A_197 : i32 to index
      %get3A_200 = arith.index_cast %get3A_198 : i32 to index
      %get3A_201 = arith.index_cast %scan3A_190 : i32 to index
      %get3A_202 = arith.constant 0 : index
      %get3A_203 = tpu.vector_load %arg6[%get3A_199, %get3A_200, %get3A_201, %get3A_202] {strides = array<i32>} : memref<2x50x16x16xi32, #tpu.memory_space<vmem>>, vector<16xi32>,
      %gather3A_204 = tpu.vector_load_idx %arg5[%get3A_203] : memref<100000xf32, #tpu.memory_space<vmem>>[vector<16xi32>], vector<16xf32>,
      %add3A_205 = arith.addf %gather3A, %gather3A_204 : vector<16xf32>
      %get3A_206 = arith.constant 1 : i32
      %get3A_207 = arith.constant 2 : i32
      %get3A_208 = arith.index_cast %get3A_206 : i32 to index
      %get3A_209 = arith.index_cast %get3A_207 : i32 to index
      %get3A_210 = arith.index_cast %scan3A_190 : i32 to index
      %get3A_211 = arith.constant 0 : index
      %get3A_212 = tpu.vector_load %arg6[%get3A_208, %get3A_209, %get3A_210, %get3A_211] {strides = array<i32>} : memref<2x50x16x16xi32, #tpu.memory_space<vmem>>, vector<16xi32>,
      %gather3A_213 = tpu.vector_load_idx %arg5[%get3A_212] : memref<100000xf32, #tpu.memory_space<vmem>>[vector<16xi32>], vector<16xf32>,
      %add3A_214 = arith.addf %add3A_205, %gather3A_213 : vector<16xf32>
      %get3A_215 = arith.constant 1 : i32
      %get3A_216 = arith.constant 3 : i32
      %get3A_217 = arith.index_cast %get3A_215 : i32 to index
      %get3A_218 = arith.index_cast %get3A_216 : i32 to index
      %get3A_219 = arith.index_cast %scan3A_190 : i32 to index
      %get3A_220 = arith.constant 0 : index
      %get3A_221 = tpu.vector_load %arg6[%get3A_217, %get3A_218, %get3A_219, %get3A_220] {strides = array<i32>} : memref<2x50x16x16xi32, #tpu.memory_space<vmem>>, vector<16xi32>,
      %gather3A_222 = tpu.vector_load_idx %arg5[%get3A_221] : memref<100000xf32, #tpu.memory_space<vmem>>[vector<16xi32>], vector<16xf32>,
      %add3A_223 = arith.addf %add3A_214, %gather3A_222 : vector<16xf32>
      %get3A_224 = arith.constant 1 : i32
      %get3A_225 = arith.constant 4 : i32
      %get3A_226 = arith.index_cast %get3A_224 : i32 to index
      %get3A_227 = arith.index_cast %get3A_225 : i32 to index
      %get3A_228 = arith.index_cast %scan3A_190 : i32 to index
      %get3A_229 = arith.constant 0 : index
      %get3A_230 = tpu.vector_load %arg6[%get3A_226, %get3A_227, %get3A_228, %get3A_229] {strides = array<i32>} : memref<2x50x16x16xi32, #tpu.memory_space<vmem>>, vector<16xi32>,
      %gather3A_231 = tpu.vector_load_idx %arg5[%get3A_230] : memref<100000xf32, #tpu.memory_space<vmem>>[vector<16xi32>], vector<16xf32>,
      %add3A_232 = arith.addf %add3A_223, %gather3A_231 : vector<16xf32>
      %get3A_233 = arith.constant 1 : i32
      %get3A_234 = arith.constant 5 : i32
      %get3A_235 = arith.index_cast %get3A_233 : i32 to index
      %get3A_236 = arith.index_cast %get3A_234 : i32 to index
      %get3A_237 = arith.index_cast %scan3A_190 : i32 to index
      %get3A_238 = arith.constant 0 : index
      %get3A_239 = tpu.vector_load %arg6[%get3A_235, %get3A_236, %get3A_237, %get3A_238] {strides = array<i32>} : memref<2x50x16x16xi32, #tpu.memory_space<vmem>>, vector<16xi32>,
      %gather3A_240 = tpu.vector_load_idx %arg5[%get3A_239] : memref<100000xf32, #tpu.memory_space<vmem>>[vector<16xi32>], vector<16xf32>,
      %add3A_241 = arith.addf %add3A_232, %gather3A_240 : vector<16xf32>
      %get3A_242 = arith.constant 1 : i32
      %get3A_243 = arith.constant 6 : i32
      %get3A_244 = arith.index_cast %get3A_242 : i32 to index
      %get3A_245 = arith.index_cast %get3A_243 : i32 to index
      %get3A_246 = arith.index_cast %scan3A_190 : i32 to index
      %get3A_247 = arith.constant 0 : index
      %get3A_248 = tpu.vector_load %arg6[%get3A_244, %get3A_245, %get3A_246, %get3A_247] {strides = array<i32>} : memref<2x50x16x16xi32, #tpu.memory_space<vmem>>, vector<16xi32>,
      %gather3A_249 = tpu.vector_load_idx %arg5[%get3A_248] : memref<100000xf32, #tpu.memory_space<vmem>>[vector<16xi32>], vector<16xf32>,
      %add3A_250 = arith.addf %add3A_241, %gather3A_249 : vector<16xf32>
      %get3A_251 = arith.constant 1 : i32
      %get3A_252 = arith.constant 7 : i32
      %get3A_253 = arith.index_cast %get3A_251 : i32 to index
      %get3A_254 = arith.index_cast %get3A_252 : i32 to index
      %get3A_255 = arith.index_cast %scan3A_190 : i32 to index
      %get3A_256 = arith.constant 0 : index
      %get3A_257 = tpu.vector_load %arg6[%get3A_253, %get3A_254, %get3A_255, %get3A_256] {strides = array<i32>} : memref<2x50x16x16xi32, #tpu.memory_space<vmem>>, vector<16xi32>,
      %gather3A_258 = tpu.vector_load_idx %arg5[%get3A_257] : memref<100000xf32, #tpu.memory_space<vmem>>[vector<16xi32>], vector<16xf32>,
      %add3A_259 = arith.addf %add3A_250, %gather3A_258 : vector<16xf32>
      %get3A_260 = arith.constant 1 : i32
      %get3A_261 = arith.constant 8 : i32
      %get3A_262 = arith.index_cast %get3A_260 : i32 to index
      %get3A_263 = arith.index_cast %get3A_261 : i32 to index
      %get3A_264 = arith.index_cast %scan3A_190 : i32 to index
      %get3A_265 = arith.constant 0 : index
      %get3A_266 = tpu.vector_load %arg6[%get3A_262, %get3A_263, %get3A_264, %get3A_265] {strides = array<i32>} : memref<2x50x16x16xi32, #tpu.memory_space<vmem>>, vector<16xi32>,
      %gather3A_267 = tpu.vector_load_idx %arg5[%get3A_266] : memref<100000xf32, #tpu.memory_space<vmem>>[vector<16xi32>], vector<16xf32>,
      %add3A_268 = arith.addf %add3A_259, %gather3A_267 : vector<16xf32>
      %get3A_269 = arith.constant 1 : i32
      %get3A_270 = arith.constant 9 : i32
      %get3A_271 = arith.index_cast %get3A_269 : i32 to index
      %get3A_272 = arith.index_cast %get3A_270 : i32 to index
      %get3A_273 = arith.index_cast %scan3A_190 : i32 to index
      %get3A_274 = arith.constant 0 : index
      %get3A_275 = tpu.vector_load %arg6[%get3A_271, %get3A_272, %get3A_273, %get3A_274] {strides = array<i32>} : memref<2x50x16x16xi32, #tpu.memory_space<vmem>>, vector<16xi32>,
      %gather3A_276 = tpu.vector_load_idx %arg5[%get3A_275] : memref<100000xf32, #tpu.memory_space<vmem>>[vector<16xi32>], vector<16xf32>,
      %add3A_277 = arith.addf %add3A_268, %gather3A_276 : vector<16xf32>
      %get3A_278 = arith.constant 1 : i32
      %get3A_279 = arith.constant 10 : i32
      %get3A_280 = arith.index_cast %get3A_278 : i32 to index
      %get3A_281 = arith.index_cast %get3A_279 : i32 to index
      %get3A_282 = arith.index_cast %scan3A_190 : i32 to index
      %get3A_283 = arith.constant 0 : index
      %get3A_284 = tpu.vector_load %arg6[%get3A_280, %get3A_281, %get3A_282, %get3A_283] {strides = array<i32>} : memref<2x50x16x16xi32, #tpu.memory_space<vmem>>, vector<16xi32>,
      %gather3A_285 = tpu.vector_load_idx %arg5[%get3A_284] : memref<100000xf32, #tpu.memory_space<vmem>>[vector<16xi32>], vector<16xf32>,
      %add3A_286 = arith.addf %add3A_277, %gather3A_285 : vector<16xf32>
      %get3A_287 = arith.constant 1 : i32
      %get3A_288 = arith.constant 11 : i32
      %get3A_289 = arith.index_cast %get3A_287 : i32 to index
      %get3A_290 = arith.index_cast %get3A_288 : i32 to index
      %get3A_291 = arith.index_cast %scan3A_190 : i32 to index
      %get3A_292 = arith.constant 0 : index
      %get3A_293 = tpu.vector_load %arg6[%get3A_289, %get3A_290, %get3A_291, %get3A_292] {strides = array<i32>} : memref<2x50x16x16xi32, #tpu.memory_space<vmem>>, vector<16xi32>,
      %gather3A_294 = tpu.vector_load_idx %arg5[%get3A_293] : memref<100000xf32, #tpu.memory_space<vmem>>[vector<16xi32>], vector<16xf32>,
      %add3A_295 = arith.addf %add3A_286, %gather3A_294 : vector<16xf32>
      %get3A_296 = arith.constant 1 : i32
      %get3A_297 = arith.constant 12 : i32
      %get3A_298 = arith.index_cast %get3A_296 : i32 to index
      %get3A_299 = arith.index_cast %get3A_297 : i32 to index
      %get3A_300 = arith.index_cast %scan3A_190 : i32 to index
      %get3A_301 = arith.constant 0 : index
      %get3A_302 = tpu.vector_load %arg6[%get3A_298, %get3A_299, %get3A_300, %get3A_301] {strides = array<i32>} : memref<2x50x16x16xi32, #tpu.memory_space<vmem>>, vector<16xi32>,
      %gather3A_303 = tpu.vector_load_idx %arg5[%get3A_302] : memref<100000xf32, #tpu.memory_space<vmem>>[vector<16xi32>], vector<16xf32>,
      %add3A_304 = arith.addf %add3A_295, %gather3A_303 : vector<16xf32>
      %get3A_305 = arith.constant 1 : i32
      %get3A_306 = arith.constant 13 : i32
      %get3A_307 = arith.index_cast %get3A_305 : i32 to index
      %get3A_308 = arith.index_cast %get3A_306 : i32 to index
      %get3A_309 = arith.index_cast %scan3A_190 : i32 to index
      %get3A_310 = arith.constant 0 : index
      %get3A_311 = tpu.vector_load %arg6[%get3A_307, %get3A_308, %get3A_309, %get3A_310] {strides = array<i32>} : memref<2x50x16x16xi32, #tpu.memory_space<vmem>>, vector<16xi32>,
      %gather3A_312 = tpu.vector_load_idx %arg5[%get3A_311] : memref<100000xf32, #tpu.memory_space<vmem>>[vector<16xi32>], vector<16xf32>,
      %add3A_313 = arith.addf %add3A_304, %gather3A_312 : vector<16xf32>
      %get3A_314 = arith.constant 1 : i32
      %get3A_315 = arith.constant 14 : i32
      %get3A_316 = arith.index_cast %get3A_314 : i32 to index
      %get3A_317 = arith.index_cast %get3A_315 : i32 to index
      %get3A_318 = arith.index_cast %scan3A_190 : i32 to index
      %get3A_319 = arith.constant 0 : index
      %get3A_320 = tpu.vector_load %arg6[%get3A_316, %get3A_317, %get3A_318, %get3A_319] {strides = array<i32>} : memref<2x50x16x16xi32, #tpu.memory_space<vmem>>, vector<16xi32>,
      %gather3A_321 = tpu.vector_load_idx %arg5[%get3A_320] : memref<100000xf32, #tpu.memory_space<vmem>>[vector<16xi32>], vector<16xf32>,
      %add3A_322 = arith.addf %add3A_313, %gather3A_321 : vector<16xf32>
      %get3A_323 = arith.constant 1 : i32
      %get3A_324 = arith.constant 15 : i32
      %get3A_325 = arith.index_cast %get3A_323 : i32 to index
      %get3A_326 = arith.index_cast %get3A_324 : i32 to index
      %get3A_327 = arith.index_cast %scan3A_190 : i32 to index
      %get3A_328 = arith.constant 0 : index
      %get3A_329 = tpu.vector_load %arg6[%get3A_325, %get3A_326, %get3A_327, %get3A_328] {strides = array<i32>} : memref<2x50x16x16xi32, #tpu.memory_space<vmem>>, vector<16xi32>,
      %gather3A_330 = tpu.vector_load_idx %arg5[%get3A_329] : memref<100000xf32, #tpu.memory_space<vmem>>[vector<16xi32>], vector<16xf32>,
      %add3A_331 = arith.addf %add3A_322, %gather3A_330 : vector<16xf32>
      %get3A_332 = arith.constant 1 : i32
      %get3A_333 = arith.constant 16 : i32
      %get3A_334 = arith.index_cast %get3A_332 : i32 to index
      %get3A_335 = arith.index_cast %get3A_333 : i32 to index
      %get3A_336 = arith.index_cast %scan3A_190 : i32 to index
      %get3A_337 = arith.constant 0 : index
      %get3A_338 = tpu.vector_load %arg6[%get3A_334, %get3A_335, %get3A_336, %get3A_337] {strides = array<i32>} : memref<2x50x16x16xi32, #tpu.memory_space<vmem>>, vector<16xi32>,
      %gather3A_339 = tpu.vector_load_idx %arg5[%get3A_338] : memref<100000xf32, #tpu.memory_space<vmem>>[vector<16xi32>], vector<16xf32>,
      %add3A_340 = arith.addf %add3A_331, %gather3A_339 : vector<16xf32>
      %get3A_341 = arith.constant 1 : i32
      %get3A_342 = arith.constant 17 : i32
      %get3A_343 = arith.index_cast %get3A_341 : i32 to index
      %get3A_344 = arith.index_cast %get3A_342 : i32 to index
      %get3A_345 = arith.index_cast %scan3A_190 : i32 to index
      %get3A_346 = arith.constant 0 : index
      %get3A_347 = tpu.vector_load %arg6[%get3A_343, %get3A_344, %get3A_345, %get3A_346] {strides = array<i32>} : memref<2x50x16x16xi32, #tpu.memory_space<vmem>>, vector<16xi32>,
      %gather3A_348 = tpu.vector_load_idx %arg5[%get3A_347] : memref<100000xf32, #tpu.memory_space<vmem>>[vector<16xi32>], vector<16xf32>,
      %add3A_349 = arith.addf %add3A_340, %gather3A_348 : vector<16xf32>
      %get3A_350 = arith.constant 1 : i32
      %get3A_351 = arith.constant 18 : i32
      %get3A_352 = arith.index_cast %get3A_350 : i32 to index
      %get3A_353 = arith.index_cast %get3A_351 : i32 to index
      %get3A_354 = arith.index_cast %scan3A_190 : i32 to index
      %get3A_355 = arith.constant 0 : index
      %get3A_356 = tpu.vector_load %arg6[%get3A_352, %get3A_353, %get3A_354, %get3A_355] {strides = array<i32>} : memref<2x50x16x16xi32, #tpu.memory_space<vmem>>, vector<16xi32>,
      %gather3A_357 = tpu.vector_load_idx %arg5[%get3A_356] : memref<100000xf32, #tpu.memory_space<vmem>>[vector<16xi32>], vector<16xf32>,
      %add3A_358 = arith.addf %add3A_349, %gather3A_357 : vector<16xf32>
      %get3A_359 = arith.constant 1 : i32
      %get3A_360 = arith.constant 19 : i32
      %get3A_361 = arith.index_cast %get3A_359 : i32 to index
      %get3A_362 = arith.index_cast %get3A_360 : i32 to index
      %get3A_363 = arith.index_cast %scan3A_190 : i32 to index
      %get3A_364 = arith.constant 0 : index
      %get3A_365 = tpu.vector_load %arg6[%get3A_361, %get3A_362, %get3A_363, %get3A_364] {strides = array<i32>} : memref<2x50x16x16xi32, #tpu.memory_space<vmem>>, vector<16xi32>,
      %gather3A_366 = tpu.vector_load_idx %arg5[%get3A_365] : memref<100000xf32, #tpu.memory_space<vmem>>[vector<16xi32>], vector<16xf32>,
      %add3A_367 = arith.addf %add3A_358, %gather3A_366 : vector<16xf32>
      %get3A_368 = arith.constant 1 : i32
      %get3A_369 = arith.constant 20 : i32
      %get3A_370 = arith.index_cast %get3A_368 : i32 to index
      %get3A_371 = arith.index_cast %get3A_369 : i32 to index
      %get3A_372 = arith.index_cast %scan3A_190 : i32 to index
      %get3A_373 = arith.constant 0 : index
      %get3A_374 = tpu.vector_load %arg6[%get3A_370, %get3A_371, %get3A_372, %get3A_373] {strides = array<i32>} : memref<2x50x16x16xi32, #tpu.memory_space<vmem>>, vector<16xi32>,
      %gather3A_375 = tpu.vector_load_idx %arg5[%get3A_374] : memref<100000xf32, #tpu.memory_space<vmem>>[vector<16xi32>], vector<16xf32>,
      %add3A_376 = arith.addf %add3A_367, %gather3A_375 : vector<16xf32>
      %get3A_377 = arith.constant 1 : i32
      %get3A_378 = arith.constant 21 : i32
      %get3A_379 = arith.index_cast %get3A_377 : i32 to index
      %get3A_380 = arith.index_cast %get3A_378 : i32 to index
      %get3A_381 = arith.index_cast %scan3A_190 : i32 to index
      %get3A_382 = arith.constant 0 : index
      %get3A_383 = tpu.vector_load %arg6[%get3A_379, %get3A_380, %get3A_381, %get3A_382] {strides = array<i32>} : memref<2x50x16x16xi32, #tpu.memory_space<vmem>>, vector<16xi32>,
      %gather3A_384 = tpu.vector_load_idx %arg5[%get3A_383] : memref<100000xf32, #tpu.memory_space<vmem>>[vector<16xi32>], vector<16xf32>,
      %add3A_385 = arith.addf %add3A_376, %gather3A_384 : vector<16xf32>
      %get3A_386 = arith.constant 1 : i32
      %get3A_387 = arith.constant 22 : i32
      %get3A_388 = arith.index_cast %get3A_386 : i32 to index
      %get3A_389 = arith.index_cast %get3A_387 : i32 to index
      %get3A_390 = arith.index_cast %scan3A_190 : i32 to index
      %get3A_391 = arith.constant 0 : index
      %get3A_392 = tpu.vector_load %arg6[%get3A_388, %get3A_389, %get3A_390, %get3A_391] {strides = array<i32>} : memref<2x50x16x16xi32, #tpu.memory_space<vmem>>, vector<16xi32>,
      %gather3A_393 = tpu.vector_load_idx %arg5[%get3A_392] : memref<100000xf32, #tpu.memory_space<vmem>>[vector<16xi32>], vector<16xf32>,
      %add3A_394 = arith.addf %add3A_385, %gather3A_393 : vector<16xf32>
      %get3A_395 = arith.constant 1 : i32
      %get3A_396 = arith.constant 23 : i32
      %get3A_397 = arith.index_cast %get3A_395 : i32 to index
      %get3A_398 = arith.index_cast %get3A_396 : i32 to index
      %get3A_399 = arith.index_cast %scan3A_190 : i32 to index
      %get3A_400 = arith.constant 0 : index
      %get3A_401 = tpu.vector_load %arg6[%get3A_397, %get3A_398, %get3A_399, %get3A_400] {strides = array<i32>} : memref<2x50x16x16xi32, #tpu.memory_space<vmem>>, vector<16xi32>,
      %gather3A_402 = tpu.vector_load_idx %arg5[%get3A_401] : memref<100000xf32, #tpu.memory_space<vmem>>[vector<16xi32>], vector<16xf32>,
      %add3A_403 = arith.addf %add3A_394, %gather3A_402 : vector<16xf32>
      %get3A_404 = arith.constant 1 : i32
      %get3A_405 = arith.constant 24 : i32
      %get3A_406 = arith.index_cast %get3A_404 : i32 to index
      %get3A_407 = arith.index_cast %get3A_405 : i32 to index
      %get3A_408 = arith.index_cast %scan3A_190 : i32 to index
      %get3A_409 = arith.constant 0 : index
      %get3A_410 = tpu.vector_load %arg6[%get3A_406, %get3A_407, %get3A_408, %get3A_409] {strides = array<i32>} : memref<2x50x16x16xi32, #tpu.memory_space<vmem>>, vector<16xi32>,
      %gather3A_411 = tpu.vector_load_idx %arg5[%get3A_410] : memref<100000xf32, #tpu.memory_space<vmem>>[vector<16xi32>], vector<16xf32>,
      %add3A_412 = arith.addf %add3A_403, %gather3A_411 : vector<16xf32>
      %get3A_413 = arith.constant 1 : i32
      %get3A_414 = arith.constant 25 : i32
      %get3A_415 = arith.index_cast %get3A_413 : i32 to index
      %get3A_416 = arith.index_cast %get3A_414 : i32 to index
      %get3A_417 = arith.index_cast %scan3A_190 : i32 to index
      %get3A_418 = arith.constant 0 : index
      %get3A_419 = tpu.vector_load %arg6[%get3A_415, %get3A_416, %get3A_417, %get3A_418] {strides = array<i32>} : memref<2x50x16x16xi32, #tpu.memory_space<vmem>>, vector<16xi32>,
      %gather3A_420 = tpu.vector_load_idx %arg5[%get3A_419] : memref<100000xf32, #tpu.memory_space<vmem>>[vector<16xi32>], vector<16xf32>,
      %add3A_421 = arith.addf %add3A_412, %gather3A_420 : vector<16xf32>
      %get3A_422 = arith.constant 1 : i32
      %get3A_423 = arith.constant 26 : i32
      %get3A_424 = arith.index_cast %get3A_422 : i32 to index
      %get3A_425 = arith.index_cast %get3A_423 : i32 to index
      %get3A_426 = arith.index_cast %scan3A_190 : i32 to index
      %get3A_427 = arith.constant 0 : index
      %get3A_428 = tpu.vector_load %arg6[%get3A_424, %get3A_425, %get3A_426, %get3A_427] {strides = array<i32>} : memref<2x50x16x16xi32, #tpu.memory_space<vmem>>, vector<16xi32>,
      %gather3A_429 = tpu.vector_load_idx %arg5[%get3A_428] : memref<100000xf32, #tpu.memory_space<vmem>>[vector<16xi32>], vector<16xf32>,
      %add3A_430 = arith.addf %add3A_421, %gather3A_429 : vector<16xf32>
      %get3A_431 = arith.constant 1 : i32
      %get3A_432 = arith.constant 27 : i32
      %get3A_433 = arith.index_cast %get3A_431 : i32 to index
      %get3A_434 = arith.index_cast %get3A_432 : i32 to index
      %get3A_435 = arith.index_cast %scan3A_190 : i32 to index
      %get3A_436 = arith.constant 0 : index
      %get3A_437 = tpu.vector_load %arg6[%get3A_433, %get3A_434, %get3A_435, %get3A_436] {strides = array<i32>} : memref<2x50x16x16xi32, #tpu.memory_space<vmem>>, vector<16xi32>,
      %gather3A_438 = tpu.vector_load_idx %arg5[%get3A_437] : memref<100000xf32, #tpu.memory_space<vmem>>[vector<16xi32>], vector<16xf32>,
      %add3A_439 = arith.addf %add3A_430, %gather3A_438 : vector<16xf32>
      %get3A_440 = arith.constant 1 : i32
      %get3A_441 = arith.constant 28 : i32
      %get3A_442 = arith.index_cast %get3A_440 : i32 to index
      %get3A_443 = arith.index_cast %get3A_441 : i32 to index
      %get3A_444 = arith.index_cast %scan3A_190 : i32 to index
      %get3A_445 = arith.constant 0 : index
      %get3A_446 = tpu.vector_load %arg6[%get3A_442, %get3A_443, %get3A_444, %get3A_445] {strides = array<i32>} : memref<2x50x16x16xi32, #tpu.memory_space<vmem>>, vector<16xi32>,
      %gather3A_447 = tpu.vector_load_idx %arg5[%get3A_446] : memref<100000xf32, #tpu.memory_space<vmem>>[vector<16xi32>], vector<16xf32>,
      %add3A_448 = arith.addf %add3A_439, %gather3A_447 : vector<16xf32>
      %get3A_449 = arith.constant 1 : i32
      %get3A_450 = arith.constant 29 : i32
      %get3A_451 = arith.index_cast %get3A_449 : i32 to index
      %get3A_452 = arith.index_cast %get3A_450 : i32 to index
      %get3A_453 = arith.index_cast %scan3A_190 : i32 to index
      %get3A_454 = arith.constant 0 : index
      %get3A_455 = tpu.vector_load %arg6[%get3A_451, %get3A_452, %get3A_453, %get3A_454] {strides = array<i32>} : memref<2x50x16x16xi32, #tpu.memory_space<vmem>>, vector<16xi32>,
      %gather3A_456 = tpu.vector_load_idx %arg5[%get3A_455] : memref<100000xf32, #tpu.memory_space<vmem>>[vector<16xi32>], vector<16xf32>,
      %add3A_457 = arith.addf %add3A_448, %gather3A_456 : vector<16xf32>
      %get3A_458 = arith.constant 1 : i32
      %get3A_459 = arith.constant 30 : i32
      %get3A_460 = arith.index_cast %get3A_458 : i32 to index
      %get3A_461 = arith.index_cast %get3A_459 : i32 to index
      %get3A_462 = arith.index_cast %scan3A_190 : i32 to index
      %get3A_463 = arith.constant 0 : index
      %get3A_464 = tpu.vector_load %arg6[%get3A_460, %get3A_461, %get3A_462, %get3A_463] {strides = array<i32>} : memref<2x50x16x16xi32, #tpu.memory_space<vmem>>, vector<16xi32>,
      %gather3A_465 = tpu.vector_load_idx %arg5[%get3A_464] : memref<100000xf32, #tpu.memory_space<vmem>>[vector<16xi32>], vector<16xf32>,
      %add3A_466 = arith.addf %add3A_457, %gather3A_465 : vector<16xf32>
      %get3A_467 = arith.constant 1 : i32
      %get3A_468 = arith.constant 31 : i32
      %get3A_469 = arith.index_cast %get3A_467 : i32 to index
      %get3A_470 = arith.index_cast %get3A_468 : i32 to index
      %get3A_471 = arith.index_cast %scan3A_190 : i32 to index
      %get3A_472 = arith.constant 0 : index
      %get3A_473 = tpu.vector_load %arg6[%get3A_469, %get3A_470, %get3A_471, %get3A_472] {strides = array<i32>} : memref<2x50x16x16xi32, #tpu.memory_space<vmem>>, vector<16xi32>,
      %gather3A_474 = tpu.vector_load_idx %arg5[%get3A_473] : memref<100000xf32, #tpu.memory_space<vmem>>[vector<16xi32>], vector<16xf32>,
      %add3A_475 = arith.addf %add3A_466, %gather3A_474 : vector<16xf32>
      %get3A_476 = arith.constant 1 : i32
      %get3A_477 = arith.constant 32 : i32
      %get3A_478 = arith.index_cast %get3A_476 : i32 to index
      %get3A_479 = arith.index_cast %get3A_477 : i32 to index
      %get3A_480 = arith.index_cast %scan3A_190 : i32 to index
      %get3A_481 = arith.constant 0 : index
      %get3A_482 = tpu.vector_load %arg6[%get3A_478, %get3A_479, %get3A_480, %get3A_481] {strides = array<i32>} : memref<2x50x16x16xi32, #tpu.memory_space<vmem>>, vector<16xi32>,
      %gather3A_483 = tpu.vector_load_idx %arg5[%get3A_482] : memref<100000xf32, #tpu.memory_space<vmem>>[vector<16xi32>], vector<16xf32>,
      %add3A_484 = arith.addf %add3A_475, %gather3A_483 : vector<16xf32>
      %get3A_485 = arith.constant 1 : i32
      %get3A_486 = arith.constant 33 : i32
      %get3A_487 = arith.index_cast %get3A_485 : i32 to index
      %get3A_488 = arith.index_cast %get3A_486 : i32 to index
      %get3A_489 = arith.index_cast %scan3A_190 : i32 to index
      %get3A_490 = arith.constant 0 : index
      %get3A_491 = tpu.vector_load %arg6[%get3A_487, %get3A_488, %get3A_489, %get3A_490] {strides = array<i32>} : memref<2x50x16x16xi32, #tpu.memory_space<vmem>>, vector<16xi32>,
      %gather3A_492 = tpu.vector_load_idx %arg5[%get3A_491] : memref<100000xf32, #tpu.memory_space<vmem>>[vector<16xi32>], vector<16xf32>,
      %add3A_493 = arith.addf %add3A_484, %gather3A_492 : vector<16xf32>
      %get3A_494 = arith.constant 1 : i32
      %get3A_495 = arith.constant 34 : i32
      %get3A_496 = arith.index_cast %get3A_494 : i32 to index
      %get3A_497 = arith.index_cast %get3A_495 : i32 to index
      %get3A_498 = arith.index_cast %scan3A_190 : i32 to index
      %get3A_499 = arith.constant 0 : index
      %get3A_500 = tpu.vector_load %arg6[%get3A_496, %get3A_497, %get3A_498, %get3A_499] {strides = array<i32>} : memref<2x50x16x16xi32, #tpu.memory_space<vmem>>, vector<16xi32>,
      %gather3A_501 = tpu.vector_load_idx %arg5[%get3A_500] : memref<100000xf32, #tpu.memory_space<vmem>>[vector<16xi32>], vector<16xf32>,
      %add3A_502 = arith.addf %add3A_493, %gather3A_501 : vector<16xf32>
      %get3A_503 = arith.constant 1 : i32
      %get3A_504 = arith.constant 35 : i32
      %get3A_505 = arith.index_cast %get3A_503 : i32 to index
      %get3A_506 = arith.index_cast %get3A_504 : i32 to index
      %get3A_507 = arith.index_cast %scan3A_190 : i32 to index
      %get3A_508 = arith.constant 0 : index
      %get3A_509 = tpu.vector_load %arg6[%get3A_505, %get3A_506, %get3A_507, %get3A_508] {strides = array<i32>} : memref<2x50x16x16xi32, #tpu.memory_space<vmem>>, vector<16xi32>,
      %gather3A_510 = tpu.vector_load_idx %arg5[%get3A_509] : memref<100000xf32, #tpu.memory_space<vmem>>[vector<16xi32>], vector<16xf32>,
      %add3A_511 = arith.addf %add3A_502, %gather3A_510 : vector<16xf32>
      %get3A_512 = arith.constant 1 : i32
      %get3A_513 = arith.constant 36 : i32
      %get3A_514 = arith.index_cast %get3A_512 : i32 to index
      %get3A_515 = arith.index_cast %get3A_513 : i32 to index
      %get3A_516 = arith.index_cast %scan3A_190 : i32 to index
      %get3A_517 = arith.constant 0 : index
      %get3A_518 = tpu.vector_load %arg6[%get3A_514, %get3A_515, %get3A_516, %get3A_517] {strides = array<i32>} : memref<2x50x16x16xi32, #tpu.memory_space<vmem>>, vector<16xi32>,
      %gather3A_519 = tpu.vector_load_idx %arg5[%get3A_518] : memref<100000xf32, #tpu.memory_space<vmem>>[vector<16xi32>], vector<16xf32>,
      %add3A_520 = arith.addf %add3A_511, %gather3A_519 : vector<16xf32>
      %get3A_521 = arith.constant 1 : i32
      %get3A_522 = arith.constant 37 : i32
      %get3A_523 = arith.index_cast %get3A_521 : i32 to index
      %get3A_524 = arith.index_cast %get3A_522 : i32 to index
      %get3A_525 = arith.index_cast %scan3A_190 : i32 to index
      %get3A_526 = arith.constant 0 : index
      %get3A_527 = tpu.vector_load %arg6[%get3A_523, %get3A_524, %get3A_525, %get3A_526] {strides = array<i32>} : memref<2x50x16x16xi32, #tpu.memory_space<vmem>>, vector<16xi32>,
      %gather3A_528 = tpu.vector_load_idx %arg5[%get3A_527] : memref<100000xf32, #tpu.memory_space<vmem>>[vector<16xi32>], vector<16xf32>,
      %add3A_529 = arith.addf %add3A_520, %gather3A_528 : vector<16xf32>
      %get3A_530 = arith.constant 1 : i32
      %get3A_531 = arith.constant 38 : i32
      %get3A_532 = arith.index_cast %get3A_530 : i32 to index
      %get3A_533 = arith.index_cast %get3A_531 : i32 to index
      %get3A_534 = arith.index_cast %scan3A_190 : i32 to index
      %get3A_535 = arith.constant 0 : index
      %get3A_536 = tpu.vector_load %arg6[%get3A_532, %get3A_533, %get3A_534, %get3A_535] {strides = array<i32>} : memref<2x50x16x16xi32, #tpu.memory_space<vmem>>, vector<16xi32>,
      %gather3A_537 = tpu.vector_load_idx %arg5[%get3A_536] : memref<100000xf32, #tpu.memory_space<vmem>>[vector<16xi32>], vector<16xf32>,
      %add3A_538 = arith.addf %add3A_529, %gather3A_537 : vector<16xf32>
      %get3A_539 = arith.constant 1 : i32
      %get3A_540 = arith.constant 39 : i32
      %get3A_541 = arith.index_cast %get3A_539 : i32 to index
      %get3A_542 = arith.index_cast %get3A_540 : i32 to index
      %get3A_543 = arith.index_cast %scan3A_190 : i32 to index
      %get3A_544 = arith.constant 0 : index
      %get3A_545 = tpu.vector_load %arg6[%get3A_541, %get3A_542, %get3A_543, %get3A_544] {strides = array<i32>} : memref<2x50x16x16xi32, #tpu.memory_space<vmem>>, vector<16xi32>,
      %gather3A_546 = tpu.vector_load_idx %arg5[%get3A_545] : memref<100000xf32, #tpu.memory_space<vmem>>[vector<16xi32>], vector<16xf32>,
      %add3A_547 = arith.addf %add3A_538, %gather3A_546 : vector<16xf32>
      %get3A_548 = arith.constant 1 : i32
      %get3A_549 = arith.constant 40 : i32
      %get3A_550 = arith.index_cast %get3A_548 : i32 to index
      %get3A_551 = arith.index_cast %get3A_549 : i32 to index
      %get3A_552 = arith.index_cast %scan3A_190 : i32 to index
      %get3A_553 = arith.constant 0 : index
      %get3A_554 = tpu.vector_load %arg6[%get3A_550, %get3A_551, %get3A_552, %get3A_553] {strides = array<i32>} : memref<2x50x16x16xi32, #tpu.memory_space<vmem>>, vector<16xi32>,
      %gather3A_555 = tpu.vector_load_idx %arg5[%get3A_554] : memref<100000xf32, #tpu.memory_space<vmem>>[vector<16xi32>], vector<16xf32>,
      %add3A_556 = arith.addf %add3A_547, %gather3A_555 : vector<16xf32>
      %get3A_557 = arith.constant 1 : i32
      %get3A_558 = arith.constant 41 : i32
      %get3A_559 = arith.index_cast %get3A_557 : i32 to index
      %get3A_560 = arith.index_cast %get3A_558 : i32 to index
      %get3A_561 = arith.index_cast %scan3A_190 : i32 to index
      %get3A_562 = arith.constant 0 : index
      %get3A_563 = tpu.vector_load %arg6[%get3A_559, %get3A_560, %get3A_561, %get3A_562] {strides = array<i32>} : memref<2x50x16x16xi32, #tpu.memory_space<vmem>>, vector<16xi32>,
      %gather3A_564 = tpu.vector_load_idx %arg5[%get3A_563] : memref<100000xf32, #tpu.memory_space<vmem>>[vector<16xi32>], vector<16xf32>,
      %add3A_565 = arith.addf %add3A_556, %gather3A_564 : vector<16xf32>
      %get3A_566 = arith.constant 1 : i32
      %get3A_567 = arith.constant 42 : i32
      %get3A_568 = arith.index_cast %get3A_566 : i32 to index
      %get3A_569 = arith.index_cast %get3A_567 : i32 to index
      %get3A_570 = arith.index_cast %scan3A_190 : i32 to index
      %get3A_571 = arith.constant 0 : index
      %get3A_572 = tpu.vector_load %arg6[%get3A_568, %get3A_569, %get3A_570, %get3A_571] {strides = array<i32>} : memref<2x50x16x16xi32, #tpu.memory_space<vmem>>, vector<16xi32>,
      %gather3A_573 = tpu.vector_load_idx %arg5[%get3A_572] : memref<100000xf32, #tpu.memory_space<vmem>>[vector<16xi32>], vector<16xf32>,
      %add3A_574 = arith.addf %add3A_565, %gather3A_573 : vector<16xf32>
      %get3A_575 = arith.constant 1 : i32
      %get3A_576 = arith.constant 43 : i32
      %get3A_577 = arith.index_cast %get3A_575 : i32 to index
      %get3A_578 = arith.index_cast %get3A_576 : i32 to index
      %get3A_579 = arith.index_cast %scan3A_190 : i32 to index
      %get3A_580 = arith.constant 0 : index
      %get3A_581 = tpu.vector_load %arg6[%get3A_577, %get3A_578, %get3A_579, %get3A_580] {strides = array<i32>} : memref<2x50x16x16xi32, #tpu.memory_space<vmem>>, vector<16xi32>,
      %gather3A_582 = tpu.vector_load_idx %arg5[%get3A_581] : memref<100000xf32, #tpu.memory_space<vmem>>[vector<16xi32>], vector<16xf32>,
      %add3A_583 = arith.addf %add3A_574, %gather3A_582 : vector<16xf32>
      %get3A_584 = arith.constant 1 : i32
      %get3A_585 = arith.constant 44 : i32
      %get3A_586 = arith.index_cast %get3A_584 : i32 to index
      %get3A_587 = arith.index_cast %get3A_585 : i32 to index
      %get3A_588 = arith.index_cast %scan3A_190 : i32 to index
      %get3A_589 = arith.constant 0 : index
      %get3A_590 = tpu.vector_load %arg6[%get3A_586, %get3A_587, %get3A_588, %get3A_589] {strides = array<i32>} : memref<2x50x16x16xi32, #tpu.memory_space<vmem>>, vector<16xi32>,
      %gather3A_591 = tpu.vector_load_idx %arg5[%get3A_590] : memref<100000xf32, #tpu.memory_space<vmem>>[vector<16xi32>], vector<16xf32>,
      %add3A_592 = arith.addf %add3A_583, %gather3A_591 : vector<16xf32>
      %get3A_593 = arith.constant 1 : i32
      %get3A_594 = arith.constant 45 : i32
      %get3A_595 = arith.index_cast %get3A_593 : i32 to index
      %get3A_596 = arith.index_cast %get3A_594 : i32 to index
      %get3A_597 = arith.index_cast %scan3A_190 : i32 to index
      %get3A_598 = arith.constant 0 : index
      %get3A_599 = tpu.vector_load %arg6[%get3A_595, %get3A_596, %get3A_597, %get3A_598] {strides = array<i32>} : memref<2x50x16x16xi32, #tpu.memory_space<vmem>>, vector<16xi32>,
      %gather3A_600 = tpu.vector_load_idx %arg5[%get3A_599] : memref<100000xf32, #tpu.memory_space<vmem>>[vector<16xi32>], vector<16xf32>,
      %add3A_601 = arith.addf %add3A_592, %gather3A_600 : vector<16xf32>
      %get3A_602 = arith.constant 1 : i32
      %get3A_603 = arith.constant 46 : i32
      %get3A_604 = arith.index_cast %get3A_602 : i32 to index
      %get3A_605 = arith.index_cast %get3A_603 : i32 to index
      %get3A_606 = arith.index_cast %scan3A_190 : i32 to index
      %get3A_607 = arith.constant 0 : index
      %get3A_608 = tpu.vector_load %arg6[%get3A_604, %get3A_605, %get3A_606, %get3A_607] {strides = array<i32>} : memref<2x50x16x16xi32, #tpu.memory_space<vmem>>, vector<16xi32>,
      %gather3A_609 = tpu.vector_load_idx %arg5[%get3A_608] : memref<100000xf32, #tpu.memory_space<vmem>>[vector<16xi32>], vector<16xf32>,
      %add3A_610 = arith.addf %add3A_601, %gather3A_609 : vector<16xf32>
      %get3A_611 = arith.constant 1 : i32
      %get3A_612 = arith.constant 47 : i32
      %get3A_613 = arith.index_cast %get3A_611 : i32 to index
      %get3A_614 = arith.index_cast %get3A_612 : i32 to index
      %get3A_615 = arith.index_cast %scan3A_190 : i32 to index
      %get3A_616 = arith.constant 0 : index
      %get3A_617 = tpu.vector_load %arg6[%get3A_613, %get3A_614, %get3A_615, %get3A_616] {strides = array<i32>} : memref<2x50x16x16xi32, #tpu.memory_space<vmem>>, vector<16xi32>,
      %gather3A_618 = tpu.vector_load_idx %arg5[%get3A_617] : memref<100000xf32, #tpu.memory_space<vmem>>[vector<16xi32>], vector<16xf32>,
      %add3A_619 = arith.addf %add3A_610, %gather3A_618 : vector<16xf32>
      %get3A_620 = arith.constant 1 : i32
      %get3A_621 = arith.constant 48 : i32
      %get3A_622 = arith.index_cast %get3A_620 : i32 to index
      %get3A_623 = arith.index_cast %get3A_621 : i32 to index
      %get3A_624 = arith.index_cast %scan3A_190 : i32 to index
      %get3A_625 = arith.constant 0 : index
      %get3A_626 = tpu.vector_load %arg6[%get3A_622, %get3A_623, %get3A_624, %get3A_625] {strides = array<i32>} : memref<2x50x16x16xi32, #tpu.memory_space<vmem>>, vector<16xi32>,
      %gather3A_627 = tpu.vector_load_idx %arg5[%get3A_626] : memref<100000xf32, #tpu.memory_space<vmem>>[vector<16xi32>], vector<16xf32>,
      %add3A_628 = arith.addf %add3A_619, %gather3A_627 : vector<16xf32>
      %get3A_629 = arith.constant 1 : i32
      %get3A_630 = arith.constant 49 : i32
      %get3A_631 = arith.index_cast %get3A_629 : i32 to index
      %get3A_632 = arith.index_cast %get3A_630 : i32 to index
      %get3A_633 = arith.index_cast %scan3A_190 : i32 to index
      %get3A_634 = arith.constant 0 : index
      %get3A_635 = tpu.vector_load %arg6[%get3A_631, %get3A_632, %get3A_633, %get3A_634] {strides = array<i32>} : memref<2x50x16x16xi32, #tpu.memory_space<vmem>>, vector<16xi32>,
      %gather3A_636 = tpu.vector_load_idx %arg5[%get3A_635] : memref<100000xf32, #tpu.memory_space<vmem>>[vector<16xi32>], vector<16xf32>,
      %add3A_637 = arith.addf %add3A_628, %gather3A_636 : vector<16xf32>
      %mul3A_638 = vector.broadcast %scan3A_184 : f32 to vector<16xf32>
      %mul3A_639 = arith.mulf %add3A_637, %mul3A_638 : vector<16xf32>
      %add3A_640 = arith.constant 48 : i32
      %add3A_641 = arith.addi %add3A_640, %scan3A_190 : i32
      %swap3A = arith.index_cast %add3A_641 : i32 to index
      %swap3A_642 = arith.constant 0 : index
      %swap3A_643 = tpu.vector_load %arg7[%swap3A, %swap3A_642] {strides = array<i32>} : memref<64x16xf32, #tpu.memory_space<vmem>>, vector<16xf32>,
      tpu.vector_store %arg7[%swap3A, %swap3A_642], %mul3A_639 {strides = array<i32>} : memref<64x16xf32, #tpu.memory_space<vmem>>, vector<16xf32>,
    }
    %scan3A_189 = arith.constant 16 : i32
    "tpu.region"() ({
      %run_scoped3A = tpu.sem_alloc : memref<!tpu.dma_semaphore, #tpu.memory_space<semaphore_mem>>
      %dma_start3A_190 = arith.constant 0 : i32
      %dma_start3A_191 = arith.constant 0 : i32
      %dma_start3A_192 = tpu.memref_slice %arg4[%add3A, %dma_start3A_190, %dma_start3A_191] : memref<32x64x16xf32, #tpu.memory_space<hbm>> -> memref<1x64x16xf32, #tpu.memory_space<hbm>>
      %dma_start3A_193 = tpu.memref_squeeze %dma_start3A_192 : memref<1x64x16xf32, #tpu.memory_space<hbm>> -> memref<64x16xf32, #tpu.memory_space<hbm>>
      %dma_start3A_194 = arith.constant 0 : i32
      %dma_start3A_195 = arith.constant 0 : i32
      %dma_start3A_196 = tpu.memref_slice %arg4[%add3A, %dma_start3A_194, %dma_start3A_195] : memref<32x64x16xf32, #tpu.memory_space<hbm>> -> memref<1x64x16xf32, #tpu.memory_space<hbm>>
      %dma_start3A_197 = tpu.memref_squeeze %dma_start3A_196 : memref<1x64x16xf32, #tpu.memory_space<hbm>> -> memref<64x16xf32, #tpu.memory_space<hbm>>
      tpu.enqueue_dma source(%arg7 : memref<64x16xf32, #tpu.memory_space<vmem>>) target(%dma_start3A_197 : memref<64x16xf32, #tpu.memory_space<hbm>>) target_semaphore(%run_scoped3A : memref<!tpu.dma_semaphore, #tpu.memory_space<semaphore_mem>>)
      %dma_wait3A_198 = arith.constant 0 : i32
      %dma_wait3A_199 = arith.constant 0 : i32
      %dma_wait3A_200 = tpu.memref_slice %arg4[%add3A, %dma_wait3A_198, %dma_wait3A_199] : memref<32x64x16xf32, #tpu.memory_space<hbm>> -> memref<1x64x16xf32, #tpu.memory_space<hbm>>
      %dma_wait3A_201 = tpu.memref_squeeze %dma_wait3A_200 : memref<1x64x16xf32, #tpu.memory_space<hbm>> -> memref<64x16xf32, #tpu.memory_space<hbm>>
      %dma_wait3A_202 = arith.constant 0 : i32
      %dma_wait3A_203 = arith.constant 0 : i32
      %dma_wait3A_204 = tpu.memref_slice %arg4[%add3A, %dma_wait3A_202, %dma_wait3A_203] : memref<32x64x16xf32, #tpu.memory_space<hbm>> -> memref<1x64x16xf32, #tpu.memory_space<hbm>>
      %dma_wait3A_205 = tpu.memref_squeeze %dma_wait3A_204 : memref<1x64x16xf32, #tpu.memory_space<hbm>> -> memref<64x16xf32, #tpu.memory_space<hbm>>
      tpu.wait_dma2 semaphore(%run_scoped3A : memref<!tpu.dma_semaphore, #tpu.memory_space<semaphore_mem>>) src(%arg7 : memref<64x16xf32, #tpu.memory_space<vmem>>) dst(%dma_wait3A_205 : memref<64x16xf32, #tpu.memory_space<hbm>>)
      tpu.yield
    }) : () -> ()
    return
  }
}

module attributes {stable_mosaic.version = 14 : i64} {
  func.func @mm(%arg0: i32, %arg1: memref<32x2048xf32, #tpu.memory_space<vmem>>, %arg2: memref<32x1024xf32, #tpu.memory_space<vmem>>, %arg3: memref<2048xf32, #tpu.memory_space<vmem>>, %arg4: memref<100000x1024xf32, #tpu.memory_space<any>>, %arg5: memref<6x2048x1024xf32, #tpu.memory_space<vmem>>, %arg6: memref<6x!tpu.dma_semaphore, #tpu.memory_space<semaphore_mem>>) attributes {dimension_semantics = [#tpu.dimension_semantics<arbitrary>], iteration_bounds = array<i64: 49>, scalar_prefetch = 0 : i64, scratch_operands = 2 : i64, tpu.core_type = #tpu.core_type<tc>, window_params = [{transform_indices = @transform_0, window_bounds = array<i64: 32, 2048>}, {pipeline_mode = #tpu.pipeline_mode<synchronous>, transform_indices = @transform_1, window_bounds = array<i64: 32, 1024>}, {transform_indices = @transform_2, window_bounds = array<i64: 2048>}, {}]} {
    %rem3A = arith.constant 6 : i32
    %rem3A_0 = arith.remsi %arg0, %rem3A : i32
    %ge3A = arith.constant 6 : i32
    %ge3A_1 = arith.cmpi sge, %arg0, %ge3A : i32
    %convert_element_type3A = arith.extui %ge3A_1 : i1 to i32
    %cond3A = arith.constant 0 : i32
    %cond3A_2 = arith.cmpi ne, %convert_element_type3A, %cond3A : i32
    scf.if %cond3A_2 {
      %sub3A = arith.constant 6 : i32
      %sub3A_25 = arith.subi %arg0, %sub3A : i32
      %mul3A = arith.constant 2048 : i32
      %mul3A_26 = arith.muli %sub3A_25, %mul3A : i32
      %dma_wait3A = tpu.memref_slice %arg6[%rem3A_0] : memref<6x!tpu.dma_semaphore, #tpu.memory_space<semaphore_mem>> -> memref<1x!tpu.dma_semaphore, #tpu.memory_space<semaphore_mem>>
      %dma_wait3A_27 = tpu.memref_squeeze %dma_wait3A : memref<1x!tpu.dma_semaphore, #tpu.memory_space<semaphore_mem>> -> memref<!tpu.dma_semaphore, #tpu.memory_space<semaphore_mem>>
      %dma_wait3A_28 = arith.constant 0 : i32
      %dma_wait3A_29 = tpu.memref_slice %arg4[%mul3A_26, %dma_wait3A_28] : memref<100000x1024xf32, #tpu.memory_space<any>> -> memref<2048x1024xf32, #tpu.memory_space<any>>
      %dma_wait3A_30 = arith.constant 0 : i32
      %dma_wait3A_31 = arith.constant 0 : i32
      %dma_wait3A_32 = tpu.memref_slice %arg5[%rem3A_0, %dma_wait3A_30, %dma_wait3A_31] : memref<6x2048x1024xf32, #tpu.memory_space<vmem>> -> memref<1x2048x1024xf32, #tpu.memory_space<vmem>>
      %dma_wait3A_33 = tpu.memref_squeeze %dma_wait3A_32 : memref<1x2048x1024xf32, #tpu.memory_space<vmem>> -> memref<2048x1024xf32, #tpu.memory_space<vmem>>
      tpu.wait_dma2 semaphore(%dma_wait3A_27 : memref<!tpu.dma_semaphore, #tpu.memory_space<semaphore_mem>>) src(%dma_wait3A_33 : memref<2048x1024xf32, #tpu.memory_space<vmem>>) dst(%dma_wait3A_29 : memref<2048x1024xf32, #tpu.memory_space<any>>)
    } else {
    }
    %get3A = arith.constant 0 : index
    %get3A_3 = vector.load %arg3[%get3A] : memref<2048xf32, #tpu.memory_space<vmem>>, vector<2048xf32>
    %reshape3A = vector.shape_cast %get3A_3 : vector<2048xf32> to vector<2048x1xf32>
    %get3A_4 = arith.constant 0 : index
    %get3A_5 = arith.constant 0 : index
    %get3A_6 = vector.load %arg1[%get3A_4, %get3A_5] : memref<32x2048xf32, #tpu.memory_space<vmem>>, vector<32x2048xf32>
    %get3A_7 = arith.constant 0 : index
    %get3A_8 = arith.constant 0 : index
    %get3A_9 = vector.load %arg2[%get3A_7, %get3A_8] : memref<32x1024xf32, #tpu.memory_space<vmem>>, vector<32x1024xf32>
    %dot_general3A = arith.constant dense<0.000000e+00> : vector<2048x1024xf32>
    %dot_general3A_10 = tpu.matmul %get3A_6, %get3A_9, %dot_general3A {dimension_numbers = #tpu.dot_dimension_numbers<[0], [0], [1], [1], [0, 1, 1, 1], [], []>, transpose_lhs_hint = false} : vector<32x2048xf32>, vector<32x1024xf32>, vector<2048x1024xf32> -> vector<2048x1024xf32>
    %add3A = vector.broadcast %reshape3A : vector<2048x1xf32> to vector<2048x1024xf32>
    %add3A_11 = arith.addf %dot_general3A_10, %add3A : vector<2048x1024xf32>
    %swap3A = arith.index_cast %rem3A_0 : i32 to index
    %swap3A_12 = arith.constant 0 : index
    %swap3A_13 = arith.constant 0 : index
    %swap3A_14 = vector.load %arg5[%swap3A, %swap3A_12, %swap3A_13] : memref<6x2048x1024xf32, #tpu.memory_space<vmem>>, vector<1x2048x1024xf32>
    %swap3A_15 = vector.shape_cast %swap3A_14 : vector<1x2048x1024xf32> to vector<2048x1024xf32>
    %swap3A_16 = vector.shape_cast %add3A_11 : vector<2048x1024xf32> to vector<1x2048x1024xf32>
    tpu.vector_store %arg5[%swap3A, %swap3A_12, %swap3A_13], %swap3A_16 {strides = array<i32>} : memref<6x2048x1024xf32, #tpu.memory_space<vmem>>, vector<1x2048x1024xf32>,
    %lt3A = arith.constant 48 : i32
    %lt3A_17 = arith.cmpi slt, %arg0, %lt3A : i32
    %convert_element_type3A_18 = arith.extui %lt3A_17 : i1 to i32
    %cond3A_19 = arith.constant 0 : i32
    %cond3A_20 = arith.cmpi ne, %convert_element_type3A_18, %cond3A_19 : i32
    scf.if %cond3A_20 {
      %mul3A = arith.constant 2048 : i32
      %mul3A_25 = arith.muli %arg0, %mul3A : i32
      %dma_start3A = tpu.memref_slice %arg6[%rem3A_0] : memref<6x!tpu.dma_semaphore, #tpu.memory_space<semaphore_mem>> -> memref<1x!tpu.dma_semaphore, #tpu.memory_space<semaphore_mem>>
      %dma_start3A_26 = tpu.memref_squeeze %dma_start3A : memref<1x!tpu.dma_semaphore, #tpu.memory_space<semaphore_mem>> -> memref<!tpu.dma_semaphore, #tpu.memory_space<semaphore_mem>>
      %dma_start3A_27 = arith.constant 0 : i32
      %dma_start3A_28 = tpu.memref_slice %arg4[%mul3A_25, %dma_start3A_27] : memref<100000x1024xf32, #tpu.memory_space<any>> -> memref<2048x1024xf32, #tpu.memory_space<any>>
      %dma_start3A_29 = arith.constant 0 : i32
      %dma_start3A_30 = arith.constant 0 : i32
      %dma_start3A_31 = tpu.memref_slice %arg5[%rem3A_0, %dma_start3A_29, %dma_start3A_30] : memref<6x2048x1024xf32, #tpu.memory_space<vmem>> -> memref<1x2048x1024xf32, #tpu.memory_space<vmem>>
      %dma_start3A_32 = tpu.memref_squeeze %dma_start3A_31 : memref<1x2048x1024xf32, #tpu.memory_space<vmem>> -> memref<2048x1024xf32, #tpu.memory_space<vmem>>
      tpu.enqueue_dma source(%dma_start3A_32 : memref<2048x1024xf32, #tpu.memory_space<vmem>>) target(%dma_start3A_28 : memref<2048x1024xf32, #tpu.memory_space<any>>) target_semaphore(%dma_start3A_26 : memref<!tpu.dma_semaphore, #tpu.memory_space<semaphore_mem>>)
    } else {
    }
    %eq3A = arith.constant 48 : i32
    %eq3A_21 = arith.cmpi eq, %arg0, %eq3A : i32
    %convert_element_type3A_22 = arith.extui %eq3A_21 : i1 to i32
    %cond3A_23 = arith.constant 0 : i32
    %cond3A_24 = arith.cmpi ne, %convert_element_type3A_22, %cond3A_23 : i32
    scf.if %cond3A_24 {
      %mul3A = arith.constant 2048 : i32
      %mul3A_25 = arith.muli %arg0, %mul3A : i32
      %dma_start3A = tpu.memref_slice %arg6[%rem3A_0] : memref<6x!tpu.dma_semaphore, #tpu.memory_space<semaphore_mem>> -> memref<1x!tpu.dma_semaphore, #tpu.memory_space<semaphore_mem>>
      %dma_start3A_26 = tpu.memref_squeeze %dma_start3A : memref<1x!tpu.dma_semaphore, #tpu.memory_space<semaphore_mem>> -> memref<!tpu.dma_semaphore, #tpu.memory_space<semaphore_mem>>
      %dma_start3A_27 = arith.constant 0 : i32
      %dma_start3A_28 = tpu.memref_slice %arg4[%mul3A_25, %dma_start3A_27] : memref<100000x1024xf32, #tpu.memory_space<any>> -> memref<1696x1024xf32, #tpu.memory_space<any>>
      %dma_start3A_29 = arith.constant 0 : i32
      %dma_start3A_30 = arith.constant 0 : i32
      %dma_start3A_31 = tpu.memref_slice %arg5[%rem3A_0, %dma_start3A_29, %dma_start3A_30] : memref<6x2048x1024xf32, #tpu.memory_space<vmem>> -> memref<1x1696x1024xf32, #tpu.memory_space<vmem>>
      %dma_start3A_32 = tpu.memref_squeeze %dma_start3A_31 : memref<1x1696x1024xf32, #tpu.memory_space<vmem>> -> memref<1696x1024xf32, #tpu.memory_space<vmem>>
      tpu.enqueue_dma source(%dma_start3A_32 : memref<1696x1024xf32, #tpu.memory_space<vmem>>) target(%dma_start3A_28 : memref<1696x1024xf32, #tpu.memory_space<any>>) target_semaphore(%dma_start3A_26 : memref<!tpu.dma_semaphore, #tpu.memory_space<semaphore_mem>>)
      %dma_wait3A = arith.constant 1 : i32
      %dma_wait3A_33 = arith.constant 1 : i32
      %dma_wait3A_34 = tpu.memref_slice %arg6[%dma_wait3A_33] : memref<6x!tpu.dma_semaphore, #tpu.memory_space<semaphore_mem>> -> memref<1x!tpu.dma_semaphore, #tpu.memory_space<semaphore_mem>>
      %dma_wait3A_35 = tpu.memref_squeeze %dma_wait3A_34 : memref<1x!tpu.dma_semaphore, #tpu.memory_space<semaphore_mem>> -> memref<!tpu.dma_semaphore, #tpu.memory_space<semaphore_mem>>
      %dma_wait3A_36 = arith.constant 88064 : i32
      %dma_wait3A_37 = arith.constant 0 : i32
      %dma_wait3A_38 = tpu.memref_slice %arg4[%dma_wait3A_36, %dma_wait3A_37] : memref<100000x1024xf32, #tpu.memory_space<any>> -> memref<2048x1024xf32, #tpu.memory_space<any>>
      %dma_wait3A_39 = arith.constant 0 : i32
      %dma_wait3A_40 = arith.constant 0 : i32
      %dma_wait3A_41 = tpu.memref_slice %arg5[%dma_wait3A, %dma_wait3A_39, %dma_wait3A_40] : memref<6x2048x1024xf32, #tpu.memory_space<vmem>> -> memref<1x2048x1024xf32, #tpu.memory_space<vmem>>
      %dma_wait3A_42 = tpu.memref_squeeze %dma_wait3A_41 : memref<1x2048x1024xf32, #tpu.memory_space<vmem>> -> memref<2048x1024xf32, #tpu.memory_space<vmem>>
      tpu.wait_dma2 semaphore(%dma_wait3A_35 : memref<!tpu.dma_semaphore, #tpu.memory_space<semaphore_mem>>) src(%dma_wait3A_42 : memref<2048x1024xf32, #tpu.memory_space<vmem>>) dst(%dma_wait3A_38 : memref<2048x1024xf32, #tpu.memory_space<any>>)
      %dma_wait3A_43 = arith.constant 2 : i32
      %dma_wait3A_44 = arith.constant 2 : i32
      %dma_wait3A_45 = tpu.memref_slice %arg6[%dma_wait3A_44] : memref<6x!tpu.dma_semaphore, #tpu.memory_space<semaphore_mem>> -> memref<1x!tpu.dma_semaphore, #tpu.memory_space<semaphore_mem>>
      %dma_wait3A_46 = tpu.memref_squeeze %dma_wait3A_45 : memref<1x!tpu.dma_semaphore, #tpu.memory_space<semaphore_mem>> -> memref<!tpu.dma_semaphore, #tpu.memory_space<semaphore_mem>>
      %dma_wait3A_47 = arith.constant 90112 : i32
      %dma_wait3A_48 = arith.constant 0 : i32
      %dma_wait3A_49 = tpu.memref_slice %arg4[%dma_wait3A_47, %dma_wait3A_48] : memref<100000x1024xf32, #tpu.memory_space<any>> -> memref<2048x1024xf32, #tpu.memory_space<any>>
      %dma_wait3A_50 = arith.constant 0 : i32
      %dma_wait3A_51 = arith.constant 0 : i32
      %dma_wait3A_52 = tpu.memref_slice %arg5[%dma_wait3A_43, %dma_wait3A_50, %dma_wait3A_51] : memref<6x2048x1024xf32, #tpu.memory_space<vmem>> -> memref<1x2048x1024xf32, #tpu.memory_space<vmem>>
      %dma_wait3A_53 = tpu.memref_squeeze %dma_wait3A_52 : memref<1x2048x1024xf32, #tpu.memory_space<vmem>> -> memref<2048x1024xf32, #tpu.memory_space<vmem>>
      tpu.wait_dma2 semaphore(%dma_wait3A_46 : memref<!tpu.dma_semaphore, #tpu.memory_space<semaphore_mem>>) src(%dma_wait3A_53 : memref<2048x1024xf32, #tpu.memory_space<vmem>>) dst(%dma_wait3A_49 : memref<2048x1024xf32, #tpu.memory_space<any>>)
      %dma_wait3A_54 = arith.constant 3 : i32
      %dma_wait3A_55 = arith.constant 3 : i32
      %dma_wait3A_56 = tpu.memref_slice %arg6[%dma_wait3A_55] : memref<6x!tpu.dma_semaphore, #tpu.memory_space<semaphore_mem>> -> memref<1x!tpu.dma_semaphore, #tpu.memory_space<semaphore_mem>>
      %dma_wait3A_57 = tpu.memref_squeeze %dma_wait3A_56 : memref<1x!tpu.dma_semaphore, #tpu.memory_space<semaphore_mem>> -> memref<!tpu.dma_semaphore, #tpu.memory_space<semaphore_mem>>
      %dma_wait3A_58 = arith.constant 92160 : i32
      %dma_wait3A_59 = arith.constant 0 : i32
      %dma_wait3A_60 = tpu.memref_slice %arg4[%dma_wait3A_58, %dma_wait3A_59] : memref<100000x1024xf32, #tpu.memory_space<any>> -> memref<2048x1024xf32, #tpu.memory_space<any>>
      %dma_wait3A_61 = arith.constant 0 : i32
      %dma_wait3A_62 = arith.constant 0 : i32
      %dma_wait3A_63 = tpu.memref_slice %arg5[%dma_wait3A_54, %dma_wait3A_61, %dma_wait3A_62] : memref<6x2048x1024xf32, #tpu.memory_space<vmem>> -> memref<1x2048x1024xf32, #tpu.memory_space<vmem>>
      %dma_wait3A_64 = tpu.memref_squeeze %dma_wait3A_63 : memref<1x2048x1024xf32, #tpu.memory_space<vmem>> -> memref<2048x1024xf32, #tpu.memory_space<vmem>>
      tpu.wait_dma2 semaphore(%dma_wait3A_57 : memref<!tpu.dma_semaphore, #tpu.memory_space<semaphore_mem>>) src(%dma_wait3A_64 : memref<2048x1024xf32, #tpu.memory_space<vmem>>) dst(%dma_wait3A_60 : memref<2048x1024xf32, #tpu.memory_space<any>>)
      %dma_wait3A_65 = arith.constant 4 : i32
      %dma_wait3A_66 = arith.constant 4 : i32
      %dma_wait3A_67 = tpu.memref_slice %arg6[%dma_wait3A_66] : memref<6x!tpu.dma_semaphore, #tpu.memory_space<semaphore_mem>> -> memref<1x!tpu.dma_semaphore, #tpu.memory_space<semaphore_mem>>
      %dma_wait3A_68 = tpu.memref_squeeze %dma_wait3A_67 : memref<1x!tpu.dma_semaphore, #tpu.memory_space<semaphore_mem>> -> memref<!tpu.dma_semaphore, #tpu.memory_space<semaphore_mem>>
      %dma_wait3A_69 = arith.constant 94208 : i32
      %dma_wait3A_70 = arith.constant 0 : i32
      %dma_wait3A_71 = tpu.memref_slice %arg4[%dma_wait3A_69, %dma_wait3A_70] : memref<100000x1024xf32, #tpu.memory_space<any>> -> memref<2048x1024xf32, #tpu.memory_space<any>>
      %dma_wait3A_72 = arith.constant 0 : i32
      %dma_wait3A_73 = arith.constant 0 : i32
      %dma_wait3A_74 = tpu.memref_slice %arg5[%dma_wait3A_65, %dma_wait3A_72, %dma_wait3A_73] : memref<6x2048x1024xf32, #tpu.memory_space<vmem>> -> memref<1x2048x1024xf32, #tpu.memory_space<vmem>>
      %dma_wait3A_75 = tpu.memref_squeeze %dma_wait3A_74 : memref<1x2048x1024xf32, #tpu.memory_space<vmem>> -> memref<2048x1024xf32, #tpu.memory_space<vmem>>
      tpu.wait_dma2 semaphore(%dma_wait3A_68 : memref<!tpu.dma_semaphore, #tpu.memory_space<semaphore_mem>>) src(%dma_wait3A_75 : memref<2048x1024xf32, #tpu.memory_space<vmem>>) dst(%dma_wait3A_71 : memref<2048x1024xf32, #tpu.memory_space<any>>)
      %dma_wait3A_76 = arith.constant 5 : i32
      %dma_wait3A_77 = arith.constant 5 : i32
      %dma_wait3A_78 = tpu.memref_slice %arg6[%dma_wait3A_77] : memref<6x!tpu.dma_semaphore, #tpu.memory_space<semaphore_mem>> -> memref<1x!tpu.dma_semaphore, #tpu.memory_space<semaphore_mem>>
      %dma_wait3A_79 = tpu.memref_squeeze %dma_wait3A_78 : memref<1x!tpu.dma_semaphore, #tpu.memory_space<semaphore_mem>> -> memref<!tpu.dma_semaphore, #tpu.memory_space<semaphore_mem>>
      %dma_wait3A_80 = arith.constant 96256 : i32
      %dma_wait3A_81 = arith.constant 0 : i32
      %dma_wait3A_82 = tpu.memref_slice %arg4[%dma_wait3A_80, %dma_wait3A_81] : memref<100000x1024xf32, #tpu.memory_space<any>> -> memref<2048x1024xf32, #tpu.memory_space<any>>
      %dma_wait3A_83 = arith.constant 0 : i32
      %dma_wait3A_84 = arith.constant 0 : i32
      %dma_wait3A_85 = tpu.memref_slice %arg5[%dma_wait3A_76, %dma_wait3A_83, %dma_wait3A_84] : memref<6x2048x1024xf32, #tpu.memory_space<vmem>> -> memref<1x2048x1024xf32, #tpu.memory_space<vmem>>
      %dma_wait3A_86 = tpu.memref_squeeze %dma_wait3A_85 : memref<1x2048x1024xf32, #tpu.memory_space<vmem>> -> memref<2048x1024xf32, #tpu.memory_space<vmem>>
      tpu.wait_dma2 semaphore(%dma_wait3A_79 : memref<!tpu.dma_semaphore, #tpu.memory_space<semaphore_mem>>) src(%dma_wait3A_86 : memref<2048x1024xf32, #tpu.memory_space<vmem>>) dst(%dma_wait3A_82 : memref<2048x1024xf32, #tpu.memory_space<any>>)
      %dma_wait3A_87 = arith.constant 0 : i32
      %dma_wait3A_88 = arith.constant 0 : i32
      %dma_wait3A_89 = tpu.memref_slice %arg6[%dma_wait3A_88] : memref<6x!tpu.dma_semaphore, #tpu.memory_space<semaphore_mem>> -> memref<1x!tpu.dma_semaphore, #tpu.memory_space<semaphore_mem>>
      %dma_wait3A_90 = tpu.memref_squeeze %dma_wait3A_89 : memref<1x!tpu.dma_semaphore, #tpu.memory_space<semaphore_mem>> -> memref<!tpu.dma_semaphore, #tpu.memory_space<semaphore_mem>>
      %dma_wait3A_91 = arith.constant 98304 : i32
      %dma_wait3A_92 = arith.constant 0 : i32
      %dma_wait3A_93 = tpu.memref_slice %arg4[%dma_wait3A_91, %dma_wait3A_92] : memref<100000x1024xf32, #tpu.memory_space<any>> -> memref<1696x1024xf32, #tpu.memory_space<any>>
      %dma_wait3A_94 = arith.constant 0 : i32
      %dma_wait3A_95 = arith.constant 0 : i32
      %dma_wait3A_96 = tpu.memref_slice %arg5[%dma_wait3A_87, %dma_wait3A_94, %dma_wait3A_95] : memref<6x2048x1024xf32, #tpu.memory_space<vmem>> -> memref<1x1696x1024xf32, #tpu.memory_space<vmem>>
      %dma_wait3A_97 = tpu.memref_squeeze %dma_wait3A_96 : memref<1x1696x1024xf32, #tpu.memory_space<vmem>> -> memref<1696x1024xf32, #tpu.memory_space<vmem>>
      tpu.wait_dma2 semaphore(%dma_wait3A_90 : memref<!tpu.dma_semaphore, #tpu.memory_space<semaphore_mem>>) src(%dma_wait3A_97 : memref<1696x1024xf32, #tpu.memory_space<vmem>>) dst(%dma_wait3A_93 : memref<1696x1024xf32, #tpu.memory_space<any>>)
    } else {
    }
    return
  }
  func.func @transform_0(%arg0: i32) -> (i32, i32) {
    %c0_i32 = arith.constant 0 : i32
    %c0_i32_0 = arith.constant 0 : i32
    return %c0_i32, %arg0 : i32, i32
  }
  func.func @transform_1(%arg0: i32) -> (i32, i32) {
    %c0_i32 = arith.constant 0 : i32
    %c0_i32_0 = arith.constant 0 : i32
    %c0_i32_1 = arith.constant 0 : i32
    return %c0_i32, %c0_i32_0 : i32, i32
  }
  func.func @transform_2(%arg0: i32) -> i32 {
    %c0_i32 = arith.constant 0 : i32
    return %arg0 : i32
  }
}

</mosaic_0001>

<sc_bundles>
// kernel: kernel.4.cloned.1.call-start
scs
__scs_entry_jumppad:
0x0: {  	(pc) =	sbr.rel $0x88, $3  }
0x1: {  	(tag) =	ssettag $0x0;
	lr =	simm.s32 $0x1  }
0x2: {  	[smem:$0x3F9D] =	sst lr;
	_ =	strace $0xD0000000  }
0x3: {  	_ = 	snop  }
0x4: {  	_ = 	snop  }
0x5: {  	_ = 	snop  }
0x6: {  	_ = 	snop  }
0x7: {  	_ = 	snop  }
__scs_overlays_trampoline_lowered:
0x8: {  	[smem:$0x3FAC] =	sst s0  }
0x9: {  	[smem:$0x3FAD] =	sst s1  }
0xa: {  	[smem:$0x3FAE] =	sst s2  }
0xb: {  	[smem:$0x3FAF] =	sst s3  }
0xc: {  	[smem:$0x3FB0] =	sst s4  }
0xd: {  	[smem:$0x3FB1] =	sst s5  }
0xe: {  	[smem:$0x3FB2] =	sst s6  }
0xf: {  	[smem:$0x3FB3] =	sst s7  }
0x10: {  	[smem:$0x3FB4] =	sst s8  }
0x11: {  	[smem:$0x3FB5] =	sst s9;
	s0 =	simm.s32 @!p0 $0x0  }
0x12: {  	s1 =	sld [smem:$0x3F9B];
	s0 =	simm.s32 @p0 $0x1  }
0x13: {  	[smem:$0x3FB6] =	sst s0;
	s0 =	simm.s32 @!p1 $0x0  }
0x14: {  	s2 =	sld [smem:$0x3F9A];
	s0 =	simm.s32 @p1 $0x1  }
0x15: {  	[smem:$0x3FB7] =	sst s0;
	s0 =	simm.s32 @!p2 $0x0  }
0x16: {  	s3 =	sld [smem:$0x3FDB];
	s0 =	simm.s32 @p2 $0x1  }
0x17: {  	s4 =	simm.s32 $0x1BF5;
	[smem:$0x3FB9] =	sst s0  }
0x18: {  	s0 =	sld [smem:$0x3F9C];
	_ =	swait.ge [sflag:s4], $0x0  }
0x19: {  	s7 =	sld [smem:$0x3F9D]  }
0x1a: {  	s8 =	sadd.s32 $0xFFFFE003, lr  }
0x1b: {  	s9 =	sadd.s32 $0xFFFFFEF7, lr;
	s5 =	simm.s32 $0xFFFFFFFF;
	p2 =	slt.u32 s8, $0xFFFFF086  }
0x1c: {  	p1 =	slt.u32 s9, $0xF7A;
	s5 =	simm.s32 @!p2 $0x0  }
0x1d: {  	s5 =	simm.s32 @p1 $0x1;
	p0 =	seq.s32 s7, s2  }
0x1e: {  	s7 =	smul.u32 @!p0 $0xF7A, s2;
	p2 =	seq.s32 @!p0 s5, $0x0  }
0x1f: {  	s9 =	smul.u32 $0xF7A, s1;
	s8 =	simm.s32 @!p0 $0x1BF5;
	p2 =	por !p2, p0  }
0x20: {  	[sflag:s8] =	ssyncset.s32 @!p0 $0xFFFFF086;
	s6 =	sadd.s32 @!p0 s3, s7;
	s7 =	simm.s32 @!p0 $0x108  }
0x21: {  	s3 =	sadd.s32 s3, s9;
	s6 =	sadd.s32 @!p0 $0x88, s6;
	s7 =	simm.s32 @p2 $0x1082  }
0x22: {  	[simem:s7], [sflag:s8] =	dma.local @!p0 [hbm:s6], $0xF7A  }
0x23: {  	s9 =	sor.u32 $0xD0000000, s2;
	s6 =	simm.s32 $0x108;
	_ =	swait.ge @!p0 [sflag:s8], $0x0  }
0x24: {  	s3 =	sadd.s32 $0x88, s3;
	s6 =	simm.s32 @!p1 $0x1082;
	[sflag:s4] =	ssyncset.s32 $0xFFFFF086  }
0x25: {  	[simem:s6], [sflag:s4] =	dma.local [hbm:s3], $0xF7A  }
0x26: {  	[smem:$0x3F9D] =	sst s1;
	(tag) =	ssettag s2;
	_ =	strace s9  }
0x27: {  	s1 =	sld [smem:$0x3FAD]  }
0x28: {  	s2 =	sld [smem:$0x3FAE]  }
0x29: {  	s4 =	sld [smem:$0x3FB0]  }
0x2a: {  	p0 =	seq.s32 s5, $0x0;
	s5 =	sld [smem:$0x3FB1]  }
0x2b: {  	s6 =	sld [smem:$0x3FB2]  }
0x2c: {  	s7 =	sld [smem:$0x3FB3]  }
0x2d: {  	s3 =	simm.s32 $0x108;
	s8 =	sld [smem:$0x3FB4]  }
0x2e: {  	s3 =	simm.s32 @!p0 $0x1082;
	s9 =	sld [smem:$0x3FB5]  }
0x2f: {  	lr =	sadd.s32 s0, s3;
	s0 =	sld [smem:$0x3FAC]  }
0x30: {  	s3 =	sld [smem:$0x3FAF]  }
0x31: {  	[smem:$0x3FB8] =	sst s10  }
0x32: {  	s10 =	sld [smem:$0x3FB6];
	_ =	sdelay $0x3  }
0x33: {  	p0 =	seq.s32 s10, $0x1;
	s10 =	sld [smem:$0x3FB8];
	_ =	sdelay $0x3  }
0x34: {  	[smem:$0x3FB8] =	sst s10  }
0x35: {  	s10 =	sld [smem:$0x3FB7];
	_ =	sdelay $0x3  }
0x36: {  	p1 =	seq.s32 s10, $0x1;
	s10 =	sld [smem:$0x3FB8];
	_ =	sdelay $0x3  }
0x37: {  	[smem:$0x3FB8] =	sst s10  }
0x38: {  	s10 =	sld [smem:$0x3FB9]  }
0x39: {  	_ = 	snop;
	(pc) =	sbr.ind lr, $3  }
0x3a: {  	_ = 	snop  }
0x3b: {  	_ = 	snop  }
0x3c: {  	p2 =	seq.s32 s10, $0x1;
	s10 =	sld [smem:$0x3FB8]  }
0x3d: {  	_ =	shalt  }
0x3e: {  	_ =	shalt  }
0x3f: {  	_ =	shalt  }
0x40: {  	_ =	shalt  }
0x41: {  	_ =	shalt  }
0x42: {  	_ =	shalt  }
0x43: {  	_ =	shalt  }
0x44: {  	_ =	shalt  }
0x45: {  	_ =	shalt  }
0x46: {  	_ =	shalt  }
0x47: {  	_ =	shalt  }
0x48: {  	_ =	shalt  }
0x49: {  	_ =	shalt  }
0x4a: {  	_ =	shalt  }
0x4b: {  	_ =	shalt  }
0x4c: {  	_ =	shalt  }
0x4d: {  	_ =	shalt  }
0x4e: {  	_ =	shalt  }
0x4f: {  	_ =	shalt  }
0x50: {  	_ =	shalt  }
0x51: {  	_ =	shalt  }
0x52: {  	_ =	shalt  }
0x53: {  	_ =	shalt  }
0x54: {  	_ =	shalt  }
0x55: {  	_ =	shalt  }
0x56: {  	_ =	shalt  }
0x57: {  	_ =	shalt  }
0x58: {  	_ =	shalt  }
0x59: {  	_ =	shalt  }
0x5a: {  	_ =	shalt  }
0x5b: {  	_ =	shalt  }
0x5c: {  	_ =	shalt  }
0x5d: {  	_ =	shalt  }
0x5e: {  	_ =	shalt  }
0x5f: {  	_ =	shalt  }
0x60: {  	_ =	shalt  }
0x61: {  	_ =	shalt  }
0x62: {  	_ =	shalt  }
0x63: {  	_ =	shalt  }
0x64: {  	_ =	shalt  }
0x65: {  	_ =	shalt  }
0x66: {  	_ =	shalt  }
0x67: {  	_ =	shalt  }
0x68: {  	_ =	shalt  }
0x69: {  	_ =	shalt  }
0x6a: {  	_ =	shalt  }
0x6b: {  	_ =	shalt  }
0x6c: {  	_ =	shalt  }
0x6d: {  	_ =	shalt  }
0x6e: {  	_ =	shalt  }
0x6f: {  	_ =	shalt  }
0x70: {  	_ =	shalt  }
0x71: {  	_ =	shalt  }
0x72: {  	_ =	shalt  }
0x73: {  	_ =	shalt  }
0x74: {  	_ =	shalt  }
0x75: {  	_ =	shalt  }
0x76: {  	_ =	shalt  }
0x77: {  	_ =	shalt  }
0x78: {  	_ =	shalt  }
0x79: {  	_ =	shalt  }
0x7a: {  	_ =	shalt  }
0x7b: {  	_ =	shalt  }
0x7c: {  	_ =	shalt  }
0x7d: {  	_ =	shalt  }
0x7e: {  	_ =	shalt  }
0x7f: {  	_ =	shalt  }
0x80: {  	_ =	shalt  }
0x81: {  	_ =	shalt  }
0x82: {  	_ =	shalt  }
0x83: {  	_ =	shalt  }
0x84: {  	_ =	shalt  }
0x85: {  	_ =	shalt  }
0x86: {  	_ =	shalt  }
0x87: {  	_ =	shalt  }
.Lfunc_end0:
.L_simem_size_0:
called_computation_lowered:
.L_overlay_start_0:
0x88: {  	s2 =	sld [smem:$0x3FD9]  }
0x89: {  	s3 =	sld [smem:$0x3FFE];
	_ =	sdelay $0x1  }
0x8a: {  	s1 =	srdreg.scid  }
0x8b: {  	s0 =	sand.u32 $0x1, s1  }
0x8c: {  	s17 =	sshll.u32 s0, $0xA;
	s2 =	sadd.s32 s3, s2  }
0x8d: {  	s2 =	sadd.s32 s2, s17  }
0x8e: {  	[smem:$0x3FC4] =	sst s2  }
0x8f: {  	_ = 	snop  }
0x90: {  	s2 =	sld [smem:$0x3FD0];
	(tm) =	ssettm $0x1  }
0x91: {  	s18 =	sld [smem:$0x3FFB];
	_ =	sdelay $0x3  }
0x92: {  	_ =	strace s18  }
0x93: {  	s3 =	sld [smem:$0x3FFC];
	_ =	sdelay $0x3  }
0x94: {  	_ =	strace s3  }
0x95: {  	s3 =	sld [smem:$0x3FFD];
	_ =	sdelay $0x3  }
0x96: {  	_ =	strace s3  }
0x97: {  	_ =	strace $0x8FFFFFFF  }
0x98: {  	s19 =	sld [smem:$0x3FDB];
	_ =	sdelay $0x1  }
0x99: {  	s4 =	simm.s32 $_scs_section_size  }
0x9a: {  	s5 =	simm.s32 $_size__tile_overlayer_lowered;
	s6 =	simm.s32 $_tile_overlayer_lowered  }
0x9b: {  	s22 =	simm.s32 $0x1BFF;
	s21 =	sshll.u32 s6, $0x1;
	s3 =	sadd.s32 s4, s19  }
0x9c: {  	s7 =	simm.s32 $0x0;
	s20 =	sshll.u32 s5, $0x1;
	s5 =	sadd.s32 s21, s3  }
0x9d: {  	[timem:s7], [sflag:s22] =	dma.local [hbm:s5], s20  }
0x9e: {  	_ =	swait.ge [sflag:s22], s20  }
0x9f: {  	s4 =	ssub.s32 $0x0, s20;
	[sflag:s22] =	ssyncset.done $0x0  }
0xa0: {  	[sflag:s22] =	ssyncadd.s32 s4;
	_ =	sdelay $0x1  }
0xa1: {  	s23 =	simm.s32 $0x1B8B  }
0xa2: {  	_ =	swait.ge [sflag:s23], $0x1  }
0xa3: {  	[sflag:s23] =	ssyncset.done $0x0  }
0xa4: {  	s25 =	simm.s32 $0x1B8E;
	s24 =	sld [smem:$0x3FFE];
	[sflag:s23] =	ssyncadd.s32 $0xFFFFFFFF  }
0xa5: {  	s26 =	simm.s32 $execute0_lowered;
	[smem:$0x3FD2] =	sst s25  }
0xa6: {  	s5 =	sshll.u32 s26, $0x1;
	_ =	strace $0x80000046;
	[dreg:$0x1] =	wrdreg $0xFFFFFFFF  }
0xa7: {  	s28 =	simm.s32 $_size_execute0_lowered;
	s3 =	sadd.s32 s3, s5;
	[dreg:$0x0] =	wrdreg $0x0  }
0xa8: {  	s5 =	sshll.u32 s28, $0x1;
	[dreg:$0x2] =	wrdreg s3  }
0xa9: {  	[dreg:$0x3] =	wrdreg s5  }
0xaa: {  	[dreg:$0x4] =	wrdreg $0xC0  }
0xab: {  	_ =	task [dreg:s7], $0x5FFFF  }
0xac: {  	[dreg:$0x1] =	wrdreg $0xFFFFFFFF  }
0xad: {  	[dreg:$0x0] =	wrdreg $0x60  }
0xae: {  	[dreg:$0x2] =	wrdreg s24  }
0xaf: {  	[dreg:$0x3] =	wrdreg s2  }
0xb0: {  	[dreg:$0x4] =	wrdreg $0x9  }
0xb1: {  	_ =	task.clear_ibuf [dreg:s7], $0x5FFFF;
	_ =	strace $0x90000046  }
0xb2: {  	s29 =	simm.s32 $0x9;
	_ =	strace $0x80000048  }
0xb3: {  	_ =	swait.ge [sflag:s29], $0x1  }
0xb4: {  	[sflag:s29] =	ssyncadd.s32 $0xFFFFFFFF  }
0xb5: {  	_ =	strace $0x90000048  }
0xb6: {  	_ =	sfence  }
0xb7: {  	s30 =	sld [smem:$0x0];
	_ =	sdelay $0x2  }
0xb8: {  	s31 =	sshll.u32 s1, $0xD;
	s1 =	sshrl.u32 s1, $0x2  }
0xb9: {  	s3 =	sand.u32 $0x4000, s31;
	s1 =	sadd.s32 s1, s30  }
0xba: {  	s0 =	sor.u32 s3, s0;
	s1 =	sshll.u32 s1, $0x11  }
0xbb: {  	s0 =	sor.u32 s1, s0  }
0xbc: {  	s0 =	sadd.s32 $0x8F2B, s0  }
0xbd: {  	[sflag:s0] =	ssyncadd.remote.s32 $0x1  }
0xbe: {  	_ =	sfence.sel $0xFFFF  }
0xbf: {  	[dreg:$0x0] =	wrdreg $0xFFFFFFFF;
	(pc) =	sbr.abs _section_cstart, $3  }
0xc0: {  	[dreg:$0x1] =	wrdreg $0xFFFFFFFF  }
0xc1: {  	_ =	task.clear_ibuf [dreg:s7], $0x2FFFF;
	_ =	strace $0x9FFFFFFF  }
0xc2: {  	(tm) =	ssettm $0x7FFFFFFF  }
0xc3: {  	_ =	shalt  }
tec
execute0_lowered:
.L_overlay_start_1:
0x0: {  	(tag) =	ssettag $0x1  }
0x1: {  	s7 =	rddreg [dreg:$0x0]  }
0x2: {  	s4 =	rddreg [dreg:$0x1]  }
0x3: {  	s0 =	rddreg [dreg:$0x2];
	s3 =	srdreg.scid  }
0x4: {  	s1 =	stileid.u32;
	s2 =	simm.s32 $0x0;
	s11 =	simm.s32 $0x400  }
0x5: {  	s12 =	simm.s32 $0x186A0;
	s13 =	simm.s32 $0x1B8A0;
	s14 =	simm.s32 $0x1  }
0x6: {  	s15 =	simm.s32 $0x2;
	s16 =	simm.s32 $0x3;
	s17 =	simm.s32 $0x1EAA0  }
0x7: {  	s18 =	simm.s32 $0x4;
	s3 =	sand.u32 $0x1, s3;
	s5 =	sshll.u32 s1, $0x1  }
0x8: {  	s19 =	simm.s32 $0x0;
	[smem:$0x7FF] =	sst s2;
	s5 =	sor.u32 s3, s5  }
0x9: {  	_ =	strace $0x80000047;
	s6 =	ssub.s32 $0x2, s3;
	s3 =	sadd.s32 $0x400, s7  }
0xa: {  	s8 =	smul.u32 $0x30D4, s5;
	s5 =	sshll.u32 s5, $0x7;
	s9 =	sshrl.u32 s6, $0x1  }
0xb: {  	s10 =	sadd.s32 s5, s7;
	s9 =	ssub.s32 s6, s9;
	s5 =	sadd.s32 $0x420, s7  }
0xc: {  	s6 =	sadd.s32 $0x440, s7;
	s7 =	sadd.s32 $0x460, s7;
	s4 =	sadd.s32 s4, s8  }
0xd: {  	s8 =	sadd.s32 $0x1E00, s10;
	s9 =	smax.u32 s9, $0x1;
	s10 =	simm.s32 $0x100  }
.LBB2_1:
0xe: {  	[tilespmem:s2], [sflag:$0x1] =	stream.linear.gather [hbm4b:s4+s2], $0x186A0, $0x38;
	[tilespmem:$0x1EEA0] =	vst v63  }
0xf: {  	_ = 	snop  }
0x10: {  	[tilespmem:s12], [sflag:$0x2] =	stream.strided.gather [hbm4b:s3+s10], $0x3200, s11, s10, $0x38;
	[tilespmem:$0x1EEA0] =	vst v63  }
0x11: {  	_ = 	snop  }
0x12: {  	[tilespmem:s13], [sflag:$0x3] =	stream.strided.gather [hbm4b:s5+s10], $0x3200, s11, s10, $0x38;
	[tilespmem:$0x1EEA0] =	vst v63  }
0x13: {  	_ =	swait.ge [sflag:s14], $0x186A0  }
0x14: {  	[sflag:s14] =	ssyncset.done $0x0  }
0x15: {  	[sflag:s14] =	ssyncadd.s32 $0xFFFE7960  }
0x16: {  	_ =	swait.ge [sflag:s15], $0x3200  }
0x17: {  	[sflag:s15] =	ssyncset.done $0x0  }
0x18: {  	s20 =	simm.s32 $0x0;
	[sflag:s15] =	ssyncadd.s32 $0xFFFFCE00  }
0x19: {  	v0 =	vld [tilespmem:s20+$0x187A0]  }
0x1a: {  	v1 =	vld [tilespmem:s20+$0x186A0];
	_ =	sdelay $0x1  }
0x1b: {  	v2 =	vld [tilespmem:s20+$0x188A0];
	_ =	sdelay $0x1  }
0x1c: {  	v3 =	vld [tilespmem:s20+$0x189A0]  }
0x1d: {  	v4 =	vld [tilespmem:s20+$0x18BA0]  }
0x1e: {  	v5 =	vld [tilespmem:s20+$0x18AA0]  }
0x1f: {  	v0 =	vld.idx.msk [tilespmem:v0+s2+$0x0], $0xffff  }
0x20: {  	v1 =	vld.idx.msk [tilespmem:v1+s2+$0x0], $0xffff  }
0x21: {  	v6 =	vld [tilespmem:s20+$0x18CA0]  }
0x22: {  	v2 =	vld.idx.msk [tilespmem:v2+s2+$0x0], $0xffff  }
0x23: {  	v7 =	vld [tilespmem:s20+$0x18DA0]  }
0x24: {  	v3 =	vld.idx.msk [tilespmem:v3+s2+$0x0], $0xffff  }
0x25: {  	v8 =	vld [tilespmem:s20+$0x18EA0];
	v0 =	vadd.f32 v0, v1  }
0x26: {  	v1 =	vld.idx.msk [tilespmem:v5+s2+$0x0], $0xffff  }
0x27: {  	v5 =	vld [tilespmem:s20+$0x18FA0];
	v0 =	vadd.f32 v2, v0  }
0x28: {  	v2 =	vld.idx.msk [tilespmem:v4+s2+$0x0], $0xffff  }
0x29: {  	v4 =	vld [tilespmem:s20+$0x190A0];
	v0 =	vadd.f32 v3, v0  }
0x2a: {  	v3 =	vld.idx.msk [tilespmem:v6+s2+$0x0], $0xffff  }
0x2b: {  	v39 =	vld [tilespmem:s20+$0x191A0];
	v0 =	vadd.f32 v1, v0  }
0x2c: {  	v1 =	vld.idx.msk [tilespmem:v7+s2+$0x0], $0xffff  }
0x2d: {  	v40 =	vld [tilespmem:s20+$0x192A0];
	v0 =	vadd.f32 v2, v0  }
0x2e: {  	v2 =	vld.idx.msk [tilespmem:v8+s2+$0x0], $0xffff  }
0x2f: {  	v41 =	vld [tilespmem:s20+$0x193A0];
	v0 =	vadd.f32 v3, v0  }
0x30: {  	v3 =	vld.idx.msk [tilespmem:v5+s2+$0x0], $0xffff  }
0x31: {  	v5 =	vld [tilespmem:s20+$0x194A0];
	v0 =	vadd.f32 v1, v0  }
0x32: {  	v1 =	vld.idx.msk [tilespmem:v4+s2+$0x0], $0xffff  }
0x33: {  	v4 =	vld [tilespmem:s20+$0x195A0];
	v0 =	vadd.f32 v2, v0  }
0x34: {  	v2 =	vld.idx.msk [tilespmem:v39+s2+$0x0], $0xffff  }
0x35: {  	v42 =	vld [tilespmem:s20+$0x196A0];
	v0 =	vadd.f32 v3, v0  }
0x36: {  	v3 =	vld.idx.msk [tilespmem:v40+s2+$0x0], $0xffff  }
0x37: {  	v43 =	vld [tilespmem:s20+$0x197A0];
	v0 =	vadd.f32 v1, v0  }
0x38: {  	v1 =	vld.idx.msk [tilespmem:v41+s2+$0x0], $0xffff  }
0x39: {  	v44 =	vld [tilespmem:s20+$0x198A0];
	v0 =	vadd.f32 v2, v0  }
0x3a: {  	v2 =	vld.idx.msk [tilespmem:v5+s2+$0x0], $0xffff  }
0x3b: {  	v5 =	vld [tilespmem:s20+$0x199A0];
	v0 =	vadd.f32 v3, v0  }
0x3c: {  	v3 =	vld.idx.msk [tilespmem:v4+s2+$0x0], $0xffff  }
0x3d: {  	v4 =	vld [tilespmem:s20+$0x19AA0];
	v0 =	vadd.f32 v1, v0  }
0x3e: {  	v1 =	vld.idx.msk [tilespmem:v42+s2+$0x0], $0xffff  }
0x3f: {  	v45 =	vld [tilespmem:s20+$0x19BA0];
	v0 =	vadd.f32 v2, v0  }
0x40: {  	v2 =	vld.idx.msk [tilespmem:v43+s2+$0x0], $0xffff  }
0x41: {  	v46 =	vld [tilespmem:s20+$0x19CA0];
	v0 =	vadd.f32 v3, v0  }
0x42: {  	v3 =	vld.idx.msk [tilespmem:v44+s2+$0x0], $0xffff  }
0x43: {  	v47 =	vld [tilespmem:s20+$0x19DA0];
	v0 =	vadd.f32 v1, v0  }
0x44: {  	v1 =	vld.idx.msk [tilespmem:v5+s2+$0x0], $0xffff  }
0x45: {  	v5 =	vld [tilespmem:s20+$0x19EA0];
	v0 =	vadd.f32 v2, v0  }
0x46: {  	v2 =	vld.idx.msk [tilespmem:v4+s2+$0x0], $0xffff  }
0x47: {  	v4 =	vld [tilespmem:s20+$0x19FA0];
	v0 =	vadd.f32 v3, v0  }
0x48: {  	v3 =	vld.idx.msk [tilespmem:v45+s2+$0x0], $0xffff  }
0x49: {  	v48 =	vld [tilespmem:s20+$0x1A0A0];
	v0 =	vadd.f32 v1, v0  }
0x4a: {  	v1 =	vld.idx.msk [tilespmem:v46+s2+$0x0], $0xffff  }
0x4b: {  	v49 =	vld [tilespmem:s20+$0x1A1A0];
	v0 =	vadd.f32 v2, v0  }
0x4c: {  	v2 =	vld.idx.msk [tilespmem:v47+s2+$0x0], $0xffff  }
0x4d: {  	v50 =	vld [tilespmem:s20+$0x1A2A0];
	v0 =	vadd.f32 v3, v0  }
0x4e: {  	v3 =	vld.idx.msk [tilespmem:v5+s2+$0x0], $0xffff  }
0x4f: {  	v5 =	vld [tilespmem:s20+$0x1A3A0];
	v0 =	vadd.f32 v1, v0  }
0x50: {  	v1 =	vld.idx.msk [tilespmem:v4+s2+$0x0], $0xffff  }
0x51: {  	v4 =	vld [tilespmem:s20+$0x1A4A0];
	v0 =	vadd.f32 v2, v0  }
0x52: {  	v2 =	vld.idx.msk [tilespmem:v48+s2+$0x0], $0xffff  }
0x53: {  	v51 =	vld [tilespmem:s20+$0x1A5A0];
	v0 =	vadd.f32 v3, v0  }
0x54: {  	v3 =	vld.idx.msk [tilespmem:v49+s2+$0x0], $0xffff  }
0x55: {  	v52 =	vld [tilespmem:s20+$0x1A6A0];
	v0 =	vadd.f32 v1, v0  }
0x56: {  	v1 =	vld.idx.msk [tilespmem:v50+s2+$0x0], $0xffff  }
0x57: {  	v53 =	vld [tilespmem:s20+$0x1A7A0];
	v0 =	vadd.f32 v2, v0  }
0x58: {  	v2 =	vld.idx.msk [tilespmem:v5+s2+$0x0], $0xffff  }
0x59: {  	v5 =	vld [tilespmem:s20+$0x1A8A0];
	v0 =	vadd.f32 v3, v0  }
0x5a: {  	v3 =	vld.idx.msk [tilespmem:v4+s2+$0x0], $0xffff  }
0x5b: {  	v4 =	vld [tilespmem:s20+$0x1A9A0];
	v0 =	vadd.f32 v1, v0  }
0x5c: {  	v1 =	vld.idx.msk [tilespmem:v51+s2+$0x0], $0xffff  }
0x5d: {  	v54 =	vld [tilespmem:s20+$0x1AAA0];
	v0 =	vadd.f32 v2, v0  }
0x5e: {  	v2 =	vld.idx.msk [tilespmem:v52+s2+$0x0], $0xffff  }
0x5f: {  	v55 =	vld [tilespmem:s20+$0x1ABA0];
	v0 =	vadd.f32 v3, v0  }
0x60: {  	v3 =	vld.idx.msk [tilespmem:v53+s2+$0x0], $0xffff  }
0x61: {  	v56 =	vld [tilespmem:s20+$0x1ACA0];
	v0 =	vadd.f32 v1, v0  }
0x62: {  	v1 =	vld.idx.msk [tilespmem:v5+s2+$0x0], $0xffff  }
0x63: {  	v5 =	vld [tilespmem:s20+$0x1ADA0];
	v0 =	vadd.f32 v2, v0  }
0x64: {  	v2 =	vld.idx.msk [tilespmem:v4+s2+$0x0], $0xffff  }
0x65: {  	v4 =	vld [tilespmem:s20+$0x1AEA0];
	v0 =	vadd.f32 v3, v0  }
0x66: {  	v3 =	vld.idx.msk [tilespmem:v54+s2+$0x0], $0xffff  }
0x67: {  	v57 =	vld [tilespmem:s20+$0x1AFA0];
	v0 =	vadd.f32 v1, v0  }
0x68: {  	v1 =	vld.idx.msk [tilespmem:v55+s2+$0x0], $0xffff  }
0x69: {  	v58 =	vld [tilespmem:s20+$0x1B0A0];
	v0 =	vadd.f32 v2, v0  }
0x6a: {  	v2 =	vld.idx.msk [tilespmem:v56+s2+$0x0], $0xffff  }
0x6b: {  	v59 =	vld [tilespmem:s20+$0x1B1A0];
	v0 =	vadd.f32 v3, v0  }
0x6c: {  	v3 =	vld.idx.msk [tilespmem:v5+s2+$0x0], $0xffff  }
0x6d: {  	v5 =	vld [tilespmem:s20+$0x1B2A0];
	v0 =	vadd.f32 v1, v0  }
0x6e: {  	v1 =	vld.idx.msk [tilespmem:v4+s2+$0x0], $0xffff  }
0x6f: {  	v4 =	vld [tilespmem:s20+$0x1B3A0];
	v0 =	vadd.f32 v2, v0  }
0x70: {  	v2 =	vld.idx.msk [tilespmem:v57+s2+$0x0], $0xffff  }
0x71: {  	v60 =	vld [tilespmem:s20+$0x1B4A0];
	v0 =	vadd.f32 v3, v0  }
0x72: {  	v3 =	vld.idx.msk [tilespmem:v58+s2+$0x0], $0xffff  }
0x73: {  	v61 =	vld [tilespmem:s20+$0x1B5A0];
	v0 =	vadd.f32 v1, v0  }
0x74: {  	v1 =	vld.idx.msk [tilespmem:v59+s2+$0x0], $0xffff  }
0x75: {  	v62 =	vld [tilespmem:s20+$0x1B6A0];
	v0 =	vadd.f32 v2, v0  }
0x76: {  	v2 =	vld.idx.msk [tilespmem:v5+s2+$0x0], $0xffff  }
0x77: {  	v5 =	vld [tilespmem:s20+$0x1B7A0];
	v0 =	vadd.f32 v3, v0  }
0x78: {  	v3 =	vld.idx.msk [tilespmem:v4+s2+$0x0], $0xffff  }
0x79: {  	v0 =	vadd.f32 v1, v0  }
0x7a: {  	v4 =	vld.idx.msk [tilespmem:v60+s2+$0x0], $0xffff  }
0x7b: {  	v0 =	vadd.f32 v2, v0  }
0x7c: {  	v63 =	vld.idx.msk [tilespmem:v61+s2+$0x0], $0xffff  }
0x7d: {  	v0 =	vadd.f32 v3, v0  }
0x7e: {  	v1 =	vld.idx.msk [tilespmem:v62+s2+$0x0], $0xffff  }
0x7f: {  	v0 =	vadd.f32 v4, v0  }
0x80: {  	v2 =	vld.idx.msk [tilespmem:v5+s2+$0x0], $0xffff  }
0x81: {  	s22 =	simm.s32 $0x10;
	v3 =	vadd.f32 v63, v0  }
0x82: {  	s21 =	simm.s32 $0x80;
	v0 =	vld [tilespmem:s22+$0x187A0]  }
.LBB2_2:
0x83: {  	p0 =	sne.s32 s21, $0x3C0;
	v4 =	vld [tilespmem:s22+$0x186A0];
	v1 =	vadd.f32 v1, v3;
	_ =	sdelay $0x1  }
0x84: {  	v3 =	vld [tilespmem:s22+$0x188A0];
	v1 =	vadd.f32 v2, v1;
	_ =	sdelay $0x1  }
0x85: {  	v2 =	vld [tilespmem:s22+$0x189A0];
	v1 =	vmul.f32 $1.999999960e-02, v1  }
0x86: {  	v5 =	vld [tilespmem:s22+$0x18BA0]  }
0x87: {  	v6 =	vld [tilespmem:s22+$0x18AA0];
	[tilespmem:s20+$0x1EAA0] =	vst v1;
	s20 =	smov.u32 s22  }
0x88: {  	v0 =	vld.idx.msk [tilespmem:v0+s2+$0x0], $0xffff  }
0x89: {  	v1 =	vld.idx.msk [tilespmem:v4+s2+$0x0], $0xffff  }
0x8a: {  	v4 =	vld [tilespmem:s20+$0x18CA0]  }
0x8b: {  	v3 =	vld.idx.msk [tilespmem:v3+s2+$0x0], $0xffff  }
0x8c: {  	v7 =	vld [tilespmem:s20+$0x18DA0]  }
0x8d: {  	v2 =	vld.idx.msk [tilespmem:v2+s2+$0x0], $0xffff  }
0x8e: {  	v8 =	vld [tilespmem:s20+$0x18EA0]  }
0x8f: {  	v0 =	vadd.f32 v0, v1;
	v1 =	vld.idx.msk [tilespmem:v6+s2+$0x0], $0xffff  }
0x90: {  	v6 =	vld [tilespmem:s20+$0x18FA0]  }
0x91: {  	v0 =	vadd.f32 v3, v0;
	v3 =	vld.idx.msk [tilespmem:v5+s2+$0x0], $0xffff  }
0x92: {  	v5 =	vld [tilespmem:s20+$0x190A0]  }
0x93: {  	v0 =	vadd.f32 v2, v0;
	v2 =	vld.idx.msk [tilespmem:v4+s2+$0x0], $0xffff  }
0x94: {  	v4 =	vld [tilespmem:s20+$0x191A0]  }
0x95: {  	v0 =	vadd.f32 v1, v0;
	v1 =	vld.idx.msk [tilespmem:v7+s2+$0x0], $0xffff  }
0x96: {  	v7 =	vld [tilespmem:s20+$0x192A0]  }
0x97: {  	v0 =	vadd.f32 v3, v0;
	v3 =	vld.idx.msk [tilespmem:v8+s2+$0x0], $0xffff  }
0x98: {  	v8 =	vld [tilespmem:s20+$0x193A0]  }
0x99: {  	v0 =	vadd.f32 v2, v0;
	v2 =	vld.idx.msk [tilespmem:v6+s2+$0x0], $0xffff  }
0x9a: {  	v6 =	vld [tilespmem:s20+$0x194A0]  }
0x9b: {  	v0 =	vadd.f32 v1, v0;
	v1 =	vld.idx.msk [tilespmem:v5+s2+$0x0], $0xffff  }
0x9c: {  	v5 =	vld [tilespmem:s20+$0x195A0]  }
0x9d: {  	v0 =	vadd.f32 v3, v0;
	v3 =	vld.idx.msk [tilespmem:v4+s2+$0x0], $0xffff  }
0x9e: {  	v4 =	vld [tilespmem:s20+$0x196A0]  }
0x9f: {  	v0 =	vadd.f32 v2, v0;
	v2 =	vld.idx.msk [tilespmem:v7+s2+$0x0], $0xffff  }
0xa0: {  	v7 =	vld [tilespmem:s20+$0x197A0]  }
0xa1: {  	v0 =	vadd.f32 v1, v0;
	v1 =	vld.idx.msk [tilespmem:v8+s2+$0x0], $0xffff  }
0xa2: {  	v8 =	vld [tilespmem:s20+$0x198A0]  }
0xa3: {  	v0 =	vadd.f32 v3, v0;
	v3 =	vld.idx.msk [tilespmem:v6+s2+$0x0], $0xffff  }
0xa4: {  	v6 =	vld [tilespmem:s20+$0x199A0]  }
0xa5: {  	v0 =	vadd.f32 v2, v0;
	v2 =	vld.idx.msk [tilespmem:v5+s2+$0x0], $0xffff  }
0xa6: {  	v5 =	vld [tilespmem:s20+$0x19AA0]  }
0xa7: {  	v0 =	vadd.f32 v1, v0;
	v1 =	vld.idx.msk [tilespmem:v4+s2+$0x0], $0xffff  }
0xa8: {  	v4 =	vld [tilespmem:s20+$0x19BA0]  }
0xa9: {  	v0 =	vadd.f32 v3, v0;
	v3 =	vld.idx.msk [tilespmem:v7+s2+$0x0], $0xffff  }
0xaa: {  	v7 =	vld [tilespmem:s20+$0x19CA0]  }
0xab: {  	v0 =	vadd.f32 v2, v0;
	v2 =	vld.idx.msk [tilespmem:v8+s2+$0x0], $0xffff  }
0xac: {  	v8 =	vld [tilespmem:s20+$0x19DA0]  }
0xad: {  	v0 =	vadd.f32 v1, v0;
	v1 =	vld.idx.msk [tilespmem:v6+s2+$0x0], $0xffff  }
0xae: {  	v6 =	vld [tilespmem:s20+$0x19EA0]  }
0xaf: {  	v0 =	vadd.f32 v3, v0;
	v3 =	vld.idx.msk [tilespmem:v5+s2+$0x0], $0xffff  }
0xb0: {  	v5 =	vld [tilespmem:s20+$0x19FA0]  }
0xb1: {  	v0 =	vadd.f32 v2, v0;
	v2 =	vld.idx.msk [tilespmem:v4+s2+$0x0], $0xffff  }
0xb2: {  	v4 =	vld [tilespmem:s20+$0x1A0A0]  }
0xb3: {  	v0 =	vadd.f32 v1, v0;
	v1 =	vld.idx.msk [tilespmem:v7+s2+$0x0], $0xffff  }
0xb4: {  	v7 =	vld [tilespmem:s20+$0x1A1A0]  }
0xb5: {  	v0 =	vadd.f32 v3, v0;
	v3 =	vld.idx.msk [tilespmem:v8+s2+$0x0], $0xffff  }
0xb6: {  	v8 =	vld [tilespmem:s20+$0x1A2A0]  }
0xb7: {  	v0 =	vadd.f32 v2, v0;
	v2 =	vld.idx.msk [tilespmem:v6+s2+$0x0], $0xffff  }
0xb8: {  	v6 =	vld [tilespmem:s20+$0x1A3A0]  }
0xb9: {  	v0 =	vadd.f32 v1, v0;
	v1 =	vld.idx.msk [tilespmem:v5+s2+$0x0], $0xffff  }
0xba: {  	v5 =	vld [tilespmem:s20+$0x1A4A0]  }
0xbb: {  	v0 =	vadd.f32 v3, v0;
	v3 =	vld.idx.msk [tilespmem:v4+s2+$0x0], $0xffff  }
0xbc: {  	v4 =	vld [tilespmem:s20+$0x1A5A0]  }
0xbd: {  	v0 =	vadd.f32 v2, v0;
	v2 =	vld.idx.msk [tilespmem:v7+s2+$0x0], $0xffff  }
0xbe: {  	v7 =	vld [tilespmem:s20+$0x1A6A0]  }
0xbf: {  	v0 =	vadd.f32 v1, v0;
	v1 =	vld.idx.msk [tilespmem:v8+s2+$0x0], $0xffff  }
0xc0: {  	v8 =	vld [tilespmem:s20+$0x1A7A0]  }
0xc1: {  	v0 =	vadd.f32 v3, v0;
	v3 =	vld.idx.msk [tilespmem:v6+s2+$0x0], $0xffff  }
0xc2: {  	v6 =	vld [tilespmem:s20+$0x1A8A0]  }
0xc3: {  	v0 =	vadd.f32 v2, v0;
	v2 =	vld.idx.msk [tilespmem:v5+s2+$0x0], $0xffff  }
0xc4: {  	v5 =	vld [tilespmem:s20+$0x1A9A0]  }
0xc5: {  	v0 =	vadd.f32 v1, v0;
	v1 =	vld.idx.msk [tilespmem:v4+s2+$0x0], $0xffff  }
0xc6: {  	v4 =	vld [tilespmem:s20+$0x1AAA0]  }
0xc7: {  	v0 =	vadd.f32 v3, v0;
	v3 =	vld.idx.msk [tilespmem:v7+s2+$0x0], $0xffff  }
0xc8: {  	v7 =	vld [tilespmem:s20+$0x1ABA0]  }
0xc9: {  	v0 =	vadd.f32 v2, v0;
	v2 =	vld.idx.msk [tilespmem:v8+s2+$0x0], $0xffff  }
0xca: {  	v8 =	vld [tilespmem:s20+$0x1ACA0]  }
0xcb: {  	v0 =	vadd.f32 v1, v0;
	v1 =	vld.idx.msk [tilespmem:v6+s2+$0x0], $0xffff  }
0xcc: {  	v6 =	vld [tilespmem:s20+$0x1ADA0]  }
0xcd: {  	v0 =	vadd.f32 v3, v0;
	v3 =	vld.idx.msk [tilespmem:v5+s2+$0x0], $0xffff  }
0xce: {  	v5 =	vld [tilespmem:s20+$0x1AEA0]  }
0xcf: {  	v0 =	vadd.f32 v2, v0;
	v2 =	vld.idx.msk [tilespmem:v4+s2+$0x0], $0xffff  }
0xd0: {  	v4 =	vld [tilespmem:s20+$0x1AFA0]  }
0xd1: {  	v0 =	vadd.f32 v1, v0;
	v1 =	vld.idx.msk [tilespmem:v7+s2+$0x0], $0xffff  }
0xd2: {  	v7 =	vld [tilespmem:s20+$0x1B0A0]  }
0xd3: {  	v0 =	vadd.f32 v3, v0;
	v3 =	vld.idx.msk [tilespmem:v8+s2+$0x0], $0xffff  }
0xd4: {  	v8 =	vld [tilespmem:s20+$0x1B1A0]  }
0xd5: {  	v0 =	vadd.f32 v2, v0;
	v2 =	vld.idx.msk [tilespmem:v6+s2+$0x0], $0xffff  }
0xd6: {  	v6 =	vld [tilespmem:s20+$0x1B2A0]  }
0xd7: {  	v0 =	vadd.f32 v1, v0;
	v1 =	vld.idx.msk [tilespmem:v5+s2+$0x0], $0xffff  }
0xd8: {  	v5 =	vld [tilespmem:s20+$0x1B3A0]  }
0xd9: {  	v0 =	vadd.f32 v3, v0;
	v3 =	vld.idx.msk [tilespmem:v4+s2+$0x0], $0xffff  }
0xda: {  	v4 =	vld [tilespmem:s20+$0x1B4A0]  }
0xdb: {  	v0 =	vadd.f32 v2, v0;
	v2 =	vld.idx.msk [tilespmem:v7+s2+$0x0], $0xffff  }
0xdc: {  	v7 =	vld [tilespmem:s20+$0x1B5A0]  }
0xdd: {  	v0 =	vadd.f32 v1, v0;
	v1 =	vld.idx.msk [tilespmem:v8+s2+$0x0], $0xffff  }
0xde: {  	v8 =	vld [tilespmem:s20+$0x1B6A0]  }
0xdf: {  	v0 =	vadd.f32 v3, v0;
	v3 =	vld.idx.msk [tilespmem:v6+s2+$0x0], $0xffff  }
0xe0: {  	v6 =	vld [tilespmem:s20+$0x1B7A0]  }
0xe1: {  	v0 =	vadd.f32 v2, v0;
	v2 =	vld.idx.msk [tilespmem:v5+s2+$0x0], $0xffff;
	_ =	sdelay $0x1  }
0xe2: {  	v0 =	vadd.f32 v1, v0;
	v4 =	vld.idx.msk [tilespmem:v4+s2+$0x0], $0xffff;
	_ =	sdelay $0x1  }
0xe3: {  	v0 =	vadd.f32 v3, v0;
	v3 =	vld.idx.msk [tilespmem:v7+s2+$0x0], $0xffff;
	_ =	sdelay $0x1  }
0xe4: {  	v0 =	vadd.f32 v2, v0;
	v1 =	vld.idx.msk [tilespmem:v8+s2+$0x0], $0xffff  }
.Ltmp0:
0xe5: {  	(pc) =	sbr.rel @p0 .LBB2_2-.Ltmp0, $3  }
0xe6: {  	v0 =	vadd.f32 v4, v0;
	v2 =	vld.idx.msk [tilespmem:v6+s2+$0x0], $0xffff;
	_ =	sdelay $0x1  }
0xe7: {  	s22 =	sshra.s32 s21, $0x2;
	v3 =	vadd.f32 v3, v0  }
0xe8: {  	s21 =	sadd.s32 $0x40, s21;
	v0 =	vld [tilespmem:s22+$0x187A0]  }
0xe9: {  	_ = 	snop  }
0xea: {  	v4 =	vld [tilespmem:s22+$0x186A0];
	v1 =	vadd.f32 v1, v3;
	_ =	sdelay $0x1  }
0xeb: {  	v3 =	vld [tilespmem:s22+$0x188A0];
	v1 =	vadd.f32 v2, v1;
	_ =	sdelay $0x1  }
0xec: {  	v2 =	vld [tilespmem:s22+$0x189A0];
	v1 =	vmul.f32 $1.999999960e-02, v1  }
0xed: {  	v5 =	vld [tilespmem:s22+$0x18BA0]  }
0xee: {  	v6 =	vld [tilespmem:s22+$0x18AA0];
	[tilespmem:s20+$0x1EAA0] =	vst v1  }
0xef: {  	v0 =	vld.idx.msk [tilespmem:v0+s2+$0x0], $0xffff  }
0xf0: {  	v1 =	vld.idx.msk [tilespmem:v4+s2+$0x0], $0xffff  }
0xf1: {  	v4 =	vld [tilespmem:s22+$0x18CA0]  }
0xf2: {  	v3 =	vld.idx.msk [tilespmem:v3+s2+$0x0], $0xffff  }
0xf3: {  	v7 =	vld [tilespmem:s22+$0x18DA0]  }
0xf4: {  	v2 =	vld.idx.msk [tilespmem:v2+s2+$0x0], $0xffff  }
0xf5: {  	v8 =	vld [tilespmem:s22+$0x18EA0];
	v0 =	vadd.f32 v0, v1  }
0xf6: {  	v1 =	vld.idx.msk [tilespmem:v6+s2+$0x0], $0xffff  }
0xf7: {  	v63 =	vld [tilespmem:s22+$0x18FA0];
	v0 =	vadd.f32 v3, v0  }
0xf8: {  	v3 =	vld.idx.msk [tilespmem:v5+s2+$0x0], $0xffff  }
0xf9: {  	v5 =	vld [tilespmem:s22+$0x190A0];
	v0 =	vadd.f32 v2, v0  }
0xfa: {  	v2 =	vld.idx.msk [tilespmem:v4+s2+$0x0], $0xffff  }
0xfb: {  	v4 =	vld [tilespmem:s22+$0x191A0];
	v0 =	vadd.f32 v1, v0  }
0xfc: {  	v1 =	vld.idx.msk [tilespmem:v7+s2+$0x0], $0xffff  }
0xfd: {  	v12 =	vld [tilespmem:s22+$0x192A0];
	v0 =	vadd.f32 v3, v0  }
0xfe: {  	v3 =	vld.idx.msk [tilespmem:v8+s2+$0x0], $0xffff  }
0xff: {  	v13 =	vld [tilespmem:s22+$0x193A0];
	v0 =	vadd.f32 v2, v0  }
0x100: {  	v2 =	vld.idx.msk [tilespmem:v63+s2+$0x0], $0xffff  }
0x101: {  	v14 =	vld [tilespmem:s22+$0x194A0];
	v0 =	vadd.f32 v1, v0  }
0x102: {  	v1 =	vld.idx.msk [tilespmem:v5+s2+$0x0], $0xffff  }
0x103: {  	v5 =	vld [tilespmem:s22+$0x195A0];
	v0 =	vadd.f32 v3, v0  }
0x104: {  	v3 =	vld.idx.msk [tilespmem:v4+s2+$0x0], $0xffff  }
0x105: {  	v4 =	vld [tilespmem:s22+$0x196A0];
	v0 =	vadd.f32 v2, v0  }
0x106: {  	v2 =	vld.idx.msk [tilespmem:v12+s2+$0x0], $0xffff  }
0x107: {  	v15 =	vld [tilespmem:s22+$0x197A0];
	v0 =	vadd.f32 v1, v0  }
0x108: {  	v1 =	vld.idx.msk [tilespmem:v13+s2+$0x0], $0xffff  }
0x109: {  	v16 =	vld [tilespmem:s22+$0x198A0];
	v0 =	vadd.f32 v3, v0  }
0x10a: {  	v3 =	vld.idx.msk [tilespmem:v14+s2+$0x0], $0xffff  }
0x10b: {  	v17 =	vld [tilespmem:s22+$0x199A0];
	v0 =	vadd.f32 v2, v0  }
0x10c: {  	v2 =	vld.idx.msk [tilespmem:v5+s2+$0x0], $0xffff  }
0x10d: {  	v5 =	vld [tilespmem:s22+$0x19AA0];
	v0 =	vadd.f32 v1, v0  }
0x10e: {  	v1 =	vld.idx.msk [tilespmem:v4+s2+$0x0], $0xffff  }
0x10f: {  	v4 =	vld [tilespmem:s22+$0x19BA0];
	v0 =	vadd.f32 v3, v0  }
0x110: {  	v3 =	vld.idx.msk [tilespmem:v15+s2+$0x0], $0xffff  }
0x111: {  	v18 =	vld [tilespmem:s22+$0x19CA0];
	v0 =	vadd.f32 v2, v0  }
0x112: {  	v2 =	vld.idx.msk [tilespmem:v16+s2+$0x0], $0xffff  }
0x113: {  	v19 =	vld [tilespmem:s22+$0x19DA0];
	v0 =	vadd.f32 v1, v0  }
0x114: {  	v1 =	vld.idx.msk [tilespmem:v17+s2+$0x0], $0xffff  }
0x115: {  	v20 =	vld [tilespmem:s22+$0x19EA0];
	v0 =	vadd.f32 v3, v0  }
0x116: {  	v3 =	vld.idx.msk [tilespmem:v5+s2+$0x0], $0xffff  }
0x117: {  	v5 =	vld [tilespmem:s22+$0x19FA0];
	v0 =	vadd.f32 v2, v0  }
0x118: {  	v2 =	vld.idx.msk [tilespmem:v4+s2+$0x0], $0xffff  }
0x119: {  	v4 =	vld [tilespmem:s22+$0x1A0A0];
	v0 =	vadd.f32 v1, v0  }
0x11a: {  	v1 =	vld.idx.msk [tilespmem:v18+s2+$0x0], $0xffff  }
0x11b: {  	v21 =	vld [tilespmem:s22+$0x1A1A0];
	v0 =	vadd.f32 v3, v0  }
0x11c: {  	v3 =	vld.idx.msk [tilespmem:v19+s2+$0x0], $0xffff  }
0x11d: {  	v22 =	vld [tilespmem:s22+$0x1A2A0];
	v0 =	vadd.f32 v2, v0  }
0x11e: {  	v2 =	vld.idx.msk [tilespmem:v20+s2+$0x0], $0xffff  }
0x11f: {  	v23 =	vld [tilespmem:s22+$0x1A3A0];
	v0 =	vadd.f32 v1, v0  }
0x120: {  	v1 =	vld.idx.msk [tilespmem:v5+s2+$0x0], $0xffff  }
0x121: {  	v5 =	vld [tilespmem:s22+$0x1A4A0];
	v0 =	vadd.f32 v3, v0  }
0x122: {  	v3 =	vld.idx.msk [tilespmem:v4+s2+$0x0], $0xffff  }
0x123: {  	v4 =	vld [tilespmem:s22+$0x1A5A0];
	v0 =	vadd.f32 v2, v0  }
0x124: {  	v2 =	vld.idx.msk [tilespmem:v21+s2+$0x0], $0xffff  }
0x125: {  	v24 =	vld [tilespmem:s22+$0x1A6A0];
	v0 =	vadd.f32 v1, v0  }
0x126: {  	v1 =	vld.idx.msk [tilespmem:v22+s2+$0x0], $0xffff  }
0x127: {  	v25 =	vld [tilespmem:s22+$0x1A7A0];
	v0 =	vadd.f32 v3, v0  }
0x128: {  	v3 =	vld.idx.msk [tilespmem:v23+s2+$0x0], $0xffff  }
0x129: {  	v26 =	vld [tilespmem:s22+$0x1A8A0];
	v0 =	vadd.f32 v2, v0  }
0x12a: {  	v2 =	vld.idx.msk [tilespmem:v5+s2+$0x0], $0xffff  }
0x12b: {  	v5 =	vld [tilespmem:s22+$0x1A9A0];
	v0 =	vadd.f32 v1, v0  }
0x12c: {  	v1 =	vld.idx.msk [tilespmem:v4+s2+$0x0], $0xffff  }
0x12d: {  	v4 =	vld [tilespmem:s22+$0x1AAA0];
	v0 =	vadd.f32 v3, v0  }
0x12e: {  	v3 =	vld.idx.msk [tilespmem:v24+s2+$0x0], $0xffff  }
0x12f: {  	v27 =	vld [tilespmem:s22+$0x1ABA0];
	v0 =	vadd.f32 v2, v0  }
0x130: {  	v2 =	vld.idx.msk [tilespmem:v25+s2+$0x0], $0xffff  }
0x131: {  	v28 =	vld [tilespmem:s22+$0x1ACA0];
	v0 =	vadd.f32 v1, v0  }
0x132: {  	v1 =	vld.idx.msk [tilespmem:v26+s2+$0x0], $0xffff  }
0x133: {  	v29 =	vld [tilespmem:s22+$0x1ADA0];
	v0 =	vadd.f32 v3, v0  }
0x134: {  	v3 =	vld.idx.msk [tilespmem:v5+s2+$0x0], $0xffff  }
0x135: {  	v5 =	vld [tilespmem:s22+$0x1AEA0];
	v0 =	vadd.f32 v2, v0  }
0x136: {  	v2 =	vld.idx.msk [tilespmem:v4+s2+$0x0], $0xffff  }
0x137: {  	v4 =	vld [tilespmem:s22+$0x1AFA0];
	v0 =	vadd.f32 v1, v0  }
0x138: {  	v1 =	vld.idx.msk [tilespmem:v27+s2+$0x0], $0xffff  }
0x139: {  	v30 =	vld [tilespmem:s22+$0x1B0A0];
	v0 =	vadd.f32 v3, v0  }
0x13a: {  	v3 =	vld.idx.msk [tilespmem:v28+s2+$0x0], $0xffff  }
0x13b: {  	v31 =	vld [tilespmem:s22+$0x1B1A0];
	v0 =	vadd.f32 v2, v0  }
0x13c: {  	v2 =	vld.idx.msk [tilespmem:v29+s2+$0x0], $0xffff  }
0x13d: {  	v32 =	vld [tilespmem:s22+$0x1B2A0];
	v0 =	vadd.f32 v1, v0  }
0x13e: {  	v1 =	vld.idx.msk [tilespmem:v5+s2+$0x0], $0xffff  }
0x13f: {  	v5 =	vld [tilespmem:s22+$0x1B3A0];
	v0 =	vadd.f32 v3, v0  }
0x140: {  	v3 =	vld.idx.msk [tilespmem:v4+s2+$0x0], $0xffff  }
0x141: {  	v4 =	vld [tilespmem:s22+$0x1B4A0];
	v0 =	vadd.f32 v2, v0  }
0x142: {  	v2 =	vld.idx.msk [tilespmem:v30+s2+$0x0], $0xffff  }
0x143: {  	v33 =	vld [tilespmem:s22+$0x1B5A0];
	v0 =	vadd.f32 v1, v0  }
0x144: {  	v1 =	vld.idx.msk [tilespmem:v31+s2+$0x0], $0xffff  }
0x145: {  	v34 =	vld [tilespmem:s22+$0x1B6A0];
	v0 =	vadd.f32 v3, v0  }
0x146: {  	v3 =	vld.idx.msk [tilespmem:v32+s2+$0x0], $0xffff  }
0x147: {  	v35 =	vld [tilespmem:s22+$0x1B7A0];
	v0 =	vadd.f32 v2, v0  }
0x148: {  	v2 =	vld.idx.msk [tilespmem:v5+s2+$0x0], $0xffff  }
0x149: {  	v0 =	vadd.f32 v1, v0  }
0x14a: {  	v1 =	vld.idx.msk [tilespmem:v4+s2+$0x0], $0xffff  }
0x14b: {  	v0 =	vadd.f32 v3, v0  }
0x14c: {  	v3 =	vld.idx.msk [tilespmem:v33+s2+$0x0], $0xffff  }
0x14d: {  	v0 =	vadd.f32 v2, v0  }
0x14e: {  	v2 =	vld.idx.msk [tilespmem:v34+s2+$0x0], $0xffff  }
0x14f: {  	v0 =	vadd.f32 v1, v0  }
0x150: {  	v1 =	vld.idx.msk [tilespmem:v35+s2+$0x0], $0xffff  }
0x151: {  	v0 =	vadd.f32 v3, v0;
	_ =	sdelay $0x1  }
0x152: {  	v0 =	vadd.f32 v2, v0;
	_ =	sdelay $0x1  }
0x153: {  	v0 =	vadd.f32 v1, v0;
	_ =	sdelay $0x1  }
0x154: {  	v0 =	vmul.f32 $1.999999960e-02, v0;
	_ =	sdelay $0x1  }
0x155: {  	[tilespmem:s22+$0x1EAA0] =	vst v0  }
0x156: {  	[tilespmem:s12], [sflag:$0x2] =	stream.strided.gather [hbm4b:s6+s10], $0x3200, s11, s10, $0x38;
	[tilespmem:$0x1EEA0] =	vst v63  }
0x157: {  	_ =	swait.ge [sflag:s16], $0x3200  }
0x158: {  	[sflag:s16] =	ssyncset.done $0x0  }
0x159: {  	s20 =	simm.s32 $0x0;
	[sflag:s16] =	ssyncadd.s32 $0xFFFFCE00  }
0x15a: {  	v0 =	vld [tilespmem:s20+$0x1B9A0]  }
0x15b: {  	v1 =	vld [tilespmem:s20+$0x1B8A0];
	_ =	sdelay $0x1  }
0x15c: {  	v2 =	vld [tilespmem:s20+$0x1BAA0];
	_ =	sdelay $0x1  }
0x15d: {  	v3 =	vld [tilespmem:s20+$0x1BBA0]  }
0x15e: {  	v4 =	vld [tilespmem:s20+$0x1BDA0]  }
0x15f: {  	v5 =	vld [tilespmem:s20+$0x1BCA0]  }
0x160: {  	v0 =	vld.idx.msk [tilespmem:v0+s2+$0x0], $0xffff  }
0x161: {  	v1 =	vld.idx.msk [tilespmem:v1+s2+$0x0], $0xffff  }
0x162: {  	v36 =	vld [tilespmem:s20+$0x1BEA0]  }
0x163: {  	v2 =	vld.idx.msk [tilespmem:v2+s2+$0x0], $0xffff  }
0x164: {  	v37 =	vld [tilespmem:s20+$0x1BFA0]  }
0x165: {  	v3 =	vld.idx.msk [tilespmem:v3+s2+$0x0], $0xffff  }
0x166: {  	v38 =	vld [tilespmem:s20+$0x1C0A0];
	v0 =	vadd.f32 v0, v1  }
0x167: {  	v1 =	vld.idx.msk [tilespmem:v5+s2+$0x0], $0xffff  }
0x168: {  	v5 =	vld [tilespmem:s20+$0x1C1A0];
	v0 =	vadd.f32 v2, v0  }
0x169: {  	v2 =	vld.idx.msk [tilespmem:v4+s2+$0x0], $0xffff  }
0x16a: {  	v4 =	vld [tilespmem:s20+$0x1C2A0];
	v0 =	vadd.f32 v3, v0  }
0x16b: {  	v3 =	vld.idx.msk [tilespmem:v36+s2+$0x0], $0xffff  }
0x16c: {  	v39 =	vld [tilespmem:s20+$0x1C3A0];
	v0 =	vadd.f32 v1, v0  }
0x16d: {  	v1 =	vld.idx.msk [tilespmem:v37+s2+$0x0], $0xffff  }
0x16e: {  	v40 =	vld [tilespmem:s20+$0x1C4A0];
	v0 =	vadd.f32 v2, v0  }
0x16f: {  	v2 =	vld.idx.msk [tilespmem:v38+s2+$0x0], $0xffff  }
0x170: {  	v41 =	vld [tilespmem:s20+$0x1C5A0];
	v0 =	vadd.f32 v3, v0  }
0x171: {  	v3 =	vld.idx.msk [tilespmem:v5+s2+$0x0], $0xffff  }
0x172: {  	v5 =	vld [tilespmem:s20+$0x1C6A0];
	v0 =	vadd.f32 v1, v0  }
0x173: {  	v1 =	vld.idx.msk [tilespmem:v4+s2+$0x0], $0xffff  }
0x174: {  	v4 =	vld [tilespmem:s20+$0x1C7A0];
	v0 =	vadd.f32 v2, v0  }
0x175: {  	v2 =	vld.idx.msk [tilespmem:v39+s2+$0x0], $0xffff  }
0x176: {  	v42 =	vld [tilespmem:s20+$0x1C8A0];
	v0 =	vadd.f32 v3, v0  }
0x177: {  	v3 =	vld.idx.msk [tilespmem:v40+s2+$0x0], $0xffff  }
0x178: {  	v43 =	vld [tilespmem:s20+$0x1C9A0];
	v0 =	vadd.f32 v1, v0  }
0x179: {  	v1 =	vld.idx.msk [tilespmem:v41+s2+$0x0], $0xffff  }
0x17a: {  	v44 =	vld [tilespmem:s20+$0x1CAA0];
	v0 =	vadd.f32 v2, v0  }
0x17b: {  	v2 =	vld.idx.msk [tilespmem:v5+s2+$0x0], $0xffff  }
0x17c: {  	v5 =	vld [tilespmem:s20+$0x1CBA0];
	v0 =	vadd.f32 v3, v0  }
0x17d: {  	v3 =	vld.idx.msk [tilespmem:v4+s2+$0x0], $0xffff  }
0x17e: {  	v4 =	vld [tilespmem:s20+$0x1CCA0];
	v0 =	vadd.f32 v1, v0  }
0x17f: {  	v1 =	vld.idx.msk [tilespmem:v42+s2+$0x0], $0xffff  }
0x180: {  	v45 =	vld [tilespmem:s20+$0x1CDA0];
	v0 =	vadd.f32 v2, v0  }
0x181: {  	v2 =	vld.idx.msk [tilespmem:v43+s2+$0x0], $0xffff  }
0x182: {  	v46 =	vld [tilespmem:s20+$0x1CEA0];
	v0 =	vadd.f32 v3, v0  }
0x183: {  	v3 =	vld.idx.msk [tilespmem:v44+s2+$0x0], $0xffff  }
0x184: {  	v47 =	vld [tilespmem:s20+$0x1CFA0];
	v0 =	vadd.f32 v1, v0  }
0x185: {  	v1 =	vld.idx.msk [tilespmem:v5+s2+$0x0], $0xffff  }
0x186: {  	v5 =	vld [tilespmem:s20+$0x1D0A0];
	v0 =	vadd.f32 v2, v0  }
0x187: {  	v2 =	vld.idx.msk [tilespmem:v4+s2+$0x0], $0xffff  }
0x188: {  	v4 =	vld [tilespmem:s20+$0x1D1A0];
	v0 =	vadd.f32 v3, v0  }
0x189: {  	v3 =	vld.idx.msk [tilespmem:v45+s2+$0x0], $0xffff  }
0x18a: {  	v48 =	vld [tilespmem:s20+$0x1D2A0];
	v0 =	vadd.f32 v1, v0  }
0x18b: {  	v1 =	vld.idx.msk [tilespmem:v46+s2+$0x0], $0xffff  }
0x18c: {  	v49 =	vld [tilespmem:s20+$0x1D3A0];
	v0 =	vadd.f32 v2, v0  }
0x18d: {  	v2 =	vld.idx.msk [tilespmem:v47+s2+$0x0], $0xffff  }
0x18e: {  	v50 =	vld [tilespmem:s20+$0x1D4A0];
	v0 =	vadd.f32 v3, v0  }
0x18f: {  	v3 =	vld.idx.msk [tilespmem:v5+s2+$0x0], $0xffff  }
0x190: {  	v5 =	vld [tilespmem:s20+$0x1D5A0];
	v0 =	vadd.f32 v1, v0  }
0x191: {  	v1 =	vld.idx.msk [tilespmem:v4+s2+$0x0], $0xffff  }
0x192: {  	v4 =	vld [tilespmem:s20+$0x1D6A0];
	v0 =	vadd.f32 v2, v0  }
0x193: {  	v2 =	vld.idx.msk [tilespmem:v48+s2+$0x0], $0xffff  }
0x194: {  	v51 =	vld [tilespmem:s20+$0x1D7A0];
	v0 =	vadd.f32 v3, v0  }
0x195: {  	v3 =	vld.idx.msk [tilespmem:v49+s2+$0x0], $0xffff  }
0x196: {  	v52 =	vld [tilespmem:s20+$0x1D8A0];
	v0 =	vadd.f32 v1, v0  }
0x197: {  	v1 =	vld.idx.msk [tilespmem:v50+s2+$0x0], $0xffff  }
0x198: {  	v53 =	vld [tilespmem:s20+$0x1D9A0];
	v0 =	vadd.f32 v2, v0  }
0x199: {  	v2 =	vld.idx.msk [tilespmem:v5+s2+$0x0], $0xffff  }
0x19a: {  	v5 =	vld [tilespmem:s20+$0x1DAA0];
	v0 =	vadd.f32 v3, v0  }
0x19b: {  	v3 =	vld.idx.msk [tilespmem:v4+s2+$0x0], $0xffff  }
0x19c: {  	v4 =	vld [tilespmem:s20+$0x1DBA0];
	v0 =	vadd.f32 v1, v0  }
0x19d: {  	v1 =	vld.idx.msk [tilespmem:v51+s2+$0x0], $0xffff  }
0x19e: {  	v54 =	vld [tilespmem:s20+$0x1DCA0];
	v0 =	vadd.f32 v2, v0  }
0x19f: {  	v2 =	vld.idx.msk [tilespmem:v52+s2+$0x0], $0xffff  }
0x1a0: {  	v55 =	vld [tilespmem:s20+$0x1DDA0];
	v0 =	vadd.f32 v3, v0  }
0x1a1: {  	v3 =	vld.idx.msk [tilespmem:v53+s2+$0x0], $0xffff  }
0x1a2: {  	v56 =	vld [tilespmem:s20+$0x1DEA0];
	v0 =	vadd.f32 v1, v0  }
0x1a3: {  	v1 =	vld.idx.msk [tilespmem:v5+s2+$0x0], $0xffff  }
0x1a4: {  	v5 =	vld [tilespmem:s20+$0x1DFA0];
	v0 =	vadd.f32 v2, v0  }
0x1a5: {  	v2 =	vld.idx.msk [tilespmem:v4+s2+$0x0], $0xffff  }
0x1a6: {  	v4 =	vld [tilespmem:s20+$0x1E0A0];
	v0 =	vadd.f32 v3, v0  }
0x1a7: {  	v3 =	vld.idx.msk [tilespmem:v54+s2+$0x0], $0xffff  }
0x1a8: {  	v57 =	vld [tilespmem:s20+$0x1E1A0];
	v0 =	vadd.f32 v1, v0  }
0x1a9: {  	v1 =	vld.idx.msk [tilespmem:v55+s2+$0x0], $0xffff  }
0x1aa: {  	v58 =	vld [tilespmem:s20+$0x1E2A0];
	v0 =	vadd.f32 v2, v0  }
0x1ab: {  	v2 =	vld.idx.msk [tilespmem:v56+s2+$0x0], $0xffff  }
0x1ac: {  	v59 =	vld [tilespmem:s20+$0x1E3A0];
	v0 =	vadd.f32 v3, v0  }
0x1ad: {  	v3 =	vld.idx.msk [tilespmem:v5+s2+$0x0], $0xffff  }
0x1ae: {  	v5 =	vld [tilespmem:s20+$0x1E4A0];
	v0 =	vadd.f32 v1, v0  }
0x1af: {  	v1 =	vld.idx.msk [tilespmem:v4+s2+$0x0], $0xffff  }
0x1b0: {  	v4 =	vld [tilespmem:s20+$0x1E5A0];
	v0 =	vadd.f32 v2, v0  }
0x1b1: {  	v2 =	vld.idx.msk [tilespmem:v57+s2+$0x0], $0xffff  }
0x1b2: {  	v60 =	vld [tilespmem:s20+$0x1E6A0];
	v0 =	vadd.f32 v3, v0  }
0x1b3: {  	v3 =	vld.idx.msk [tilespmem:v58+s2+$0x0], $0xffff  }
0x1b4: {  	v61 =	vld [tilespmem:s20+$0x1E7A0];
	v0 =	vadd.f32 v1, v0  }
0x1b5: {  	v1 =	vld.idx.msk [tilespmem:v59+s2+$0x0], $0xffff  }
0x1b6: {  	v62 =	vld [tilespmem:s20+$0x1E8A0];
	v0 =	vadd.f32 v2, v0  }
0x1b7: {  	v2 =	vld.idx.msk [tilespmem:v5+s2+$0x0], $0xffff  }
0x1b8: {  	v5 =	vld [tilespmem:s20+$0x1E9A0];
	v0 =	vadd.f32 v3, v0  }
0x1b9: {  	v3 =	vld.idx.msk [tilespmem:v4+s2+$0x0], $0xffff  }
0x1ba: {  	v0 =	vadd.f32 v1, v0  }
0x1bb: {  	v4 =	vld.idx.msk [tilespmem:v60+s2+$0x0], $0xffff  }
0x1bc: {  	v0 =	vadd.f32 v2, v0  }
0x1bd: {  	v63 =	vld.idx.msk [tilespmem:v61+s2+$0x0], $0xffff  }
0x1be: {  	v0 =	vadd.f32 v3, v0  }
0x1bf: {  	v1 =	vld.idx.msk [tilespmem:v62+s2+$0x0], $0xffff  }
0x1c0: {  	v0 =	vadd.f32 v4, v0  }
0x1c1: {  	v2 =	vld.idx.msk [tilespmem:v5+s2+$0x0], $0xffff  }
0x1c2: {  	s22 =	simm.s32 $0x10;
	v3 =	vadd.f32 v63, v0  }
0x1c3: {  	s21 =	simm.s32 $0x80;
	v0 =	vld [tilespmem:s22+$0x1B9A0]  }
.LBB2_4:
0x1c4: {  	p0 =	sne.s32 s21, $0x3C0;
	v4 =	vld [tilespmem:s22+$0x1B8A0];
	v1 =	vadd.f32 v1, v3;
	_ =	sdelay $0x1  }
0x1c5: {  	v3 =	vld [tilespmem:s22+$0x1BAA0];
	v1 =	vadd.f32 v2, v1;
	_ =	sdelay $0x1  }
0x1c6: {  	v2 =	vld [tilespmem:s22+$0x1BBA0];
	v1 =	vmul.f32 $1.999999960e-02, v1  }
0x1c7: {  	v5 =	vld [tilespmem:s22+$0x1BDA0]  }
0x1c8: {  	v6 =	vld [tilespmem:s22+$0x1BCA0];
	[tilespmem:s20+$0x1EBA0] =	vst v1;
	s20 =	smov.u32 s22  }
0x1c9: {  	v0 =	vld.idx.msk [tilespmem:v0+s2+$0x0], $0xffff  }
0x1ca: {  	v1 =	vld.idx.msk [tilespmem:v4+s2+$0x0], $0xffff  }
0x1cb: {  	v4 =	vld [tilespmem:s20+$0x1BEA0]  }
0x1cc: {  	v3 =	vld.idx.msk [tilespmem:v3+s2+$0x0], $0xffff  }
0x1cd: {  	v7 =	vld [tilespmem:s20+$0x1BFA0]  }
0x1ce: {  	v2 =	vld.idx.msk [tilespmem:v2+s2+$0x0], $0xffff  }
0x1cf: {  	v8 =	vld [tilespmem:s20+$0x1C0A0]  }
0x1d0: {  	v0 =	vadd.f32 v0, v1;
	v1 =	vld.idx.msk [tilespmem:v6+s2+$0x0], $0xffff  }
0x1d1: {  	v6 =	vld [tilespmem:s20+$0x1C1A0]  }
0x1d2: {  	v0 =	vadd.f32 v3, v0;
	v3 =	vld.idx.msk [tilespmem:v5+s2+$0x0], $0xffff  }
0x1d3: {  	v5 =	vld [tilespmem:s20+$0x1C2A0]  }
0x1d4: {  	v0 =	vadd.f32 v2, v0;
	v2 =	vld.idx.msk [tilespmem:v4+s2+$0x0], $0xffff  }
0x1d5: {  	v4 =	vld [tilespmem:s20+$0x1C3A0]  }
0x1d6: {  	v0 =	vadd.f32 v1, v0;
	v1 =	vld.idx.msk [tilespmem:v7+s2+$0x0], $0xffff  }
0x1d7: {  	v7 =	vld [tilespmem:s20+$0x1C4A0]  }
0x1d8: {  	v0 =	vadd.f32 v3, v0;
	v3 =	vld.idx.msk [tilespmem:v8+s2+$0x0], $0xffff  }
0x1d9: {  	v8 =	vld [tilespmem:s20+$0x1C5A0]  }
0x1da: {  	v0 =	vadd.f32 v2, v0;
	v2 =	vld.idx.msk [tilespmem:v6+s2+$0x0], $0xffff  }
0x1db: {  	v6 =	vld [tilespmem:s20+$0x1C6A0]  }
0x1dc: {  	v0 =	vadd.f32 v1, v0;
	v1 =	vld.idx.msk [tilespmem:v5+s2+$0x0], $0xffff  }
0x1dd: {  	v5 =	vld [tilespmem:s20+$0x1C7A0]  }
0x1de: {  	v0 =	vadd.f32 v3, v0;
	v3 =	vld.idx.msk [tilespmem:v4+s2+$0x0], $0xffff  }
0x1df: {  	v4 =	vld [tilespmem:s20+$0x1C8A0]  }
0x1e0: {  	v0 =	vadd.f32 v2, v0;
	v2 =	vld.idx.msk [tilespmem:v7+s2+$0x0], $0xffff  }
0x1e1: {  	v7 =	vld [tilespmem:s20+$0x1C9A0]  }
0x1e2: {  	v0 =	vadd.f32 v1, v0;
	v1 =	vld.idx.msk [tilespmem:v8+s2+$0x0], $0xffff  }
0x1e3: {  	v8 =	vld [tilespmem:s20+$0x1CAA0]  }
0x1e4: {  	v0 =	vadd.f32 v3, v0;
	v3 =	vld.idx.msk [tilespmem:v6+s2+$0x0], $0xffff  }
0x1e5: {  	v6 =	vld [tilespmem:s20+$0x1CBA0]  }
0x1e6: {  	v0 =	vadd.f32 v2, v0;
	v2 =	vld.idx.msk [tilespmem:v5+s2+$0x0], $0xffff  }
0x1e7: {  	v5 =	vld [tilespmem:s20+$0x1CCA0]  }
0x1e8: {  	v0 =	vadd.f32 v1, v0;
	v1 =	vld.idx.msk [tilespmem:v4+s2+$0x0], $0xffff  }
0x1e9: {  	v4 =	vld [tilespmem:s20+$0x1CDA0]  }
0x1ea: {  	v0 =	vadd.f32 v3, v0;
	v3 =	vld.idx.msk [tilespmem:v7+s2+$0x0], $0xffff  }
0x1eb: {  	v7 =	vld [tilespmem:s20+$0x1CEA0]  }
0x1ec: {  	v0 =	vadd.f32 v2, v0;
	v2 =	vld.idx.msk [tilespmem:v8+s2+$0x0], $0xffff  }
0x1ed: {  	v8 =	vld [tilespmem:s20+$0x1CFA0]  }
0x1ee: {  	v0 =	vadd.f32 v1, v0;
	v1 =	vld.idx.msk [tilespmem:v6+s2+$0x0], $0xffff  }
0x1ef: {  	v6 =	vld [tilespmem:s20+$0x1D0A0]  }
0x1f0: {  	v0 =	vadd.f32 v3, v0;
	v3 =	vld.idx.msk [tilespmem:v5+s2+$0x0], $0xffff  }
0x1f1: {  	v5 =	vld [tilespmem:s20+$0x1D1A0]  }
0x1f2: {  	v0 =	vadd.f32 v2, v0;
	v2 =	vld.idx.msk [tilespmem:v4+s2+$0x0], $0xffff  }
0x1f3: {  	v4 =	vld [tilespmem:s20+$0x1D2A0]  }
0x1f4: {  	v0 =	vadd.f32 v1, v0;
	v1 =	vld.idx.msk [tilespmem:v7+s2+$0x0], $0xffff  }
0x1f5: {  	v7 =	vld [tilespmem:s20+$0x1D3A0]  }
0x1f6: {  	v0 =	vadd.f32 v3, v0;
	v3 =	vld.idx.msk [tilespmem:v8+s2+$0x0], $0xffff  }
0x1f7: {  	v8 =	vld [tilespmem:s20+$0x1D4A0]  }
0x1f8: {  	v0 =	vadd.f32 v2, v0;
	v2 =	vld.idx.msk [tilespmem:v6+s2+$0x0], $0xffff  }
0x1f9: {  	v6 =	vld [tilespmem:s20+$0x1D5A0]  }
0x1fa: {  	v0 =	vadd.f32 v1, v0;
	v1 =	vld.idx.msk [tilespmem:v5+s2+$0x0], $0xffff  }
0x1fb: {  	v5 =	vld [tilespmem:s20+$0x1D6A0]  }
0x1fc: {  	v0 =	vadd.f32 v3, v0;
	v3 =	vld.idx.msk [tilespmem:v4+s2+$0x0], $0xffff  }
0x1fd: {  	v4 =	vld [tilespmem:s20+$0x1D7A0]  }
0x1fe: {  	v0 =	vadd.f32 v2, v0;
	v2 =	vld.idx.msk [tilespmem:v7+s2+$0x0], $0xffff  }
0x1ff: {  	v7 =	vld [tilespmem:s20+$0x1D8A0]  }
0x200: {  	v0 =	vadd.f32 v1, v0;
	v1 =	vld.idx.msk [tilespmem:v8+s2+$0x0], $0xffff  }
0x201: {  	v8 =	vld [tilespmem:s20+$0x1D9A0]  }
0x202: {  	v0 =	vadd.f32 v3, v0;
	v3 =	vld.idx.msk [tilespmem:v6+s2+$0x0], $0xffff  }
0x203: {  	v6 =	vld [tilespmem:s20+$0x1DAA0]  }
0x204: {  	v0 =	vadd.f32 v2, v0;
	v2 =	vld.idx.msk [tilespmem:v5+s2+$0x0], $0xffff  }
0x205: {  	v5 =	vld [tilespmem:s20+$0x1DBA0]  }
0x206: {  	v0 =	vadd.f32 v1, v0;
	v1 =	vld.idx.msk [tilespmem:v4+s2+$0x0], $0xffff  }
0x207: {  	v4 =	vld [tilespmem:s20+$0x1DCA0]  }
0x208: {  	v0 =	vadd.f32 v3, v0;
	v3 =	vld.idx.msk [tilespmem:v7+s2+$0x0], $0xffff  }
0x209: {  	v7 =	vld [tilespmem:s20+$0x1DDA0]  }
0x20a: {  	v0 =	vadd.f32 v2, v0;
	v2 =	vld.idx.msk [tilespmem:v8+s2+$0x0], $0xffff  }
0x20b: {  	v8 =	vld [tilespmem:s20+$0x1DEA0]  }
0x20c: {  	v0 =	vadd.f32 v1, v0;
	v1 =	vld.idx.msk [tilespmem:v6+s2+$0x0], $0xffff  }
0x20d: {  	v6 =	vld [tilespmem:s20+$0x1DFA0]  }
0x20e: {  	v0 =	vadd.f32 v3, v0;
	v3 =	vld.idx.msk [tilespmem:v5+s2+$0x0], $0xffff  }
0x20f: {  	v5 =	vld [tilespmem:s20+$0x1E0A0]  }
0x210: {  	v0 =	vadd.f32 v2, v0;
	v2 =	vld.idx.msk [tilespmem:v4+s2+$0x0], $0xffff  }
0x211: {  	v4 =	vld [tilespmem:s20+$0x1E1A0]  }
0x212: {  	v0 =	vadd.f32 v1, v0;
	v1 =	vld.idx.msk [tilespmem:v7+s2+$0x0], $0xffff  }
0x213: {  	v7 =	vld [tilespmem:s20+$0x1E2A0]  }
0x214: {  	v0 =	vadd.f32 v3, v0;
	v3 =	vld.idx.msk [tilespmem:v8+s2+$0x0], $0xffff  }
0x215: {  	v8 =	vld [tilespmem:s20+$0x1E3A0]  }
0x216: {  	v0 =	vadd.f32 v2, v0;
	v2 =	vld.idx.msk [tilespmem:v6+s2+$0x0], $0xffff  }
0x217: {  	v6 =	vld [tilespmem:s20+$0x1E4A0]  }
0x218: {  	v0 =	vadd.f32 v1, v0;
	v1 =	vld.idx.msk [tilespmem:v5+s2+$0x0], $0xffff  }
0x219: {  	v5 =	vld [tilespmem:s20+$0x1E5A0]  }
0x21a: {  	v0 =	vadd.f32 v3, v0;
	v3 =	vld.idx.msk [tilespmem:v4+s2+$0x0], $0xffff  }
0x21b: {  	v4 =	vld [tilespmem:s20+$0x1E6A0]  }
0x21c: {  	v0 =	vadd.f32 v2, v0;
	v2 =	vld.idx.msk [tilespmem:v7+s2+$0x0], $0xffff  }
0x21d: {  	v7 =	vld [tilespmem:s20+$0x1E7A0]  }
0x21e: {  	v0 =	vadd.f32 v1, v0;
	v1 =	vld.idx.msk [tilespmem:v8+s2+$0x0], $0xffff  }
0x21f: {  	v8 =	vld [tilespmem:s20+$0x1E8A0]  }
0x220: {  	v0 =	vadd.f32 v3, v0;
	v3 =	vld.idx.msk [tilespmem:v6+s2+$0x0], $0xffff  }
0x221: {  	v6 =	vld [tilespmem:s20+$0x1E9A0]  }
0x222: {  	v0 =	vadd.f32 v2, v0;
	v2 =	vld.idx.msk [tilespmem:v5+s2+$0x0], $0xffff;
	_ =	sdelay $0x1  }
0x223: {  	v0 =	vadd.f32 v1, v0;
	v4 =	vld.idx.msk [tilespmem:v4+s2+$0x0], $0xffff;
	_ =	sdelay $0x1  }
0x224: {  	v0 =	vadd.f32 v3, v0;
	v3 =	vld.idx.msk [tilespmem:v7+s2+$0x0], $0xffff;
	_ =	sdelay $0x1  }
0x225: {  	v0 =	vadd.f32 v2, v0;
	v1 =	vld.idx.msk [tilespmem:v8+s2+$0x0], $0xffff  }
.Ltmp1:
0x226: {  	(pc) =	sbr.rel @p0 .LBB2_4-.Ltmp1, $3  }
0x227: {  	v0 =	vadd.f32 v4, v0;
	v2 =	vld.idx.msk [tilespmem:v6+s2+$0x0], $0xffff;
	_ =	sdelay $0x1  }
0x228: {  	s22 =	sshra.s32 s21, $0x2;
	v3 =	vadd.f32 v3, v0  }
0x229: {  	s21 =	sadd.s32 $0x40, s21;
	v0 =	vld [tilespmem:s22+$0x1B9A0]  }
0x22a: {  	_ = 	snop  }
0x22b: {  	v4 =	vld [tilespmem:s22+$0x1B8A0];
	v1 =	vadd.f32 v1, v3;
	_ =	sdelay $0x1  }
0x22c: {  	v3 =	vld [tilespmem:s22+$0x1BAA0];
	v1 =	vadd.f32 v2, v1;
	_ =	sdelay $0x1  }
0x22d: {  	v2 =	vld [tilespmem:s22+$0x1BBA0];
	v1 =	vmul.f32 $1.999999960e-02, v1  }
0x22e: {  	v5 =	vld [tilespmem:s22+$0x1BDA0]  }
0x22f: {  	v6 =	vld [tilespmem:s22+$0x1BCA0];
	[tilespmem:s20+$0x1EBA0] =	vst v1  }
0x230: {  	v0 =	vld.idx.msk [tilespmem:v0+s2+$0x0], $0xffff  }
0x231: {  	v1 =	vld.idx.msk [tilespmem:v4+s2+$0x0], $0xffff  }
0x232: {  	v4 =	vld [tilespmem:s22+$0x1BEA0]  }
0x233: {  	v3 =	vld.idx.msk [tilespmem:v3+s2+$0x0], $0xffff  }
0x234: {  	v7 =	vld [tilespmem:s22+$0x1BFA0]  }
0x235: {  	v2 =	vld.idx.msk [tilespmem:v2+s2+$0x0], $0xffff  }
0x236: {  	v8 =	vld [tilespmem:s22+$0x1C0A0];
	v0 =	vadd.f32 v0, v1  }
0x237: {  	v1 =	vld.idx.msk [tilespmem:v6+s2+$0x0], $0xffff  }
0x238: {  	v63 =	vld [tilespmem:s22+$0x1C1A0];
	v0 =	vadd.f32 v3, v0  }
0x239: {  	v3 =	vld.idx.msk [tilespmem:v5+s2+$0x0], $0xffff  }
0x23a: {  	v5 =	vld [tilespmem:s22+$0x1C2A0];
	v0 =	vadd.f32 v2, v0  }
0x23b: {  	v2 =	vld.idx.msk [tilespmem:v4+s2+$0x0], $0xffff  }
0x23c: {  	v4 =	vld [tilespmem:s22+$0x1C3A0];
	v0 =	vadd.f32 v1, v0  }
0x23d: {  	v1 =	vld.idx.msk [tilespmem:v7+s2+$0x0], $0xffff  }
0x23e: {  	v12 =	vld [tilespmem:s22+$0x1C4A0];
	v0 =	vadd.f32 v3, v0  }
0x23f: {  	v3 =	vld.idx.msk [tilespmem:v8+s2+$0x0], $0xffff  }
0x240: {  	v13 =	vld [tilespmem:s22+$0x1C5A0];
	v0 =	vadd.f32 v2, v0  }
0x241: {  	v2 =	vld.idx.msk [tilespmem:v63+s2+$0x0], $0xffff  }
0x242: {  	v14 =	vld [tilespmem:s22+$0x1C6A0];
	v0 =	vadd.f32 v1, v0  }
0x243: {  	v1 =	vld.idx.msk [tilespmem:v5+s2+$0x0], $0xffff  }
0x244: {  	v5 =	vld [tilespmem:s22+$0x1C7A0];
	v0 =	vadd.f32 v3, v0  }
0x245: {  	v3 =	vld.idx.msk [tilespmem:v4+s2+$0x0], $0xffff  }
0x246: {  	v4 =	vld [tilespmem:s22+$0x1C8A0];
	v0 =	vadd.f32 v2, v0  }
0x247: {  	v2 =	vld.idx.msk [tilespmem:v12+s2+$0x0], $0xffff  }
0x248: {  	v15 =	vld [tilespmem:s22+$0x1C9A0];
	v0 =	vadd.f32 v1, v0  }
0x249: {  	v1 =	vld.idx.msk [tilespmem:v13+s2+$0x0], $0xffff  }
0x24a: {  	v16 =	vld [tilespmem:s22+$0x1CAA0];
	v0 =	vadd.f32 v3, v0  }
0x24b: {  	v3 =	vld.idx.msk [tilespmem:v14+s2+$0x0], $0xffff  }
0x24c: {  	v17 =	vld [tilespmem:s22+$0x1CBA0];
	v0 =	vadd.f32 v2, v0  }
0x24d: {  	v2 =	vld.idx.msk [tilespmem:v5+s2+$0x0], $0xffff  }
0x24e: {  	v5 =	vld [tilespmem:s22+$0x1CCA0];
	v0 =	vadd.f32 v1, v0  }
0x24f: {  	v1 =	vld.idx.msk [tilespmem:v4+s2+$0x0], $0xffff  }
0x250: {  	v4 =	vld [tilespmem:s22+$0x1CDA0];
	v0 =	vadd.f32 v3, v0  }
0x251: {  	v3 =	vld.idx.msk [tilespmem:v15+s2+$0x0], $0xffff  }
0x252: {  	v18 =	vld [tilespmem:s22+$0x1CEA0];
	v0 =	vadd.f32 v2, v0  }
0x253: {  	v2 =	vld.idx.msk [tilespmem:v16+s2+$0x0], $0xffff  }
0x254: {  	v19 =	vld [tilespmem:s22+$0x1CFA0];
	v0 =	vadd.f32 v1, v0  }
0x255: {  	v1 =	vld.idx.msk [tilespmem:v17+s2+$0x0], $0xffff  }
0x256: {  	v20 =	vld [tilespmem:s22+$0x1D0A0];
	v0 =	vadd.f32 v3, v0  }
0x257: {  	v3 =	vld.idx.msk [tilespmem:v5+s2+$0x0], $0xffff  }
0x258: {  	v5 =	vld [tilespmem:s22+$0x1D1A0];
	v0 =	vadd.f32 v2, v0  }
0x259: {  	v2 =	vld.idx.msk [tilespmem:v4+s2+$0x0], $0xffff  }
0x25a: {  	v4 =	vld [tilespmem:s22+$0x1D2A0];
	v0 =	vadd.f32 v1, v0  }
0x25b: {  	v1 =	vld.idx.msk [tilespmem:v18+s2+$0x0], $0xffff  }
0x25c: {  	v21 =	vld [tilespmem:s22+$0x1D3A0];
	v0 =	vadd.f32 v3, v0  }
0x25d: {  	v3 =	vld.idx.msk [tilespmem:v19+s2+$0x0], $0xffff  }
0x25e: {  	v22 =	vld [tilespmem:s22+$0x1D4A0];
	v0 =	vadd.f32 v2, v0  }
0x25f: {  	v2 =	vld.idx.msk [tilespmem:v20+s2+$0x0], $0xffff  }
0x260: {  	v23 =	vld [tilespmem:s22+$0x1D5A0];
	v0 =	vadd.f32 v1, v0  }
0x261: {  	v1 =	vld.idx.msk [tilespmem:v5+s2+$0x0], $0xffff  }
0x262: {  	v5 =	vld [tilespmem:s22+$0x1D6A0];
	v0 =	vadd.f32 v3, v0  }
0x263: {  	v3 =	vld.idx.msk [tilespmem:v4+s2+$0x0], $0xffff  }
0x264: {  	v4 =	vld [tilespmem:s22+$0x1D7A0];
	v0 =	vadd.f32 v2, v0  }
0x265: {  	v2 =	vld.idx.msk [tilespmem:v21+s2+$0x0], $0xffff  }
0x266: {  	v24 =	vld [tilespmem:s22+$0x1D8A0];
	v0 =	vadd.f32 v1, v0  }
0x267: {  	v1 =	vld.idx.msk [tilespmem:v22+s2+$0x0], $0xffff  }
0x268: {  	v25 =	vld [tilespmem:s22+$0x1D9A0];
	v0 =	vadd.f32 v3, v0  }
0x269: {  	v3 =	vld.idx.msk [tilespmem:v23+s2+$0x0], $0xffff  }
0x26a: {  	v26 =	vld [tilespmem:s22+$0x1DAA0];
	v0 =	vadd.f32 v2, v0  }
0x26b: {  	v2 =	vld.idx.msk [tilespmem:v5+s2+$0x0], $0xffff  }
0x26c: {  	v5 =	vld [tilespmem:s22+$0x1DBA0];
	v0 =	vadd.f32 v1, v0  }
0x26d: {  	v1 =	vld.idx.msk [tilespmem:v4+s2+$0x0], $0xffff  }
0x26e: {  	v4 =	vld [tilespmem:s22+$0x1DCA0];
	v0 =	vadd.f32 v3, v0  }
0x26f: {  	v3 =	vld.idx.msk [tilespmem:v24+s2+$0x0], $0xffff  }
0x270: {  	v27 =	vld [tilespmem:s22+$0x1DDA0];
	v0 =	vadd.f32 v2, v0  }
0x271: {  	v2 =	vld.idx.msk [tilespmem:v25+s2+$0x0], $0xffff  }
0x272: {  	v28 =	vld [tilespmem:s22+$0x1DEA0];
	v0 =	vadd.f32 v1, v0  }
0x273: {  	v1 =	vld.idx.msk [tilespmem:v26+s2+$0x0], $0xffff  }
0x274: {  	v29 =	vld [tilespmem:s22+$0x1DFA0];
	v0 =	vadd.f32 v3, v0  }
0x275: {  	v3 =	vld.idx.msk [tilespmem:v5+s2+$0x0], $0xffff  }
0x276: {  	v5 =	vld [tilespmem:s22+$0x1E0A0];
	v0 =	vadd.f32 v2, v0  }
0x277: {  	v2 =	vld.idx.msk [tilespmem:v4+s2+$0x0], $0xffff  }
0x278: {  	v4 =	vld [tilespmem:s22+$0x1E1A0];
	v0 =	vadd.f32 v1, v0  }
0x279: {  	v1 =	vld.idx.msk [tilespmem:v27+s2+$0x0], $0xffff  }
0x27a: {  	v30 =	vld [tilespmem:s22+$0x1E2A0];
	v0 =	vadd.f32 v3, v0  }
0x27b: {  	v3 =	vld.idx.msk [tilespmem:v28+s2+$0x0], $0xffff  }
0x27c: {  	v31 =	vld [tilespmem:s22+$0x1E3A0];
	v0 =	vadd.f32 v2, v0  }
0x27d: {  	v2 =	vld.idx.msk [tilespmem:v29+s2+$0x0], $0xffff  }
0x27e: {  	v32 =	vld [tilespmem:s22+$0x1E4A0];
	v0 =	vadd.f32 v1, v0  }
0x27f: {  	v1 =	vld.idx.msk [tilespmem:v5+s2+$0x0], $0xffff  }
0x280: {  	v5 =	vld [tilespmem:s22+$0x1E5A0];
	v0 =	vadd.f32 v3, v0  }
0x281: {  	v3 =	vld.idx.msk [tilespmem:v4+s2+$0x0], $0xffff  }
0x282: {  	v4 =	vld [tilespmem:s22+$0x1E6A0];
	v0 =	vadd.f32 v2, v0  }
0x283: {  	v2 =	vld.idx.msk [tilespmem:v30+s2+$0x0], $0xffff  }
0x284: {  	v33 =	vld [tilespmem:s22+$0x1E7A0];
	v0 =	vadd.f32 v1, v0  }
0x285: {  	v1 =	vld.idx.msk [tilespmem:v31+s2+$0x0], $0xffff  }
0x286: {  	v34 =	vld [tilespmem:s22+$0x1E8A0];
	v0 =	vadd.f32 v3, v0  }
0x287: {  	v3 =	vld.idx.msk [tilespmem:v32+s2+$0x0], $0xffff  }
0x288: {  	v35 =	vld [tilespmem:s22+$0x1E9A0];
	v0 =	vadd.f32 v2, v0  }
0x289: {  	v2 =	vld.idx.msk [tilespmem:v5+s2+$0x0], $0xffff  }
0x28a: {  	v0 =	vadd.f32 v1, v0  }
0x28b: {  	v1 =	vld.idx.msk [tilespmem:v4+s2+$0x0], $0xffff  }
0x28c: {  	v0 =	vadd.f32 v3, v0  }
0x28d: {  	v3 =	vld.idx.msk [tilespmem:v33+s2+$0x0], $0xffff  }
0x28e: {  	v0 =	vadd.f32 v2, v0  }
0x28f: {  	v2 =	vld.idx.msk [tilespmem:v34+s2+$0x0], $0xffff  }
0x290: {  	v0 =	vadd.f32 v1, v0  }
0x291: {  	v1 =	vld.idx.msk [tilespmem:v35+s2+$0x0], $0xffff  }
0x292: {  	v0 =	vadd.f32 v3, v0;
	_ =	sdelay $0x1  }
0x293: {  	v0 =	vadd.f32 v2, v0;
	_ =	sdelay $0x1  }
0x294: {  	v0 =	vadd.f32 v1, v0;
	_ =	sdelay $0x1  }
0x295: {  	v0 =	vmul.f32 $1.999999960e-02, v0;
	_ =	sdelay $0x1  }
0x296: {  	[tilespmem:s22+$0x1EBA0] =	vst v0  }
0x297: {  	[tilespmem:s13], [sflag:$0x3] =	stream.strided.gather [hbm4b:s7+s10], $0x3200, s11, s10, $0x38;
	[tilespmem:$0x1EEA0] =	vst v63  }
0x298: {  	_ =	swait.ge [sflag:s15], $0x3200  }
0x299: {  	[sflag:s15] =	ssyncset.done $0x0  }
0x29a: {  	s20 =	simm.s32 $0x0;
	[sflag:s15] =	ssyncadd.s32 $0xFFFFCE00  }
0x29b: {  	v0 =	vld [tilespmem:s20+$0x187A0]  }
0x29c: {  	v1 =	vld [tilespmem:s20+$0x186A0];
	_ =	sdelay $0x1  }
0x29d: {  	v2 =	vld [tilespmem:s20+$0x188A0];
	_ =	sdelay $0x1  }
0x29e: {  	v3 =	vld [tilespmem:s20+$0x189A0]  }
0x29f: {  	v4 =	vld [tilespmem:s20+$0x18BA0]  }
0x2a0: {  	v5 =	vld [tilespmem:s20+$0x18AA0]  }
0x2a1: {  	v0 =	vld.idx.msk [tilespmem:v0+s2+$0x0], $0xffff  }
0x2a2: {  	v1 =	vld.idx.msk [tilespmem:v1+s2+$0x0], $0xffff  }
0x2a3: {  	v36 =	vld [tilespmem:s20+$0x18CA0]  }
0x2a4: {  	v2 =	vld.idx.msk [tilespmem:v2+s2+$0x0], $0xffff  }
0x2a5: {  	v37 =	vld [tilespmem:s20+$0x18DA0]  }
0x2a6: {  	v3 =	vld.idx.msk [tilespmem:v3+s2+$0x0], $0xffff  }
0x2a7: {  	v38 =	vld [tilespmem:s20+$0x18EA0];
	v0 =	vadd.f32 v0, v1  }
0x2a8: {  	v1 =	vld.idx.msk [tilespmem:v5+s2+$0x0], $0xffff  }
0x2a9: {  	v5 =	vld [tilespmem:s20+$0x18FA0];
	v0 =	vadd.f32 v2, v0  }
0x2aa: {  	v2 =	vld.idx.msk [tilespmem:v4+s2+$0x0], $0xffff  }
0x2ab: {  	v4 =	vld [tilespmem:s20+$0x190A0];
	v0 =	vadd.f32 v3, v0  }
0x2ac: {  	v3 =	vld.idx.msk [tilespmem:v36+s2+$0x0], $0xffff  }
0x2ad: {  	v39 =	vld [tilespmem:s20+$0x191A0];
	v0 =	vadd.f32 v1, v0  }
0x2ae: {  	v1 =	vld.idx.msk [tilespmem:v37+s2+$0x0], $0xffff  }
0x2af: {  	v40 =	vld [tilespmem:s20+$0x192A0];
	v0 =	vadd.f32 v2, v0  }
0x2b0: {  	v2 =	vld.idx.msk [tilespmem:v38+s2+$0x0], $0xffff  }
0x2b1: {  	v41 =	vld [tilespmem:s20+$0x193A0];
	v0 =	vadd.f32 v3, v0  }
0x2b2: {  	v3 =	vld.idx.msk [tilespmem:v5+s2+$0x0], $0xffff  }
0x2b3: {  	v5 =	vld [tilespmem:s20+$0x194A0];
	v0 =	vadd.f32 v1, v0  }
0x2b4: {  	v1 =	vld.idx.msk [tilespmem:v4+s2+$0x0], $0xffff  }
0x2b5: {  	v4 =	vld [tilespmem:s20+$0x195A0];
	v0 =	vadd.f32 v2, v0  }
0x2b6: {  	v2 =	vld.idx.msk [tilespmem:v39+s2+$0x0], $0xffff  }
0x2b7: {  	v42 =	vld [tilespmem:s20+$0x196A0];
	v0 =	vadd.f32 v3, v0  }
0x2b8: {  	v3 =	vld.idx.msk [tilespmem:v40+s2+$0x0], $0xffff  }
0x2b9: {  	v43 =	vld [tilespmem:s20+$0x197A0];
	v0 =	vadd.f32 v1, v0  }
0x2ba: {  	v1 =	vld.idx.msk [tilespmem:v41+s2+$0x0], $0xffff  }
0x2bb: {  	v44 =	vld [tilespmem:s20+$0x198A0];
	v0 =	vadd.f32 v2, v0  }
0x2bc: {  	v2 =	vld.idx.msk [tilespmem:v5+s2+$0x0], $0xffff  }
0x2bd: {  	v5 =	vld [tilespmem:s20+$0x199A0];
	v0 =	vadd.f32 v3, v0  }
0x2be: {  	v3 =	vld.idx.msk [tilespmem:v4+s2+$0x0], $0xffff  }
0x2bf: {  	v4 =	vld [tilespmem:s20+$0x19AA0];
	v0 =	vadd.f32 v1, v0  }
0x2c0: {  	v1 =	vld.idx.msk [tilespmem:v42+s2+$0x0], $0xffff  }
0x2c1: {  	v45 =	vld [tilespmem:s20+$0x19BA0];
	v0 =	vadd.f32 v2, v0  }
0x2c2: {  	v2 =	vld.idx.msk [tilespmem:v43+s2+$0x0], $0xffff  }
0x2c3: {  	v46 =	vld [tilespmem:s20+$0x19CA0];
	v0 =	vadd.f32 v3, v0  }
0x2c4: {  	v3 =	vld.idx.msk [tilespmem:v44+s2+$0x0], $0xffff  }
0x2c5: {  	v47 =	vld [tilespmem:s20+$0x19DA0];
	v0 =	vadd.f32 v1, v0  }
0x2c6: {  	v1 =	vld.idx.msk [tilespmem:v5+s2+$0x0], $0xffff  }
0x2c7: {  	v5 =	vld [tilespmem:s20+$0x19EA0];
	v0 =	vadd.f32 v2, v0  }
0x2c8: {  	v2 =	vld.idx.msk [tilespmem:v4+s2+$0x0], $0xffff  }
0x2c9: {  	v4 =	vld [tilespmem:s20+$0x19FA0];
	v0 =	vadd.f32 v3, v0  }
0x2ca: {  	v3 =	vld.idx.msk [tilespmem:v45+s2+$0x0], $0xffff  }
0x2cb: {  	v48 =	vld [tilespmem:s20+$0x1A0A0];
	v0 =	vadd.f32 v1, v0  }
0x2cc: {  	v1 =	vld.idx.msk [tilespmem:v46+s2+$0x0], $0xffff  }
0x2cd: {  	v49 =	vld [tilespmem:s20+$0x1A1A0];
	v0 =	vadd.f32 v2, v0  }
0x2ce: {  	v2 =	vld.idx.msk [tilespmem:v47+s2+$0x0], $0xffff  }
0x2cf: {  	v50 =	vld [tilespmem:s20+$0x1A2A0];
	v0 =	vadd.f32 v3, v0  }
0x2d0: {  	v3 =	vld.idx.msk [tilespmem:v5+s2+$0x0], $0xffff  }
0x2d1: {  	v5 =	vld [tilespmem:s20+$0x1A3A0];
	v0 =	vadd.f32 v1, v0  }
0x2d2: {  	v1 =	vld.idx.msk [tilespmem:v4+s2+$0x0], $0xffff  }
0x2d3: {  	v4 =	vld [tilespmem:s20+$0x1A4A0];
	v0 =	vadd.f32 v2, v0  }
0x2d4: {  	v2 =	vld.idx.msk [tilespmem:v48+s2+$0x0], $0xffff  }
0x2d5: {  	v51 =	vld [tilespmem:s20+$0x1A5A0];
	v0 =	vadd.f32 v3, v0  }
0x2d6: {  	v3 =	vld.idx.msk [tilespmem:v49+s2+$0x0], $0xffff  }
0x2d7: {  	v52 =	vld [tilespmem:s20+$0x1A6A0];
	v0 =	vadd.f32 v1, v0  }
0x2d8: {  	v1 =	vld.idx.msk [tilespmem:v50+s2+$0x0], $0xffff  }
0x2d9: {  	v53 =	vld [tilespmem:s20+$0x1A7A0];
	v0 =	vadd.f32 v2, v0  }
0x2da: {  	v2 =	vld.idx.msk [tilespmem:v5+s2+$0x0], $0xffff  }
0x2db: {  	v5 =	vld [tilespmem:s20+$0x1A8A0];
	v0 =	vadd.f32 v3, v0  }
0x2dc: {  	v3 =	vld.idx.msk [tilespmem:v4+s2+$0x0], $0xffff  }
0x2dd: {  	v4 =	vld [tilespmem:s20+$0x1A9A0];
	v0 =	vadd.f32 v1, v0  }
0x2de: {  	v1 =	vld.idx.msk [tilespmem:v51+s2+$0x0], $0xffff  }
0x2df: {  	v54 =	vld [tilespmem:s20+$0x1AAA0];
	v0 =	vadd.f32 v2, v0  }
0x2e0: {  	v2 =	vld.idx.msk [tilespmem:v52+s2+$0x0], $0xffff  }
0x2e1: {  	v55 =	vld [tilespmem:s20+$0x1ABA0];
	v0 =	vadd.f32 v3, v0  }
0x2e2: {  	v3 =	vld.idx.msk [tilespmem:v53+s2+$0x0], $0xffff  }
0x2e3: {  	v56 =	vld [tilespmem:s20+$0x1ACA0];
	v0 =	vadd.f32 v1, v0  }
0x2e4: {  	v1 =	vld.idx.msk [tilespmem:v5+s2+$0x0], $0xffff  }
0x2e5: {  	v5 =	vld [tilespmem:s20+$0x1ADA0];
	v0 =	vadd.f32 v2, v0  }
0x2e6: {  	v2 =	vld.idx.msk [tilespmem:v4+s2+$0x0], $0xffff  }
0x2e7: {  	v4 =	vld [tilespmem:s20+$0x1AEA0];
	v0 =	vadd.f32 v3, v0  }
0x2e8: {  	v3 =	vld.idx.msk [tilespmem:v54+s2+$0x0], $0xffff  }
0x2e9: {  	v57 =	vld [tilespmem:s20+$0x1AFA0];
	v0 =	vadd.f32 v1, v0  }
0x2ea: {  	v1 =	vld.idx.msk [tilespmem:v55+s2+$0x0], $0xffff  }
0x2eb: {  	v58 =	vld [tilespmem:s20+$0x1B0A0];
	v0 =	vadd.f32 v2, v0  }
0x2ec: {  	v2 =	vld.idx.msk [tilespmem:v56+s2+$0x0], $0xffff  }
0x2ed: {  	v59 =	vld [tilespmem:s20+$0x1B1A0];
	v0 =	vadd.f32 v3, v0  }
0x2ee: {  	v3 =	vld.idx.msk [tilespmem:v5+s2+$0x0], $0xffff  }
0x2ef: {  	v5 =	vld [tilespmem:s20+$0x1B2A0];
	v0 =	vadd.f32 v1, v0  }
0x2f0: {  	v1 =	vld.idx.msk [tilespmem:v4+s2+$0x0], $0xffff  }
0x2f1: {  	v4 =	vld [tilespmem:s20+$0x1B3A0];
	v0 =	vadd.f32 v2, v0  }
0x2f2: {  	v2 =	vld.idx.msk [tilespmem:v57+s2+$0x0], $0xffff  }
0x2f3: {  	v60 =	vld [tilespmem:s20+$0x1B4A0];
	v0 =	vadd.f32 v3, v0  }
0x2f4: {  	v3 =	vld.idx.msk [tilespmem:v58+s2+$0x0], $0xffff  }
0x2f5: {  	v61 =	vld [tilespmem:s20+$0x1B5A0];
	v0 =	vadd.f32 v1, v0  }
0x2f6: {  	v1 =	vld.idx.msk [tilespmem:v59+s2+$0x0], $0xffff  }
0x2f7: {  	v62 =	vld [tilespmem:s20+$0x1B6A0];
	v0 =	vadd.f32 v2, v0  }
0x2f8: {  	v2 =	vld.idx.msk [tilespmem:v5+s2+$0x0], $0xffff  }
0x2f9: {  	v5 =	vld [tilespmem:s20+$0x1B7A0];
	v0 =	vadd.f32 v3, v0  }
0x2fa: {  	v3 =	vld.idx.msk [tilespmem:v4+s2+$0x0], $0xffff  }
0x2fb: {  	v0 =	vadd.f32 v1, v0  }
0x2fc: {  	v4 =	vld.idx.msk [tilespmem:v60+s2+$0x0], $0xffff  }
0x2fd: {  	v0 =	vadd.f32 v2, v0  }
0x2fe: {  	v63 =	vld.idx.msk [tilespmem:v61+s2+$0x0], $0xffff  }
0x2ff: {  	v0 =	vadd.f32 v3, v0  }
0x300: {  	v1 =	vld.idx.msk [tilespmem:v62+s2+$0x0], $0xffff  }
0x301: {  	v0 =	vadd.f32 v4, v0  }
0x302: {  	v2 =	vld.idx.msk [tilespmem:v5+s2+$0x0], $0xffff  }
0x303: {  	s22 =	simm.s32 $0x10;
	v3 =	vadd.f32 v63, v0  }
0x304: {  	s21 =	simm.s32 $0x80;
	v0 =	vld [tilespmem:s22+$0x187A0]  }
.LBB2_6:
0x305: {  	p0 =	sne.s32 s21, $0x3C0;
	v4 =	vld [tilespmem:s22+$0x186A0];
	v1 =	vadd.f32 v1, v3;
	_ =	sdelay $0x1  }
0x306: {  	v3 =	vld [tilespmem:s22+$0x188A0];
	v1 =	vadd.f32 v2, v1;
	_ =	sdelay $0x1  }
0x307: {  	v2 =	vld [tilespmem:s22+$0x189A0];
	v1 =	vmul.f32 $1.999999960e-02, v1  }
0x308: {  	v5 =	vld [tilespmem:s22+$0x18BA0]  }
0x309: {  	v6 =	vld [tilespmem:s22+$0x18AA0];
	[tilespmem:s20+$0x1ECA0] =	vst v1;
	s20 =	smov.u32 s22  }
0x30a: {  	v0 =	vld.idx.msk [tilespmem:v0+s2+$0x0], $0xffff  }
0x30b: {  	v1 =	vld.idx.msk [tilespmem:v4+s2+$0x0], $0xffff  }
0x30c: {  	v4 =	vld [tilespmem:s20+$0x18CA0]  }
0x30d: {  	v3 =	vld.idx.msk [tilespmem:v3+s2+$0x0], $0xffff  }
0x30e: {  	v7 =	vld [tilespmem:s20+$0x18DA0]  }
0x30f: {  	v2 =	vld.idx.msk [tilespmem:v2+s2+$0x0], $0xffff  }
0x310: {  	v8 =	vld [tilespmem:s20+$0x18EA0]  }
0x311: {  	v0 =	vadd.f32 v0, v1;
	v1 =	vld.idx.msk [tilespmem:v6+s2+$0x0], $0xffff  }
0x312: {  	v6 =	vld [tilespmem:s20+$0x18FA0]  }
0x313: {  	v0 =	vadd.f32 v3, v0;
	v3 =	vld.idx.msk [tilespmem:v5+s2+$0x0], $0xffff  }
0x314: {  	v5 =	vld [tilespmem:s20+$0x190A0]  }
0x315: {  	v0 =	vadd.f32 v2, v0;
	v2 =	vld.idx.msk [tilespmem:v4+s2+$0x0], $0xffff  }
0x316: {  	v4 =	vld [tilespmem:s20+$0x191A0]  }
0x317: {  	v0 =	vadd.f32 v1, v0;
	v1 =	vld.idx.msk [tilespmem:v7+s2+$0x0], $0xffff  }
0x318: {  	v7 =	vld [tilespmem:s20+$0x192A0]  }
0x319: {  	v0 =	vadd.f32 v3, v0;
	v3 =	vld.idx.msk [tilespmem:v8+s2+$0x0], $0xffff  }
0x31a: {  	v8 =	vld [tilespmem:s20+$0x193A0]  }
0x31b: {  	v0 =	vadd.f32 v2, v0;
	v2 =	vld.idx.msk [tilespmem:v6+s2+$0x0], $0xffff  }
0x31c: {  	v6 =	vld [tilespmem:s20+$0x194A0]  }
0x31d: {  	v0 =	vadd.f32 v1, v0;
	v1 =	vld.idx.msk [tilespmem:v5+s2+$0x0], $0xffff  }
0x31e: {  	v5 =	vld [tilespmem:s20+$0x195A0]  }
0x31f: {  	v0 =	vadd.f32 v3, v0;
	v3 =	vld.idx.msk [tilespmem:v4+s2+$0x0], $0xffff  }
0x320: {  	v4 =	vld [tilespmem:s20+$0x196A0]  }
0x321: {  	v0 =	vadd.f32 v2, v0;
	v2 =	vld.idx.msk [tilespmem:v7+s2+$0x0], $0xffff  }
0x322: {  	v7 =	vld [tilespmem:s20+$0x197A0]  }
0x323: {  	v0 =	vadd.f32 v1, v0;
	v1 =	vld.idx.msk [tilespmem:v8+s2+$0x0], $0xffff  }
0x324: {  	v8 =	vld [tilespmem:s20+$0x198A0]  }
0x325: {  	v0 =	vadd.f32 v3, v0;
	v3 =	vld.idx.msk [tilespmem:v6+s2+$0x0], $0xffff  }
0x326: {  	v6 =	vld [tilespmem:s20+$0x199A0]  }
0x327: {  	v0 =	vadd.f32 v2, v0;
	v2 =	vld.idx.msk [tilespmem:v5+s2+$0x0], $0xffff  }
0x328: {  	v5 =	vld [tilespmem:s20+$0x19AA0]  }
0x329: {  	v0 =	vadd.f32 v1, v0;
	v1 =	vld.idx.msk [tilespmem:v4+s2+$0x0], $0xffff  }
0x32a: {  	v4 =	vld [tilespmem:s20+$0x19BA0]  }
0x32b: {  	v0 =	vadd.f32 v3, v0;
	v3 =	vld.idx.msk [tilespmem:v7+s2+$0x0], $0xffff  }
0x32c: {  	v7 =	vld [tilespmem:s20+$0x19CA0]  }
0x32d: {  	v0 =	vadd.f32 v2, v0;
	v2 =	vld.idx.msk [tilespmem:v8+s2+$0x0], $0xffff  }
0x32e: {  	v8 =	vld [tilespmem:s20+$0x19DA0]  }
0x32f: {  	v0 =	vadd.f32 v1, v0;
	v1 =	vld.idx.msk [tilespmem:v6+s2+$0x0], $0xffff  }
0x330: {  	v6 =	vld [tilespmem:s20+$0x19EA0]  }
0x331: {  	v0 =	vadd.f32 v3, v0;
	v3 =	vld.idx.msk [tilespmem:v5+s2+$0x0], $0xffff  }
0x332: {  	v5 =	vld [tilespmem:s20+$0x19FA0]  }
0x333: {  	v0 =	vadd.f32 v2, v0;
	v2 =	vld.idx.msk [tilespmem:v4+s2+$0x0], $0xffff  }
0x334: {  	v4 =	vld [tilespmem:s20+$0x1A0A0]  }
0x335: {  	v0 =	vadd.f32 v1, v0;
	v1 =	vld.idx.msk [tilespmem:v7+s2+$0x0], $0xffff  }
0x336: {  	v7 =	vld [tilespmem:s20+$0x1A1A0]  }
0x337: {  	v0 =	vadd.f32 v3, v0;
	v3 =	vld.idx.msk [tilespmem:v8+s2+$0x0], $0xffff  }
0x338: {  	v8 =	vld [tilespmem:s20+$0x1A2A0]  }
0x339: {  	v0 =	vadd.f32 v2, v0;
	v2 =	vld.idx.msk [tilespmem:v6+s2+$0x0], $0xffff  }
0x33a: {  	v6 =	vld [tilespmem:s20+$0x1A3A0]  }
0x33b: {  	v0 =	vadd.f32 v1, v0;
	v1 =	vld.idx.msk [tilespmem:v5+s2+$0x0], $0xffff  }
0x33c: {  	v5 =	vld [tilespmem:s20+$0x1A4A0]  }
0x33d: {  	v0 =	vadd.f32 v3, v0;
	v3 =	vld.idx.msk [tilespmem:v4+s2+$0x0], $0xffff  }
0x33e: {  	v4 =	vld [tilespmem:s20+$0x1A5A0]  }
0x33f: {  	v0 =	vadd.f32 v2, v0;
	v2 =	vld.idx.msk [tilespmem:v7+s2+$0x0], $0xffff  }
0x340: {  	v7 =	vld [tilespmem:s20+$0x1A6A0]  }
0x341: {  	v0 =	vadd.f32 v1, v0;
	v1 =	vld.idx.msk [tilespmem:v8+s2+$0x0], $0xffff  }
0x342: {  	v8 =	vld [tilespmem:s20+$0x1A7A0]  }
0x343: {  	v0 =	vadd.f32 v3, v0;
	v3 =	vld.idx.msk [tilespmem:v6+s2+$0x0], $0xffff  }
0x344: {  	v6 =	vld [tilespmem:s20+$0x1A8A0]  }
0x345: {  	v0 =	vadd.f32 v2, v0;
	v2 =	vld.idx.msk [tilespmem:v5+s2+$0x0], $0xffff  }
0x346: {  	v5 =	vld [tilespmem:s20+$0x1A9A0]  }
0x347: {  	v0 =	vadd.f32 v1, v0;
	v1 =	vld.idx.msk [tilespmem:v4+s2+$0x0], $0xffff  }
0x348: {  	v4 =	vld [tilespmem:s20+$0x1AAA0]  }
0x349: {  	v0 =	vadd.f32 v3, v0;
	v3 =	vld.idx.msk [tilespmem:v7+s2+$0x0], $0xffff  }
0x34a: {  	v7 =	vld [tilespmem:s20+$0x1ABA0]  }
0x34b: {  	v0 =	vadd.f32 v2, v0;
	v2 =	vld.idx.msk [tilespmem:v8+s2+$0x0], $0xffff  }
0x34c: {  	v8 =	vld [tilespmem:s20+$0x1ACA0]  }
0x34d: {  	v0 =	vadd.f32 v1, v0;
	v1 =	vld.idx.msk [tilespmem:v6+s2+$0x0], $0xffff  }
0x34e: {  	v6 =	vld [tilespmem:s20+$0x1ADA0]  }
0x34f: {  	v0 =	vadd.f32 v3, v0;
	v3 =	vld.idx.msk [tilespmem:v5+s2+$0x0], $0xffff  }
0x350: {  	v5 =	vld [tilespmem:s20+$0x1AEA0]  }
0x351: {  	v0 =	vadd.f32 v2, v0;
	v2 =	vld.idx.msk [tilespmem:v4+s2+$0x0], $0xffff  }
0x352: {  	v4 =	vld [tilespmem:s20+$0x1AFA0]  }
0x353: {  	v0 =	vadd.f32 v1, v0;
	v1 =	vld.idx.msk [tilespmem:v7+s2+$0x0], $0xffff  }
0x354: {  	v7 =	vld [tilespmem:s20+$0x1B0A0]  }
0x355: {  	v0 =	vadd.f32 v3, v0;
	v3 =	vld.idx.msk [tilespmem:v8+s2+$0x0], $0xffff  }
0x356: {  	v8 =	vld [tilespmem:s20+$0x1B1A0]  }
0x357: {  	v0 =	vadd.f32 v2, v0;
	v2 =	vld.idx.msk [tilespmem:v6+s2+$0x0], $0xffff  }
0x358: {  	v6 =	vld [tilespmem:s20+$0x1B2A0]  }
0x359: {  	v0 =	vadd.f32 v1, v0;
	v1 =	vld.idx.msk [tilespmem:v5+s2+$0x0], $0xffff  }
0x35a: {  	v5 =	vld [tilespmem:s20+$0x1B3A0]  }
0x35b: {  	v0 =	vadd.f32 v3, v0;
	v3 =	vld.idx.msk [tilespmem:v4+s2+$0x0], $0xffff  }
0x35c: {  	v4 =	vld [tilespmem:s20+$0x1B4A0]  }
0x35d: {  	v0 =	vadd.f32 v2, v0;
	v2 =	vld.idx.msk [tilespmem:v7+s2+$0x0], $0xffff  }
0x35e: {  	v7 =	vld [tilespmem:s20+$0x1B5A0]  }
0x35f: {  	v0 =	vadd.f32 v1, v0;
	v1 =	vld.idx.msk [tilespmem:v8+s2+$0x0], $0xffff  }
0x360: {  	v8 =	vld [tilespmem:s20+$0x1B6A0]  }
0x361: {  	v0 =	vadd.f32 v3, v0;
	v3 =	vld.idx.msk [tilespmem:v6+s2+$0x0], $0xffff  }
0x362: {  	v6 =	vld [tilespmem:s20+$0x1B7A0]  }
0x363: {  	v0 =	vadd.f32 v2, v0;
	v2 =	vld.idx.msk [tilespmem:v5+s2+$0x0], $0xffff;
	_ =	sdelay $0x1  }
0x364: {  	v0 =	vadd.f32 v1, v0;
	v4 =	vld.idx.msk [tilespmem:v4+s2+$0x0], $0xffff;
	_ =	sdelay $0x1  }
0x365: {  	v0 =	vadd.f32 v3, v0;
	v3 =	vld.idx.msk [tilespmem:v7+s2+$0x0], $0xffff;
	_ =	sdelay $0x1  }
0x366: {  	v0 =	vadd.f32 v2, v0;
	v1 =	vld.idx.msk [tilespmem:v8+s2+$0x0], $0xffff  }
.Ltmp2:
0x367: {  	(pc) =	sbr.rel @p0 .LBB2_6-.Ltmp2, $3  }
0x368: {  	v0 =	vadd.f32 v4, v0;
	v2 =	vld.idx.msk [tilespmem:v6+s2+$0x0], $0xffff;
	_ =	sdelay $0x1  }
0x369: {  	s22 =	sshra.s32 s21, $0x2;
	v3 =	vadd.f32 v3, v0  }
0x36a: {  	s21 =	sadd.s32 $0x40, s21;
	v0 =	vld [tilespmem:s22+$0x187A0]  }
0x36b: {  	_ = 	snop  }
0x36c: {  	v4 =	vld [tilespmem:s22+$0x186A0];
	v1 =	vadd.f32 v1, v3;
	_ =	sdelay $0x1  }
0x36d: {  	v3 =	vld [tilespmem:s22+$0x188A0];
	v1 =	vadd.f32 v2, v1;
	_ =	sdelay $0x1  }
0x36e: {  	v2 =	vld [tilespmem:s22+$0x189A0];
	v1 =	vmul.f32 $1.999999960e-02, v1  }
0x36f: {  	v5 =	vld [tilespmem:s22+$0x18BA0]  }
0x370: {  	v6 =	vld [tilespmem:s22+$0x18AA0];
	[tilespmem:s20+$0x1ECA0] =	vst v1  }
0x371: {  	v0 =	vld.idx.msk [tilespmem:v0+s2+$0x0], $0xffff  }
0x372: {  	v1 =	vld.idx.msk [tilespmem:v4+s2+$0x0], $0xffff  }
0x373: {  	v4 =	vld [tilespmem:s22+$0x18CA0]  }
0x374: {  	v3 =	vld.idx.msk [tilespmem:v3+s2+$0x0], $0xffff  }
0x375: {  	v7 =	vld [tilespmem:s22+$0x18DA0]  }
0x376: {  	v2 =	vld.idx.msk [tilespmem:v2+s2+$0x0], $0xffff  }
0x377: {  	v8 =	vld [tilespmem:s22+$0x18EA0];
	v0 =	vadd.f32 v0, v1  }
0x378: {  	v1 =	vld.idx.msk [tilespmem:v6+s2+$0x0], $0xffff  }
0x379: {  	v63 =	vld [tilespmem:s22+$0x18FA0];
	v0 =	vadd.f32 v3, v0  }
0x37a: {  	v3 =	vld.idx.msk [tilespmem:v5+s2+$0x0], $0xffff  }
0x37b: {  	v5 =	vld [tilespmem:s22+$0x190A0];
	v0 =	vadd.f32 v2, v0  }
0x37c: {  	v2 =	vld.idx.msk [tilespmem:v4+s2+$0x0], $0xffff  }
0x37d: {  	v4 =	vld [tilespmem:s22+$0x191A0];
	v0 =	vadd.f32 v1, v0  }
0x37e: {  	v1 =	vld.idx.msk [tilespmem:v7+s2+$0x0], $0xffff  }
0x37f: {  	v12 =	vld [tilespmem:s22+$0x192A0];
	v0 =	vadd.f32 v3, v0  }
0x380: {  	v3 =	vld.idx.msk [tilespmem:v8+s2+$0x0], $0xffff  }
0x381: {  	v13 =	vld [tilespmem:s22+$0x193A0];
	v0 =	vadd.f32 v2, v0  }
0x382: {  	v2 =	vld.idx.msk [tilespmem:v63+s2+$0x0], $0xffff  }
0x383: {  	v14 =	vld [tilespmem:s22+$0x194A0];
	v0 =	vadd.f32 v1, v0  }
0x384: {  	v1 =	vld.idx.msk [tilespmem:v5+s2+$0x0], $0xffff  }
0x385: {  	v5 =	vld [tilespmem:s22+$0x195A0];
	v0 =	vadd.f32 v3, v0  }
0x386: {  	v3 =	vld.idx.msk [tilespmem:v4+s2+$0x0], $0xffff  }
0x387: {  	v4 =	vld [tilespmem:s22+$0x196A0];
	v0 =	vadd.f32 v2, v0  }
0x388: {  	v2 =	vld.idx.msk [tilespmem:v12+s2+$0x0], $0xffff  }
0x389: {  	v15 =	vld [tilespmem:s22+$0x197A0];
	v0 =	vadd.f32 v1, v0  }
0x38a: {  	v1 =	vld.idx.msk [tilespmem:v13+s2+$0x0], $0xffff  }
0x38b: {  	v16 =	vld [tilespmem:s22+$0x198A0];
	v0 =	vadd.f32 v3, v0  }
0x38c: {  	v3 =	vld.idx.msk [tilespmem:v14+s2+$0x0], $0xffff  }
0x38d: {  	v17 =	vld [tilespmem:s22+$0x199A0];
	v0 =	vadd.f32 v2, v0  }
0x38e: {  	v2 =	vld.idx.msk [tilespmem:v5+s2+$0x0], $0xffff  }
0x38f: {  	v5 =	vld [tilespmem:s22+$0x19AA0];
	v0 =	vadd.f32 v1, v0  }
0x390: {  	v1 =	vld.idx.msk [tilespmem:v4+s2+$0x0], $0xffff  }
0x391: {  	v4 =	vld [tilespmem:s22+$0x19BA0];
	v0 =	vadd.f32 v3, v0  }
0x392: {  	v3 =	vld.idx.msk [tilespmem:v15+s2+$0x0], $0xffff  }
0x393: {  	v18 =	vld [tilespmem:s22+$0x19CA0];
	v0 =	vadd.f32 v2, v0  }
0x394: {  	v2 =	vld.idx.msk [tilespmem:v16+s2+$0x0], $0xffff  }
0x395: {  	v19 =	vld [tilespmem:s22+$0x19DA0];
	v0 =	vadd.f32 v1, v0  }
0x396: {  	v1 =	vld.idx.msk [tilespmem:v17+s2+$0x0], $0xffff  }
0x397: {  	v20 =	vld [tilespmem:s22+$0x19EA0];
	v0 =	vadd.f32 v3, v0  }
0x398: {  	v3 =	vld.idx.msk [tilespmem:v5+s2+$0x0], $0xffff  }
0x399: {  	v5 =	vld [tilespmem:s22+$0x19FA0];
	v0 =	vadd.f32 v2, v0  }
0x39a: {  	v2 =	vld.idx.msk [tilespmem:v4+s2+$0x0], $0xffff  }
0x39b: {  	v4 =	vld [tilespmem:s22+$0x1A0A0];
	v0 =	vadd.f32 v1, v0  }
0x39c: {  	v1 =	vld.idx.msk [tilespmem:v18+s2+$0x0], $0xffff  }
0x39d: {  	v21 =	vld [tilespmem:s22+$0x1A1A0];
	v0 =	vadd.f32 v3, v0  }
0x39e: {  	v3 =	vld.idx.msk [tilespmem:v19+s2+$0x0], $0xffff  }
0x39f: {  	v22 =	vld [tilespmem:s22+$0x1A2A0];
	v0 =	vadd.f32 v2, v0  }
0x3a0: {  	v2 =	vld.idx.msk [tilespmem:v20+s2+$0x0], $0xffff  }
0x3a1: {  	v23 =	vld [tilespmem:s22+$0x1A3A0];
	v0 =	vadd.f32 v1, v0  }
0x3a2: {  	v1 =	vld.idx.msk [tilespmem:v5+s2+$0x0], $0xffff  }
0x3a3: {  	v5 =	vld [tilespmem:s22+$0x1A4A0];
	v0 =	vadd.f32 v3, v0  }
0x3a4: {  	v3 =	vld.idx.msk [tilespmem:v4+s2+$0x0], $0xffff  }
0x3a5: {  	v4 =	vld [tilespmem:s22+$0x1A5A0];
	v0 =	vadd.f32 v2, v0  }
0x3a6: {  	v2 =	vld.idx.msk [tilespmem:v21+s2+$0x0], $0xffff  }
0x3a7: {  	v24 =	vld [tilespmem:s22+$0x1A6A0];
	v0 =	vadd.f32 v1, v0  }
0x3a8: {  	v1 =	vld.idx.msk [tilespmem:v22+s2+$0x0], $0xffff  }
0x3a9: {  	v25 =	vld [tilespmem:s22+$0x1A7A0];
	v0 =	vadd.f32 v3, v0  }
0x3aa: {  	v3 =	vld.idx.msk [tilespmem:v23+s2+$0x0], $0xffff  }
0x3ab: {  	v26 =	vld [tilespmem:s22+$0x1A8A0];
	v0 =	vadd.f32 v2, v0  }
0x3ac: {  	v2 =	vld.idx.msk [tilespmem:v5+s2+$0x0], $0xffff  }
0x3ad: {  	v5 =	vld [tilespmem:s22+$0x1A9A0];
	v0 =	vadd.f32 v1, v0  }
0x3ae: {  	v1 =	vld.idx.msk [tilespmem:v4+s2+$0x0], $0xffff  }
0x3af: {  	v4 =	vld [tilespmem:s22+$0x1AAA0];
	v0 =	vadd.f32 v3, v0  }
0x3b0: {  	v3 =	vld.idx.msk [tilespmem:v24+s2+$0x0], $0xffff  }
0x3b1: {  	v27 =	vld [tilespmem:s22+$0x1ABA0];
	v0 =	vadd.f32 v2, v0  }
0x3b2: {  	v2 =	vld.idx.msk [tilespmem:v25+s2+$0x0], $0xffff  }
0x3b3: {  	v28 =	vld [tilespmem:s22+$0x1ACA0];
	v0 =	vadd.f32 v1, v0  }
0x3b4: {  	v1 =	vld.idx.msk [tilespmem:v26+s2+$0x0], $0xffff  }
0x3b5: {  	v29 =	vld [tilespmem:s22+$0x1ADA0];
	v0 =	vadd.f32 v3, v0  }
0x3b6: {  	v3 =	vld.idx.msk [tilespmem:v5+s2+$0x0], $0xffff  }
0x3b7: {  	v5 =	vld [tilespmem:s22+$0x1AEA0];
	v0 =	vadd.f32 v2, v0  }
0x3b8: {  	v2 =	vld.idx.msk [tilespmem:v4+s2+$0x0], $0xffff  }
0x3b9: {  	v4 =	vld [tilespmem:s22+$0x1AFA0];
	v0 =	vadd.f32 v1, v0  }
0x3ba: {  	v1 =	vld.idx.msk [tilespmem:v27+s2+$0x0], $0xffff  }
0x3bb: {  	v30 =	vld [tilespmem:s22+$0x1B0A0];
	v0 =	vadd.f32 v3, v0  }
0x3bc: {  	v3 =	vld.idx.msk [tilespmem:v28+s2+$0x0], $0xffff  }
0x3bd: {  	v31 =	vld [tilespmem:s22+$0x1B1A0];
	v0 =	vadd.f32 v2, v0  }
0x3be: {  	v2 =	vld.idx.msk [tilespmem:v29+s2+$0x0], $0xffff  }
0x3bf: {  	v32 =	vld [tilespmem:s22+$0x1B2A0];
	v0 =	vadd.f32 v1, v0  }
0x3c0: {  	v1 =	vld.idx.msk [tilespmem:v5+s2+$0x0], $0xffff  }
0x3c1: {  	v5 =	vld [tilespmem:s22+$0x1B3A0];
	v0 =	vadd.f32 v3, v0  }
0x3c2: {  	v3 =	vld.idx.msk [tilespmem:v4+s2+$0x0], $0xffff  }
0x3c3: {  	v4 =	vld [tilespmem:s22+$0x1B4A0];
	v0 =	vadd.f32 v2, v0  }
0x3c4: {  	v2 =	vld.idx.msk [tilespmem:v30+s2+$0x0], $0xffff  }
0x3c5: {  	v33 =	vld [tilespmem:s22+$0x1B5A0];
	v0 =	vadd.f32 v1, v0  }
0x3c6: {  	v1 =	vld.idx.msk [tilespmem:v31+s2+$0x0], $0xffff  }
0x3c7: {  	v34 =	vld [tilespmem:s22+$0x1B6A0];
	v0 =	vadd.f32 v3, v0  }
0x3c8: {  	v3 =	vld.idx.msk [tilespmem:v32+s2+$0x0], $0xffff  }
0x3c9: {  	v35 =	vld [tilespmem:s22+$0x1B7A0];
	v0 =	vadd.f32 v2, v0  }
0x3ca: {  	v2 =	vld.idx.msk [tilespmem:v5+s2+$0x0], $0xffff  }
0x3cb: {  	v0 =	vadd.f32 v1, v0  }
0x3cc: {  	v1 =	vld.idx.msk [tilespmem:v4+s2+$0x0], $0xffff  }
0x3cd: {  	v0 =	vadd.f32 v3, v0  }
0x3ce: {  	v3 =	vld.idx.msk [tilespmem:v33+s2+$0x0], $0xffff  }
0x3cf: {  	v0 =	vadd.f32 v2, v0  }
0x3d0: {  	v2 =	vld.idx.msk [tilespmem:v34+s2+$0x0], $0xffff  }
0x3d1: {  	v0 =	vadd.f32 v1, v0  }
0x3d2: {  	v1 =	vld.idx.msk [tilespmem:v35+s2+$0x0], $0xffff  }
0x3d3: {  	v0 =	vadd.f32 v3, v0;
	_ =	sdelay $0x1  }
0x3d4: {  	v0 =	vadd.f32 v2, v0;
	_ =	sdelay $0x1  }
0x3d5: {  	v0 =	vadd.f32 v1, v0;
	_ =	sdelay $0x1  }
0x3d6: {  	v0 =	vmul.f32 $1.999999960e-02, v0;
	_ =	sdelay $0x1  }
0x3d7: {  	[tilespmem:s22+$0x1ECA0] =	vst v0  }
0x3d8: {  	_ =	swait.ge [sflag:s16], $0x3200  }
0x3d9: {  	[sflag:s16] =	ssyncset.done $0x0  }
0x3da: {  	s20 =	simm.s32 $0x0;
	[sflag:s16] =	ssyncadd.s32 $0xFFFFCE00  }
0x3db: {  	v0 =	vld [tilespmem:s20+$0x1B9A0]  }
0x3dc: {  	v1 =	vld [tilespmem:s20+$0x1B8A0];
	_ =	sdelay $0x1  }
0x3dd: {  	v2 =	vld [tilespmem:s20+$0x1BAA0];
	_ =	sdelay $0x1  }
0x3de: {  	v3 =	vld [tilespmem:s20+$0x1BBA0]  }
0x3df: {  	v4 =	vld [tilespmem:s20+$0x1BDA0]  }
0x3e0: {  	v5 =	vld [tilespmem:s20+$0x1BCA0]  }
0x3e1: {  	v0 =	vld.idx.msk [tilespmem:v0+s2+$0x0], $0xffff  }
0x3e2: {  	v1 =	vld.idx.msk [tilespmem:v1+s2+$0x0], $0xffff  }
0x3e3: {  	v36 =	vld [tilespmem:s20+$0x1BEA0]  }
0x3e4: {  	v2 =	vld.idx.msk [tilespmem:v2+s2+$0x0], $0xffff  }
0x3e5: {  	v37 =	vld [tilespmem:s20+$0x1BFA0]  }
0x3e6: {  	v3 =	vld.idx.msk [tilespmem:v3+s2+$0x0], $0xffff  }
0x3e7: {  	v38 =	vld [tilespmem:s20+$0x1C0A0];
	v0 =	vadd.f32 v0, v1  }
0x3e8: {  	v1 =	vld.idx.msk [tilespmem:v5+s2+$0x0], $0xffff  }
0x3e9: {  	v5 =	vld [tilespmem:s20+$0x1C1A0];
	v0 =	vadd.f32 v2, v0  }
0x3ea: {  	v2 =	vld.idx.msk [tilespmem:v4+s2+$0x0], $0xffff  }
0x3eb: {  	v4 =	vld [tilespmem:s20+$0x1C2A0];
	v0 =	vadd.f32 v3, v0  }
0x3ec: {  	v3 =	vld.idx.msk [tilespmem:v36+s2+$0x0], $0xffff  }
0x3ed: {  	v39 =	vld [tilespmem:s20+$0x1C3A0];
	v0 =	vadd.f32 v1, v0  }
0x3ee: {  	v1 =	vld.idx.msk [tilespmem:v37+s2+$0x0], $0xffff  }
0x3ef: {  	v40 =	vld [tilespmem:s20+$0x1C4A0];
	v0 =	vadd.f32 v2, v0  }
0x3f0: {  	v2 =	vld.idx.msk [tilespmem:v38+s2+$0x0], $0xffff  }
0x3f1: {  	v41 =	vld [tilespmem:s20+$0x1C5A0];
	v0 =	vadd.f32 v3, v0  }
0x3f2: {  	v3 =	vld.idx.msk [tilespmem:v5+s2+$0x0], $0xffff  }
0x3f3: {  	v5 =	vld [tilespmem:s20+$0x1C6A0];
	v0 =	vadd.f32 v1, v0  }
0x3f4: {  	v1 =	vld.idx.msk [tilespmem:v4+s2+$0x0], $0xffff  }
0x3f5: {  	v4 =	vld [tilespmem:s20+$0x1C7A0];
	v0 =	vadd.f32 v2, v0  }
0x3f6: {  	v2 =	vld.idx.msk [tilespmem:v39+s2+$0x0], $0xffff  }
0x3f7: {  	v42 =	vld [tilespmem:s20+$0x1C8A0];
	v0 =	vadd.f32 v3, v0  }
0x3f8: {  	v3 =	vld.idx.msk [tilespmem:v40+s2+$0x0], $0xffff  }
0x3f9: {  	v43 =	vld [tilespmem:s20+$0x1C9A0];
	v0 =	vadd.f32 v1, v0  }
0x3fa: {  	v1 =	vld.idx.msk [tilespmem:v41+s2+$0x0], $0xffff  }
0x3fb: {  	v44 =	vld [tilespmem:s20+$0x1CAA0];
	v0 =	vadd.f32 v2, v0  }
0x3fc: {  	v2 =	vld.idx.msk [tilespmem:v5+s2+$0x0], $0xffff  }
0x3fd: {  	v5 =	vld [tilespmem:s20+$0x1CBA0];
	v0 =	vadd.f32 v3, v0  }
0x3fe: {  	v3 =	vld.idx.msk [tilespmem:v4+s2+$0x0], $0xffff  }
0x3ff: {  	v4 =	vld [tilespmem:s20+$0x1CCA0];
	v0 =	vadd.f32 v1, v0  }
0x400: {  	v1 =	vld.idx.msk [tilespmem:v42+s2+$0x0], $0xffff  }
0x401: {  	v45 =	vld [tilespmem:s20+$0x1CDA0];
	v0 =	vadd.f32 v2, v0  }
0x402: {  	v2 =	vld.idx.msk [tilespmem:v43+s2+$0x0], $0xffff  }
0x403: {  	v46 =	vld [tilespmem:s20+$0x1CEA0];
	v0 =	vadd.f32 v3, v0  }
0x404: {  	v3 =	vld.idx.msk [tilespmem:v44+s2+$0x0], $0xffff  }
0x405: {  	v47 =	vld [tilespmem:s20+$0x1CFA0];
	v0 =	vadd.f32 v1, v0  }
0x406: {  	v1 =	vld.idx.msk [tilespmem:v5+s2+$0x0], $0xffff  }
0x407: {  	v5 =	vld [tilespmem:s20+$0x1D0A0];
	v0 =	vadd.f32 v2, v0  }
0x408: {  	v2 =	vld.idx.msk [tilespmem:v4+s2+$0x0], $0xffff  }
0x409: {  	v4 =	vld [tilespmem:s20+$0x1D1A0];
	v0 =	vadd.f32 v3, v0  }
0x40a: {  	v3 =	vld.idx.msk [tilespmem:v45+s2+$0x0], $0xffff  }
0x40b: {  	v48 =	vld [tilespmem:s20+$0x1D2A0];
	v0 =	vadd.f32 v1, v0  }
0x40c: {  	v1 =	vld.idx.msk [tilespmem:v46+s2+$0x0], $0xffff  }
0x40d: {  	v49 =	vld [tilespmem:s20+$0x1D3A0];
	v0 =	vadd.f32 v2, v0  }
0x40e: {  	v2 =	vld.idx.msk [tilespmem:v47+s2+$0x0], $0xffff  }
0x40f: {  	v50 =	vld [tilespmem:s20+$0x1D4A0];
	v0 =	vadd.f32 v3, v0  }
0x410: {  	v3 =	vld.idx.msk [tilespmem:v5+s2+$0x0], $0xffff  }
0x411: {  	v5 =	vld [tilespmem:s20+$0x1D5A0];
	v0 =	vadd.f32 v1, v0  }
0x412: {  	v1 =	vld.idx.msk [tilespmem:v4+s2+$0x0], $0xffff  }
0x413: {  	v4 =	vld [tilespmem:s20+$0x1D6A0];
	v0 =	vadd.f32 v2, v0  }
0x414: {  	v2 =	vld.idx.msk [tilespmem:v48+s2+$0x0], $0xffff  }
0x415: {  	v51 =	vld [tilespmem:s20+$0x1D7A0];
	v0 =	vadd.f32 v3, v0  }
0x416: {  	v3 =	vld.idx.msk [tilespmem:v49+s2+$0x0], $0xffff  }
0x417: {  	v52 =	vld [tilespmem:s20+$0x1D8A0];
	v0 =	vadd.f32 v1, v0  }
0x418: {  	v1 =	vld.idx.msk [tilespmem:v50+s2+$0x0], $0xffff  }
0x419: {  	v53 =	vld [tilespmem:s20+$0x1D9A0];
	v0 =	vadd.f32 v2, v0  }
0x41a: {  	v2 =	vld.idx.msk [tilespmem:v5+s2+$0x0], $0xffff  }
0x41b: {  	v5 =	vld [tilespmem:s20+$0x1DAA0];
	v0 =	vadd.f32 v3, v0  }
0x41c: {  	v3 =	vld.idx.msk [tilespmem:v4+s2+$0x0], $0xffff  }
0x41d: {  	v4 =	vld [tilespmem:s20+$0x1DBA0];
	v0 =	vadd.f32 v1, v0  }
0x41e: {  	v1 =	vld.idx.msk [tilespmem:v51+s2+$0x0], $0xffff  }
0x41f: {  	v54 =	vld [tilespmem:s20+$0x1DCA0];
	v0 =	vadd.f32 v2, v0  }
0x420: {  	v2 =	vld.idx.msk [tilespmem:v52+s2+$0x0], $0xffff  }
0x421: {  	v55 =	vld [tilespmem:s20+$0x1DDA0];
	v0 =	vadd.f32 v3, v0  }
0x422: {  	v3 =	vld.idx.msk [tilespmem:v53+s2+$0x0], $0xffff  }
0x423: {  	v56 =	vld [tilespmem:s20+$0x1DEA0];
	v0 =	vadd.f32 v1, v0  }
0x424: {  	v1 =	vld.idx.msk [tilespmem:v5+s2+$0x0], $0xffff  }
0x425: {  	v5 =	vld [tilespmem:s20+$0x1DFA0];
	v0 =	vadd.f32 v2, v0  }
0x426: {  	v2 =	vld.idx.msk [tilespmem:v4+s2+$0x0], $0xffff  }
0x427: {  	v4 =	vld [tilespmem:s20+$0x1E0A0];
	v0 =	vadd.f32 v3, v0  }
0x428: {  	v3 =	vld.idx.msk [tilespmem:v54+s2+$0x0], $0xffff  }
0x429: {  	v57 =	vld [tilespmem:s20+$0x1E1A0];
	v0 =	vadd.f32 v1, v0  }
0x42a: {  	v1 =	vld.idx.msk [tilespmem:v55+s2+$0x0], $0xffff  }
0x42b: {  	v58 =	vld [tilespmem:s20+$0x1E2A0];
	v0 =	vadd.f32 v2, v0  }
0x42c: {  	v2 =	vld.idx.msk [tilespmem:v56+s2+$0x0], $0xffff  }
0x42d: {  	v59 =	vld [tilespmem:s20+$0x1E3A0];
	v0 =	vadd.f32 v3, v0  }
0x42e: {  	v3 =	vld.idx.msk [tilespmem:v5+s2+$0x0], $0xffff  }
0x42f: {  	v5 =	vld [tilespmem:s20+$0x1E4A0];
	v0 =	vadd.f32 v1, v0  }
0x430: {  	v1 =	vld.idx.msk [tilespmem:v4+s2+$0x0], $0xffff  }
0x431: {  	v4 =	vld [tilespmem:s20+$0x1E5A0];
	v0 =	vadd.f32 v2, v0  }
0x432: {  	v2 =	vld.idx.msk [tilespmem:v57+s2+$0x0], $0xffff  }
0x433: {  	v60 =	vld [tilespmem:s20+$0x1E6A0];
	v0 =	vadd.f32 v3, v0  }
0x434: {  	v3 =	vld.idx.msk [tilespmem:v58+s2+$0x0], $0xffff  }
0x435: {  	v61 =	vld [tilespmem:s20+$0x1E7A0];
	v0 =	vadd.f32 v1, v0  }
0x436: {  	v1 =	vld.idx.msk [tilespmem:v59+s2+$0x0], $0xffff  }
0x437: {  	v62 =	vld [tilespmem:s20+$0x1E8A0];
	v0 =	vadd.f32 v2, v0  }
0x438: {  	v2 =	vld.idx.msk [tilespmem:v5+s2+$0x0], $0xffff  }
0x439: {  	v5 =	vld [tilespmem:s20+$0x1E9A0];
	v0 =	vadd.f32 v3, v0  }
0x43a: {  	v3 =	vld.idx.msk [tilespmem:v4+s2+$0x0], $0xffff  }
0x43b: {  	v0 =	vadd.f32 v1, v0  }
0x43c: {  	v4 =	vld.idx.msk [tilespmem:v60+s2+$0x0], $0xffff  }
0x43d: {  	v0 =	vadd.f32 v2, v0  }
0x43e: {  	v63 =	vld.idx.msk [tilespmem:v61+s2+$0x0], $0xffff  }
0x43f: {  	v0 =	vadd.f32 v3, v0  }
0x440: {  	v1 =	vld.idx.msk [tilespmem:v62+s2+$0x0], $0xffff  }
0x441: {  	v0 =	vadd.f32 v4, v0  }
0x442: {  	v2 =	vld.idx.msk [tilespmem:v5+s2+$0x0], $0xffff  }
0x443: {  	s22 =	simm.s32 $0x10;
	v3 =	vadd.f32 v63, v0  }
0x444: {  	s21 =	simm.s32 $0x80;
	v0 =	vld [tilespmem:s22+$0x1B9A0]  }
.LBB2_8:
0x445: {  	p0 =	sne.s32 s21, $0x3C0;
	v4 =	vld [tilespmem:s22+$0x1B8A0];
	v1 =	vadd.f32 v1, v3;
	_ =	sdelay $0x1  }
0x446: {  	v3 =	vld [tilespmem:s22+$0x1BAA0];
	v1 =	vadd.f32 v2, v1;
	_ =	sdelay $0x1  }
0x447: {  	v2 =	vld [tilespmem:s22+$0x1BBA0];
	v1 =	vmul.f32 $1.999999960e-02, v1  }
0x448: {  	v5 =	vld [tilespmem:s22+$0x1BDA0]  }
0x449: {  	v6 =	vld [tilespmem:s22+$0x1BCA0];
	[tilespmem:s20+$0x1EDA0] =	vst v1;
	s20 =	smov.u32 s22  }
0x44a: {  	v0 =	vld.idx.msk [tilespmem:v0+s2+$0x0], $0xffff  }
0x44b: {  	v1 =	vld.idx.msk [tilespmem:v4+s2+$0x0], $0xffff  }
0x44c: {  	v4 =	vld [tilespmem:s20+$0x1BEA0]  }
0x44d: {  	v3 =	vld.idx.msk [tilespmem:v3+s2+$0x0], $0xffff  }
0x44e: {  	v7 =	vld [tilespmem:s20+$0x1BFA0]  }
0x44f: {  	v2 =	vld.idx.msk [tilespmem:v2+s2+$0x0], $0xffff  }
0x450: {  	v8 =	vld [tilespmem:s20+$0x1C0A0]  }
0x451: {  	v0 =	vadd.f32 v0, v1;
	v1 =	vld.idx.msk [tilespmem:v6+s2+$0x0], $0xffff  }
0x452: {  	v6 =	vld [tilespmem:s20+$0x1C1A0]  }
0x453: {  	v0 =	vadd.f32 v3, v0;
	v3 =	vld.idx.msk [tilespmem:v5+s2+$0x0], $0xffff  }
0x454: {  	v5 =	vld [tilespmem:s20+$0x1C2A0]  }
0x455: {  	v0 =	vadd.f32 v2, v0;
	v2 =	vld.idx.msk [tilespmem:v4+s2+$0x0], $0xffff  }
0x456: {  	v4 =	vld [tilespmem:s20+$0x1C3A0]  }
0x457: {  	v0 =	vadd.f32 v1, v0;
	v1 =	vld.idx.msk [tilespmem:v7+s2+$0x0], $0xffff  }
0x458: {  	v7 =	vld [tilespmem:s20+$0x1C4A0]  }
0x459: {  	v0 =	vadd.f32 v3, v0;
	v3 =	vld.idx.msk [tilespmem:v8+s2+$0x0], $0xffff  }
0x45a: {  	v8 =	vld [tilespmem:s20+$0x1C5A0]  }
0x45b: {  	v0 =	vadd.f32 v2, v0;
	v2 =	vld.idx.msk [tilespmem:v6+s2+$0x0], $0xffff  }
0x45c: {  	v6 =	vld [tilespmem:s20+$0x1C6A0]  }
0x45d: {  	v0 =	vadd.f32 v1, v0;
	v1 =	vld.idx.msk [tilespmem:v5+s2+$0x0], $0xffff  }
0x45e: {  	v5 =	vld [tilespmem:s20+$0x1C7A0]  }
0x45f: {  	v0 =	vadd.f32 v3, v0;
	v3 =	vld.idx.msk [tilespmem:v4+s2+$0x0], $0xffff  }
0x460: {  	v4 =	vld [tilespmem:s20+$0x1C8A0]  }
0x461: {  	v0 =	vadd.f32 v2, v0;
	v2 =	vld.idx.msk [tilespmem:v7+s2+$0x0], $0xffff  }
0x462: {  	v7 =	vld [tilespmem:s20+$0x1C9A0]  }
0x463: {  	v0 =	vadd.f32 v1, v0;
	v1 =	vld.idx.msk [tilespmem:v8+s2+$0x0], $0xffff  }
0x464: {  	v8 =	vld [tilespmem:s20+$0x1CAA0]  }
0x465: {  	v0 =	vadd.f32 v3, v0;
	v3 =	vld.idx.msk [tilespmem:v6+s2+$0x0], $0xffff  }
0x466: {  	v6 =	vld [tilespmem:s20+$0x1CBA0]  }
0x467: {  	v0 =	vadd.f32 v2, v0;
	v2 =	vld.idx.msk [tilespmem:v5+s2+$0x0], $0xffff  }
0x468: {  	v5 =	vld [tilespmem:s20+$0x1CCA0]  }
0x469: {  	v0 =	vadd.f32 v1, v0;
	v1 =	vld.idx.msk [tilespmem:v4+s2+$0x0], $0xffff  }
0x46a: {  	v4 =	vld [tilespmem:s20+$0x1CDA0]  }
0x46b: {  	v0 =	vadd.f32 v3, v0;
	v3 =	vld.idx.msk [tilespmem:v7+s2+$0x0], $0xffff  }
0x46c: {  	v7 =	vld [tilespmem:s20+$0x1CEA0]  }
0x46d: {  	v0 =	vadd.f32 v2, v0;
	v2 =	vld.idx.msk [tilespmem:v8+s2+$0x0], $0xffff  }
0x46e: {  	v8 =	vld [tilespmem:s20+$0x1CFA0]  }
0x46f: {  	v0 =	vadd.f32 v1, v0;
	v1 =	vld.idx.msk [tilespmem:v6+s2+$0x0], $0xffff  }
0x470: {  	v6 =	vld [tilespmem:s20+$0x1D0A0]  }
0x471: {  	v0 =	vadd.f32 v3, v0;
	v3 =	vld.idx.msk [tilespmem:v5+s2+$0x0], $0xffff  }
0x472: {  	v5 =	vld [tilespmem:s20+$0x1D1A0]  }
0x473: {  	v0 =	vadd.f32 v2, v0;
	v2 =	vld.idx.msk [tilespmem:v4+s2+$0x0], $0xffff  }
0x474: {  	v4 =	vld [tilespmem:s20+$0x1D2A0]  }
0x475: {  	v0 =	vadd.f32 v1, v0;
	v1 =	vld.idx.msk [tilespmem:v7+s2+$0x0], $0xffff  }
0x476: {  	v7 =	vld [tilespmem:s20+$0x1D3A0]  }
0x477: {  	v0 =	vadd.f32 v3, v0;
	v3 =	vld.idx.msk [tilespmem:v8+s2+$0x0], $0xffff  }
0x478: {  	v8 =	vld [tilespmem:s20+$0x1D4A0]  }
0x479: {  	v0 =	vadd.f32 v2, v0;
	v2 =	vld.idx.msk [tilespmem:v6+s2+$0x0], $0xffff  }
0x47a: {  	v6 =	vld [tilespmem:s20+$0x1D5A0]  }
0x47b: {  	v0 =	vadd.f32 v1, v0;
	v1 =	vld.idx.msk [tilespmem:v5+s2+$0x0], $0xffff  }
0x47c: {  	v5 =	vld [tilespmem:s20+$0x1D6A0]  }
0x47d: {  	v0 =	vadd.f32 v3, v0;
	v3 =	vld.idx.msk [tilespmem:v4+s2+$0x0], $0xffff  }
0x47e: {  	v4 =	vld [tilespmem:s20+$0x1D7A0]  }
0x47f: {  	v0 =	vadd.f32 v2, v0;
	v2 =	vld.idx.msk [tilespmem:v7+s2+$0x0], $0xffff  }
0x480: {  	v7 =	vld [tilespmem:s20+$0x1D8A0]  }
0x481: {  	v0 =	vadd.f32 v1, v0;
	v1 =	vld.idx.msk [tilespmem:v8+s2+$0x0], $0xffff  }
0x482: {  	v8 =	vld [tilespmem:s20+$0x1D9A0]  }
0x483: {  	v0 =	vadd.f32 v3, v0;
	v3 =	vld.idx.msk [tilespmem:v6+s2+$0x0], $0xffff  }
0x484: {  	v6 =	vld [tilespmem:s20+$0x1DAA0]  }
0x485: {  	v0 =	vadd.f32 v2, v0;
	v2 =	vld.idx.msk [tilespmem:v5+s2+$0x0], $0xffff  }
0x486: {  	v5 =	vld [tilespmem:s20+$0x1DBA0]  }
0x487: {  	v0 =	vadd.f32 v1, v0;
	v1 =	vld.idx.msk [tilespmem:v4+s2+$0x0], $0xffff  }
0x488: {  	v4 =	vld [tilespmem:s20+$0x1DCA0]  }
0x489: {  	v0 =	vadd.f32 v3, v0;
	v3 =	vld.idx.msk [tilespmem:v7+s2+$0x0], $0xffff  }
0x48a: {  	v7 =	vld [tilespmem:s20+$0x1DDA0]  }
0x48b: {  	v0 =	vadd.f32 v2, v0;
	v2 =	vld.idx.msk [tilespmem:v8+s2+$0x0], $0xffff  }
0x48c: {  	v8 =	vld [tilespmem:s20+$0x1DEA0]  }
0x48d: {  	v0 =	vadd.f32 v1, v0;
	v1 =	vld.idx.msk [tilespmem:v6+s2+$0x0], $0xffff  }
0x48e: {  	v6 =	vld [tilespmem:s20+$0x1DFA0]  }
0x48f: {  	v0 =	vadd.f32 v3, v0;
	v3 =	vld.idx.msk [tilespmem:v5+s2+$0x0], $0xffff  }
0x490: {  	v5 =	vld [tilespmem:s20+$0x1E0A0]  }
0x491: {  	v0 =	vadd.f32 v2, v0;
	v2 =	vld.idx.msk [tilespmem:v4+s2+$0x0], $0xffff  }
0x492: {  	v4 =	vld [tilespmem:s20+$0x1E1A0]  }
0x493: {  	v0 =	vadd.f32 v1, v0;
	v1 =	vld.idx.msk [tilespmem:v7+s2+$0x0], $0xffff  }
0x494: {  	v7 =	vld [tilespmem:s20+$0x1E2A0]  }
0x495: {  	v0 =	vadd.f32 v3, v0;
	v3 =	vld.idx.msk [tilespmem:v8+s2+$0x0], $0xffff  }
0x496: {  	v8 =	vld [tilespmem:s20+$0x1E3A0]  }
0x497: {  	v0 =	vadd.f32 v2, v0;
	v2 =	vld.idx.msk [tilespmem:v6+s2+$0x0], $0xffff  }
0x498: {  	v6 =	vld [tilespmem:s20+$0x1E4A0]  }
0x499: {  	v0 =	vadd.f32 v1, v0;
	v1 =	vld.idx.msk [tilespmem:v5+s2+$0x0], $0xffff  }
0x49a: {  	v5 =	vld [tilespmem:s20+$0x1E5A0]  }
0x49b: {  	v0 =	vadd.f32 v3, v0;
	v3 =	vld.idx.msk [tilespmem:v4+s2+$0x0], $0xffff  }
0x49c: {  	v4 =	vld [tilespmem:s20+$0x1E6A0]  }
0x49d: {  	v0 =	vadd.f32 v2, v0;
	v2 =	vld.idx.msk [tilespmem:v7+s2+$0x0], $0xffff  }
0x49e: {  	v7 =	vld [tilespmem:s20+$0x1E7A0]  }
0x49f: {  	v0 =	vadd.f32 v1, v0;
	v1 =	vld.idx.msk [tilespmem:v8+s2+$0x0], $0xffff  }
0x4a0: {  	v8 =	vld [tilespmem:s20+$0x1E8A0]  }
0x4a1: {  	v0 =	vadd.f32 v3, v0;
	v3 =	vld.idx.msk [tilespmem:v6+s2+$0x0], $0xffff  }
0x4a2: {  	v6 =	vld [tilespmem:s20+$0x1E9A0]  }
0x4a3: {  	v0 =	vadd.f32 v2, v0;
	v2 =	vld.idx.msk [tilespmem:v5+s2+$0x0], $0xffff;
	_ =	sdelay $0x1  }
0x4a4: {  	v0 =	vadd.f32 v1, v0;
	v4 =	vld.idx.msk [tilespmem:v4+s2+$0x0], $0xffff;
	_ =	sdelay $0x1  }
0x4a5: {  	v0 =	vadd.f32 v3, v0;
	v3 =	vld.idx.msk [tilespmem:v7+s2+$0x0], $0xffff;
	_ =	sdelay $0x1  }
0x4a6: {  	v0 =	vadd.f32 v2, v0;
	v1 =	vld.idx.msk [tilespmem:v8+s2+$0x0], $0xffff  }
.Ltmp3:
0x4a7: {  	(pc) =	sbr.rel @p0 .LBB2_8-.Ltmp3, $3  }
0x4a8: {  	v0 =	vadd.f32 v4, v0;
	v2 =	vld.idx.msk [tilespmem:v6+s2+$0x0], $0xffff;
	_ =	sdelay $0x1  }
0x4a9: {  	s22 =	sshra.s32 s21, $0x2;
	v3 =	vadd.f32 v3, v0  }
0x4aa: {  	s21 =	sadd.s32 $0x40, s21;
	v0 =	vld [tilespmem:s22+$0x1B9A0]  }
0x4ab: {  	_ = 	snop  }
0x4ac: {  	v4 =	vld [tilespmem:s22+$0x1B8A0];
	v1 =	vadd.f32 v1, v3;
	_ =	sdelay $0x1  }
0x4ad: {  	v26 =	vld [tilespmem:s22+$0x1BAA0];
	v1 =	vadd.f32 v2, v1;
	_ =	sdelay $0x1  }
0x4ae: {  	v27 =	vld [tilespmem:s22+$0x1BBA0];
	v1 =	vmul.f32 $1.999999960e-02, v1  }
0x4af: {  	v5 =	vld [tilespmem:s22+$0x1BDA0]  }
0x4b0: {  	v6 =	vld [tilespmem:s22+$0x1BCA0];
	[tilespmem:s20+$0x1EDA0] =	vst v1  }
0x4b1: {  	v0 =	vld.idx.msk [tilespmem:v0+s2+$0x0], $0xffff  }
0x4b2: {  	v1 =	vld.idx.msk [tilespmem:v4+s2+$0x0], $0xffff  }
0x4b3: {  	v28 =	vld [tilespmem:s22+$0x1BEA0]  }
0x4b4: {  	v3 =	vld.idx.msk [tilespmem:v26+s2+$0x0], $0xffff  }
0x4b5: {  	v7 =	vld [tilespmem:s22+$0x1BFA0]  }
0x4b6: {  	v2 =	vld.idx.msk [tilespmem:v27+s2+$0x0], $0xffff  }
0x4b7: {  	v8 =	vld [tilespmem:s22+$0x1C0A0];
	v0 =	vadd.f32 v0, v1  }
0x4b8: {  	v29 =	vld.idx.msk [tilespmem:v6+s2+$0x0], $0xffff  }
0x4b9: {  	v30 =	vld [tilespmem:s22+$0x1C1A0];
	v0 =	vadd.f32 v3, v0  }
0x4ba: {  	v31 =	vld.idx.msk [tilespmem:v5+s2+$0x0], $0xffff  }
0x4bb: {  	v32 =	vld [tilespmem:s22+$0x1C2A0];
	v0 =	vadd.f32 v2, v0  }
0x4bc: {  	v33 =	vld.idx.msk [tilespmem:v28+s2+$0x0], $0xffff  }
0x4bd: {  	v34 =	vld [tilespmem:s22+$0x1C3A0];
	v0 =	vadd.f32 v29, v0  }
0x4be: {  	v35 =	vld.idx.msk [tilespmem:v7+s2+$0x0], $0xffff  }
0x4bf: {  	v36 =	vld [tilespmem:s22+$0x1C4A0];
	v0 =	vadd.f32 v31, v0  }
0x4c0: {  	v37 =	vld.idx.msk [tilespmem:v8+s2+$0x0], $0xffff  }
0x4c1: {  	v38 =	vld [tilespmem:s22+$0x1C5A0];
	v0 =	vadd.f32 v33, v0  }
0x4c2: {  	v39 =	vld.idx.msk [tilespmem:v30+s2+$0x0], $0xffff  }
0x4c3: {  	v40 =	vld [tilespmem:s22+$0x1C6A0];
	v0 =	vadd.f32 v35, v0  }
0x4c4: {  	v41 =	vld.idx.msk [tilespmem:v32+s2+$0x0], $0xffff  }
0x4c5: {  	v42 =	vld [tilespmem:s22+$0x1C7A0];
	v0 =	vadd.f32 v37, v0  }
0x4c6: {  	v43 =	vld.idx.msk [tilespmem:v34+s2+$0x0], $0xffff  }
0x4c7: {  	v44 =	vld [tilespmem:s22+$0x1C8A0];
	v0 =	vadd.f32 v39, v0  }
0x4c8: {  	v45 =	vld.idx.msk [tilespmem:v36+s2+$0x0], $0xffff  }
0x4c9: {  	v46 =	vld [tilespmem:s22+$0x1C9A0];
	v0 =	vadd.f32 v41, v0  }
0x4ca: {  	v47 =	vld.idx.msk [tilespmem:v38+s2+$0x0], $0xffff  }
0x4cb: {  	v48 =	vld [tilespmem:s22+$0x1CAA0];
	v0 =	vadd.f32 v43, v0  }
0x4cc: {  	v49 =	vld.idx.msk [tilespmem:v40+s2+$0x0], $0xffff  }
0x4cd: {  	v50 =	vld [tilespmem:s22+$0x1CBA0];
	v0 =	vadd.f32 v45, v0  }
0x4ce: {  	v51 =	vld.idx.msk [tilespmem:v42+s2+$0x0], $0xffff  }
0x4cf: {  	v52 =	vld [tilespmem:s22+$0x1CCA0];
	v0 =	vadd.f32 v47, v0  }
0x4d0: {  	v53 =	vld.idx.msk [tilespmem:v44+s2+$0x0], $0xffff  }
0x4d1: {  	v54 =	vld [tilespmem:s22+$0x1CDA0];
	v0 =	vadd.f32 v49, v0  }
0x4d2: {  	v55 =	vld.idx.msk [tilespmem:v46+s2+$0x0], $0xffff  }
0x4d3: {  	v56 =	vld [tilespmem:s22+$0x1CEA0];
	v0 =	vadd.f32 v51, v0  }
0x4d4: {  	v57 =	vld.idx.msk [tilespmem:v48+s2+$0x0], $0xffff  }
0x4d5: {  	v58 =	vld [tilespmem:s22+$0x1CFA0];
	v0 =	vadd.f32 v53, v0  }
0x4d6: {  	v59 =	vld.idx.msk [tilespmem:v50+s2+$0x0], $0xffff  }
0x4d7: {  	v60 =	vld [tilespmem:s22+$0x1D0A0];
	v0 =	vadd.f32 v55, v0  }
0x4d8: {  	v61 =	vld.idx.msk [tilespmem:v52+s2+$0x0], $0xffff  }
0x4d9: {  	v62 =	vld [tilespmem:s22+$0x1D1A0];
	v0 =	vadd.f32 v57, v0  }
0x4da: {  	v63 =	vld.idx.msk [tilespmem:v54+s2+$0x0], $0xffff  }
0x4db: {  	v12 =	vld [tilespmem:s22+$0x1D2A0];
	v0 =	vadd.f32 v59, v0  }
0x4dc: {  	v13 =	vld.idx.msk [tilespmem:v56+s2+$0x0], $0xffff  }
0x4dd: {  	v14 =	vld [tilespmem:s22+$0x1D3A0];
	v0 =	vadd.f32 v61, v0  }
0x4de: {  	v15 =	vld.idx.msk [tilespmem:v58+s2+$0x0], $0xffff  }
0x4df: {  	v16 =	vld [tilespmem:s22+$0x1D4A0];
	v0 =	vadd.f32 v63, v0  }
0x4e0: {  	v17 =	vld.idx.msk [tilespmem:v60+s2+$0x0], $0xffff  }
0x4e1: {  	v18 =	vld [tilespmem:s22+$0x1D5A0];
	v0 =	vadd.f32 v13, v0  }
0x4e2: {  	v19 =	vld.idx.msk [tilespmem:v62+s2+$0x0], $0xffff  }
0x4e3: {  	v20 =	vld [tilespmem:s22+$0x1D6A0];
	v0 =	vadd.f32 v15, v0  }
0x4e4: {  	v21 =	vld.idx.msk [tilespmem:v12+s2+$0x0], $0xffff  }
0x4e5: {  	v22 =	vld [tilespmem:s22+$0x1D7A0];
	v0 =	vadd.f32 v17, v0  }
0x4e6: {  	v23 =	vld.idx.msk [tilespmem:v14+s2+$0x0], $0xffff  }
0x4e7: {  	v24 =	vld [tilespmem:s22+$0x1D8A0];
	v0 =	vadd.f32 v19, v0  }
0x4e8: {  	v25 =	vld.idx.msk [tilespmem:v16+s2+$0x0], $0xffff  }
0x4e9: {  	v26 =	vld [tilespmem:s22+$0x1D9A0];
	v0 =	vadd.f32 v21, v0  }
0x4ea: {  	v27 =	vld.idx.msk [tilespmem:v18+s2+$0x0], $0xffff  }
0x4eb: {  	v28 =	vld [tilespmem:s22+$0x1DAA0];
	v0 =	vadd.f32 v23, v0  }
0x4ec: {  	v29 =	vld.idx.msk [tilespmem:v20+s2+$0x0], $0xffff  }
0x4ed: {  	v30 =	vld [tilespmem:s22+$0x1DBA0];
	v0 =	vadd.f32 v25, v0  }
0x4ee: {  	v31 =	vld.idx.msk [tilespmem:v22+s2+$0x0], $0xffff  }
0x4ef: {  	v32 =	vld [tilespmem:s22+$0x1DCA0];
	v0 =	vadd.f32 v27, v0  }
0x4f0: {  	v33 =	vld.idx.msk [tilespmem:v24+s2+$0x0], $0xffff  }
0x4f1: {  	v34 =	vld [tilespmem:s22+$0x1DDA0];
	v0 =	vadd.f32 v29, v0  }
0x4f2: {  	v35 =	vld.idx.msk [tilespmem:v26+s2+$0x0], $0xffff  }
0x4f3: {  	v36 =	vld [tilespmem:s22+$0x1DEA0];
	v0 =	vadd.f32 v31, v0  }
0x4f4: {  	v37 =	vld.idx.msk [tilespmem:v28+s2+$0x0], $0xffff  }
0x4f5: {  	v38 =	vld [tilespmem:s22+$0x1DFA0];
	v0 =	vadd.f32 v33, v0  }
0x4f6: {  	v39 =	vld.idx.msk [tilespmem:v30+s2+$0x0], $0xffff  }
0x4f7: {  	v40 =	vld [tilespmem:s22+$0x1E0A0];
	v0 =	vadd.f32 v35, v0  }
0x4f8: {  	v41 =	vld.idx.msk [tilespmem:v32+s2+$0x0], $0xffff  }
0x4f9: {  	v42 =	vld [tilespmem:s22+$0x1E1A0];
	v0 =	vadd.f32 v37, v0  }
0x4fa: {  	v43 =	vld.idx.msk [tilespmem:v34+s2+$0x0], $0xffff  }
0x4fb: {  	v44 =	vld [tilespmem:s22+$0x1E2A0];
	v0 =	vadd.f32 v39, v0  }
0x4fc: {  	v45 =	vld.idx.msk [tilespmem:v36+s2+$0x0], $0xffff  }
0x4fd: {  	v46 =	vld [tilespmem:s22+$0x1E3A0];
	v0 =	vadd.f32 v41, v0  }
0x4fe: {  	v47 =	vld.idx.msk [tilespmem:v38+s2+$0x0], $0xffff  }
0x4ff: {  	v48 =	vld [tilespmem:s22+$0x1E4A0];
	v0 =	vadd.f32 v43, v0  }
0x500: {  	v49 =	vld.idx.msk [tilespmem:v40+s2+$0x0], $0xffff  }
0x501: {  	v50 =	vld [tilespmem:s22+$0x1E5A0];
	v0 =	vadd.f32 v45, v0  }
0x502: {  	v51 =	vld.idx.msk [tilespmem:v42+s2+$0x0], $0xffff  }
0x503: {  	v52 =	vld [tilespmem:s22+$0x1E6A0];
	v0 =	vadd.f32 v47, v0  }
0x504: {  	v53 =	vld.idx.msk [tilespmem:v44+s2+$0x0], $0xffff  }
0x505: {  	v54 =	vld [tilespmem:s22+$0x1E7A0];
	v0 =	vadd.f32 v49, v0  }
0x506: {  	v55 =	vld.idx.msk [tilespmem:v46+s2+$0x0], $0xffff  }
0x507: {  	v56 =	vld [tilespmem:s22+$0x1E8A0];
	v0 =	vadd.f32 v51, v0  }
0x508: {  	v57 =	vld.idx.msk [tilespmem:v48+s2+$0x0], $0xffff  }
0x509: {  	v58 =	vld [tilespmem:s22+$0x1E9A0];
	v0 =	vadd.f32 v53, v0  }
0x50a: {  	v59 =	vld.idx.msk [tilespmem:v50+s2+$0x0], $0xffff  }
0x50b: {  	v0 =	vadd.f32 v55, v0  }
0x50c: {  	v60 =	vld.idx.msk [tilespmem:v52+s2+$0x0], $0xffff  }
0x50d: {  	v0 =	vadd.f32 v57, v0  }
0x50e: {  	v61 =	vld.idx.msk [tilespmem:v54+s2+$0x0], $0xffff  }
0x50f: {  	v0 =	vadd.f32 v59, v0  }
0x510: {  	v62 =	vld.idx.msk [tilespmem:v56+s2+$0x0], $0xffff  }
0x511: {  	v0 =	vadd.f32 v60, v0  }
0x512: {  	v63 =	vld.idx.msk [tilespmem:v58+s2+$0x0], $0xffff  }
0x513: {  	v0 =	vadd.f32 v61, v0;
	_ =	sdelay $0x1  }
0x514: {  	v0 =	vadd.f32 v62, v0;
	_ =	sdelay $0x1  }
0x515: {  	v0 =	vadd.f32 v63, v0;
	_ =	sdelay $0x1  }
0x516: {  	s19 =	sadd.s32 $0x1, s19;
	v0 =	vmul.f32 $1.999999960e-02, v0  }
0x517: {  	p0 =	sne.s32 s19, s9  }
.Ltmp4:
0x518: {  	[tilespmem:s22+$0x1EDA0] =	vst v0;
	(pc) =	sbr.rel @p0 .LBB2_1-.Ltmp4, $4  }
0x519: {  	[hbm4b:s8+s2] =	stream.linear.scatter [tilespmem:s17], [sflag:$0x4], $0x400, $0x38;
	[tilespmem:$0x1EEA0] =	vst v63  }
0x51a: {  	_ =	swait.ge [sflag:s18], $0x400  }
0x51b: {  	[sflag:s18] =	ssyncset.done $0x0  }
0x51c: {  	[sflag:s18] =	ssyncadd.s32 $0xFFFFFC00  }
0x51d: {  	_ =	sfence.sel $0x180000  }
0x51e: {  	[bflag:$0x0] =	sbarrier.arrive $0xFFFF  }
0x51f: {  	p0 =	sne.s32 s1, $0x0;
	_ =	strace $0x90000047  }
0x520: {  	s0 =	sadd.s32 @!p0 $0x100000, s0;
	[bflag:$0x2] =	sbarrier.arrive $0xFFFF  }
0x521: {  	[sflag:s0] =	ssyncadd.tile.s32 @!p0 $0x1;
	_ =	shalt  }
.Lfunc_end2:
_tile_overlayer_lowered:
.L_overlay_start_2:
0x522: {  	(tag) =	ssettag $0x2  }
0x523: {  	s0 =	rddreg [dreg:$0x0];
	s2 =	stileid.u32  }
0x524: {  	s1 =	rddreg [dreg:$0x1];
	p0 =	sne.s32 s2, $0x0  }
0x525: {  	s3 =	rddreg [dreg:$0x2];
	[bflag:$0x3] =	sbarrier.arrive $0xFFFF;
	s2 =	simm.s32 @!p0 $0x1C04  }
0x526: {  	[timem:s3], [sflag:s2] =	dma.local @!p0 [hbm:s0], s1  }
0x527: {  	s0 =	simm.s32 @!p0 $0x4  }
0x528: {  	_ =	swait.ge @!p0 [sflag:s0], s1  }
0x529: {  	s1 =	ssub.s32 @!p0 $0x0, s1;
	[sflag:s0] =	ssyncset.done @!p0 $0x0  }
0x52a: {  	[sflag:s0] =	ssyncadd.s32 @!p0 s1  }
0x52b: {  	[bflag:$0x3] =	sbarrier.arrive $0xFFFF  }
0x52c: {  	_ =	shalt  }

</sc_bundles>
